<compile_context>
chip_gen: v7x
topology: tpu7x:2x2x1
jax: 0.10.2.dev20260603
libtpu: 0.0.44.dev20260713+nightly
codegen_flags: <defaults>
</compile_context>

<pallas_src>
import functools

import jax
import jax.numpy as jnp
from jax import lax
from jax.experimental import pallas as pl
from jax.experimental.pallas import tpu as pltpu
from jax.experimental.pallas import tpu_sc as plsc

_NC = 2
_NS = 16
_LANES = 16

_K = 80
_DEGW = 16


def _linear_body(xb, wc, b1r, a0, a1, b0, b1o, xr):
    y = jnp.dot(xb[...], wc[...], preferred_element_type=jnp.float32)
    a0[...] = y[:, 0:128] + b1r[:, 0:128]
    a1[...] = y[:, 128:256] + b1r[:, 128:256]
    b0[...] = y[:, 256:384]
    b1o[...] = y[:, 384:512]
    xr[...] = y[:, 512:768]


def _node_linear(x_pad, wcat, b1, npad, rb):
    grid = npad // rb
    f32 = jnp.float32
    outs = [
        jax.ShapeDtypeStruct((npad, 128), f32),
        jax.ShapeDtypeStruct((npad, 128), f32),
        jax.ShapeDtypeStruct((npad, 128), f32),
        jax.ShapeDtypeStruct((npad, 128), f32),
        jax.ShapeDtypeStruct((npad, 256), f32),
    ]
    half_spec = pl.BlockSpec((rb, 128), lambda i: (i, 0))
    full_spec = pl.BlockSpec((rb, 256), lambda i: (i, 0))
    return pl.pallas_call(
        _linear_body,
        grid=(grid,),
        in_specs=[
            pl.BlockSpec((rb, 256), lambda i: (i, 0)),
            pl.BlockSpec((256, 768), lambda i: (0, 0)),
            pl.BlockSpec((1, 256), lambda i: (0, 0)),
        ],
        out_specs=[half_spec, half_spec, half_spec, half_spec, full_spec],
        out_shape=outs,
    )(x_pad, wcat, b1.reshape(1, 256))


def _sc_edge_kernel(a0, a1, b0, b1, dstp, srcp, z, npad, ep):
    ec = ep // (_NC * _NS)
    nb = ec // _K
    rpt = npad // _NS
    f32 = jnp.float32

    def body(a0_h, a1_h, b0_h, b1_h, dst_h, src_h, z_h,
             s_out,
             dstw0, srcw0, bufa0, bufb0,
             dstw1, srcw1, bufa1, bufb1,
             s_sh,
             sa0, sb0, sa1, sb1, sc0, sc1):
        cid = lax.axis_index("c")
        sid = lax.axis_index("s")
        gid = cid * _NS + sid
        base = gid * ec
        sets = ((dstw0, srcw0, bufa0, bufb0, sa0, sb0, sc0),
                (dstw1, srcw1, bufa1, bufb1, sa1, sb1, sc1))

        for h in range(3):
            ah = a0_h if h == 0 else a1_h
            bh = b0_h if h == 0 else b1_h
            pltpu.sync_copy(z_h, s_sh.at[pl.ds(sid * rpt, rpt)])
            plsc.subcore_barrier()

            if h < 2:
                def fire(b, p):
                    dw, sw, ba, bb, sa, sb, _ = sets[p]
                    off = base + b * _K
                    pltpu.sync_copy(dst_h.at[pl.ds(off, _K)], dw)
                    pltpu.sync_copy(src_h.at[pl.ds(off, _K)], sw)
                    pltpu.async_copy(ah.at[dw], ba, sa)
                    pltpu.async_copy(bh.at[sw], bb, sb)

                fire(0, 0)

                def pair(g, c):
                    for p in range(2):
                        q = 1 - p
                        dw, sw, ba, bb, sa, sb, sc = sets[p]
                        dwq, swq, baq, bbq, saq, sbq, scq = sets[q]
                        b = 2 * g + p
                        pltpu.make_async_copy(ah.at[dw], ba, sa).wait()
                        pltpu.make_async_copy(bh.at[sw], bb, sb).wait()

                        @pl.when(b > 0)
                        def _drain_prev():
                            pltpu.make_async_copy(
                                baq, s_sh.at[dwq], scq).wait()

                        @pl.when(b + 1 < nb)
                        def _stage_next():
                            fire(b + 1, q)

                        @plsc.parallel_loop(0, _K, step=1, unroll=4)
                        def row(r):
                            for cc in range(128 // _LANES):
                                av = ba[r, pl.ds(cc * _LANES, _LANES)]
                                bv = bb[r, pl.ds(cc * _LANES, _LANES)]
                                ba[r, pl.ds(cc * _LANES, _LANES)] = (
                                    jnp.maximum(av + bv, 0.0))

                        pltpu.async_copy(ba, s_sh.at[dw], sc, add=True)
                    return c
                lax.fori_loop(0, nb // 2, pair, 0)
                pltpu.make_async_copy(bufa1, s_sh.at[dstw1], sc1).wait()
            else:
                bufa = bufa0

                def fill_ones(r, c):
                    for cc in range(128 // _LANES):
                        bufa[r, pl.ds(cc * _LANES, _LANES)] = jnp.full(
                            (_LANES,), 1.0, f32)
                    return c
                lax.fori_loop(0, _K, fill_ones, 0)

                def dpair(g, c):
                    for p in range(2):
                        dw = sets[p][0]
                        sc = sets[p][6]
                        b = 2 * g + p

                        @pl.when(b > 1)
                        def _drain_same():
                            pltpu.make_async_copy(
                                bufa, s_sh.at[dw], sc).wait()

                        off = base + b * _K
                        pltpu.sync_copy(dst_h.at[pl.ds(off, _K)], dw)
                        pltpu.async_copy(bufa, s_sh.at[dw], sc, add=True)
                    return c
                lax.fori_loop(0, nb // 2, dpair, 0)
                pltpu.make_async_copy(bufa, s_sh.at[dstw0], sc0).wait()
                pltpu.make_async_copy(bufa, s_sh.at[dstw1], sc1).wait()

            plsc.subcore_barrier()
            pltpu.sync_copy(s_sh.at[pl.ds(sid * rpt, rpt)],
                            s_out.at[cid, h, pl.ds(sid * rpt, rpt)])
            plsc.subcore_barrier()

    mesh = plsc.VectorSubcoreMesh(core_axis_name="c", subcore_axis_name="s")
    kern = pl.kernel(
        body,
        out_type=jax.ShapeDtypeStruct((_NC, 3, npad, 128), f32),
        mesh=mesh,
        scratch_types=[
            pltpu.VMEM((_K,), jnp.int32),
            pltpu.VMEM((_K,), jnp.int32),
            pltpu.VMEM((_K, 128), f32),
            pltpu.VMEM((_K, 128), f32),
            pltpu.VMEM((_K,), jnp.int32),
            pltpu.VMEM((_K,), jnp.int32),
            pltpu.VMEM((_K, 128), f32),
            pltpu.VMEM((_K, 128), f32),
            pltpu.VMEM_SHARED((npad, 128), f32),
            pltpu.SemaphoreType.DMA,
            pltpu.SemaphoreType.DMA,
            pltpu.SemaphoreType.DMA,
            pltpu.SemaphoreType.DMA,
            pltpu.SemaphoreType.DMA,
            pltpu.SemaphoreType.DMA,
        ],
    )
    return kern(a0, a1, b0, b1, dstp, srcp, z)


def _agg_body(nblk, s_ref, xr_ref, w2_ref, b2r, p_ref, stats_ref,
              acc_ref):
    i = pl.program_id(0)
    sh0 = s_ref[0, 0] + s_ref[1, 0]
    sh1 = s_ref[0, 1] + s_ref[1, 1]
    p = jnp.dot(sh0, w2_ref[0:128, :], preferred_element_type=jnp.float32)
    p += jnp.dot(sh1, w2_ref[128:256, :], preferred_element_type=jnp.float32)
    dcol = s_ref[0, 2, :, 0:1] + s_ref[1, 2, :, 0:1]
    p = p + dcol * b2r[...] + xr_ref[...]
    p_ref[...] = p

    @pl.when(i == 0)
    def _init():
        acc_ref[...] = jnp.zeros_like(acc_ref)

    acc_ref[0:1, :] += jnp.sum(p, axis=0, keepdims=True)
    acc_ref[1:2, :] += jnp.sum(p * p, axis=0, keepdims=True)
    stats_ref[...] = acc_ref[...]


def _epilogue_a(s_out, xr, w2, b2, n, npad, rb):
    grid = n // rb
    f32 = jnp.float32
    return pl.pallas_call(
        functools.partial(_agg_body, grid),
        grid=(grid,),
        in_specs=[
            pl.BlockSpec((_NC, 3, rb, 128), lambda i: (0, 0, i, 0)),
            pl.BlockSpec((rb, 256), lambda i: (i, 0)),
            pl.BlockSpec((256, 256), lambda i: (0, 0)),
            pl.BlockSpec((1, 256), lambda i: (0, 0)),
        ],
        out_specs=[
            pl.BlockSpec((rb, 256), lambda i: (i, 0)),
            pl.BlockSpec((8, 256), lambda i: (0, 0)),
        ],
        out_shape=[
            jax.ShapeDtypeStruct((n, 256), f32),
            jax.ShapeDtypeStruct((8, 256), f32),
        ],
        scratch_shapes=[pltpu.VMEM((8, 256), f32)],
    )(s_out, xr, w2, b2.reshape(1, 256))


def _bn_body(n, p_ref, stats_ref, g_ref, be_ref, o_ref):
    inv_n = 1.0 / n
    mean = stats_ref[0:1, :] * inv_n
    ex2 = stats_ref[1:2, :] * inv_n
    var = ex2 - mean * mean
    rstd = lax.rsqrt(var + 1e-5)
    o_ref[...] = jnp.maximum(
        (p_ref[...] - mean) * rstd * g_ref[...] + be_ref[...], 0.0)


def _epilogue_b(p, stats, gamma, beta, n, rb):
    return pl.pallas_call(
        functools.partial(_bn_body, float(n)),
        grid=(n // rb,),
        in_specs=[
            pl.BlockSpec((rb, 256), lambda i: (i, 0)),
            pl.BlockSpec((8, 256), lambda i: (0, 0)),
            pl.BlockSpec((1, 256), lambda i: (0, 0)),
            pl.BlockSpec((1, 256), lambda i: (0, 0)),
        ],
        out_specs=pl.BlockSpec((rb, 256), lambda i: (i, 0)),
        out_shape=jax.ShapeDtypeStruct((n, 256), jnp.float32),
    )(p, stats, gamma.reshape(1, 256), beta.reshape(1, 256))


def kernel(x, edge_index, edge_attr, batch, W1, b1, W2, b2, W_root, gamma,
           beta):
    n, c = x.shape
    e = edge_index.shape[1]
    npad = 10240
    unit = 32 * 2 * _K
    ep = ((e + unit - 1) // unit) * unit
    dummy = n

    src = edge_index[0]
    dst = edge_index[1]
    pad_e = ep - e
    dstp = jnp.concatenate([dst, jnp.full((pad_e,), dummy, jnp.int32)])
    srcp = jnp.concatenate([src, jnp.full((pad_e,), dummy, jnp.int32)])
    x_pad = jnp.pad(x, ((0, npad - n), (0, 0)))

    wcat = jnp.concatenate([W1[:c], W1[c:], W_root], axis=1)

    a0, a1, b0, b1v, xr = _node_linear(x_pad, wcat, b1, npad, 1024)

    rpt = npad // _NS
    z = jnp.zeros((rpt, 128), jnp.float32)
    s_out = _sc_edge_kernel(a0, a1, b0, b1v, dstp, srcp, z, npad, ep)

    p, stats = _epilogue_a(s_out, xr[:n], W2, b2, n, npad, 1000)
    out = _epilogue_b(p, stats, gamma, beta, n, 1000)
    return (out, edge_index, edge_attr, batch)

# --- scband reference (transcript-rebuilt; emitter-appended) ---
"""Pipeline reference for scband-node-feats-conv-nn-82798379532677 (READ-ONLY COPY).

The authoritative reference and input builder live on the scoring server;
editing this copy changes nothing except your own understanding.
"""

import jax, jax.numpy as jnp
import numpy as np

N_NODES = 10000
N_EDGES = 160000
IN_C = 256
OUT_C = 256
D_EDGE = 16


def setup_inputs(seed: int = 0) -> dict:
    key = jax.random.key(seed)
    ks = jax.random.split(key, 12)
    x = jax.random.normal(ks[0], (N_NODES, IN_C), dtype=jnp.float32)
    edge_index = jax.random.randint(ks[1], (2, N_EDGES), 0, N_NODES, dtype=jnp.int32)
    edge_attr = jax.random.normal(ks[2], (N_EDGES, D_EDGE), dtype=jnp.float32)
    batch = jnp.zeros((N_NODES,), dtype=jnp.int32)
    # mlp = Linear(2*in_c, out_c) -> ReLU -> Linear(out_c, out_c)
    W1 = jax.random.normal(ks[3], (2 * IN_C, OUT_C), dtype=jnp.float32) / np.sqrt(2 * IN_C)
    b1 = jnp.zeros((OUT_C,), dtype=jnp.float32)
    W2 = jax.random.normal(ks[4], (OUT_C, OUT_C), dtype=jnp.float32) / np.sqrt(OUT_C)
    b2 = jnp.zeros((OUT_C,), dtype=jnp.float32)
    # root weight linear (root_weight=True)
    W_root = jax.random.normal(ks[5], (IN_C, OUT_C), dtype=jnp.float32) / np.sqrt(IN_C)
    # BatchNorm1d params
    gamma = jnp.ones((OUT_C,), dtype=jnp.float32)
    beta = jnp.zeros((OUT_C,), dtype=jnp.float32)
    return {"x": x, "edge_index": edge_index, "edge_attr": edge_attr, "batch": batch,
            "W1": W1, "b1": b1, "W2": W2, "b2": b2, "W_root": W_root,
            "gamma": gamma, "beta": beta}


def reference(x, edge_index, edge_attr, batch, W1, b1, W2, b2, W_root, gamma, beta):
    # NodeFeatsConv: per-edge message m_ij = mlp(cat[x_dst, x_src]), sum-aggregated at dst,
    # plus root-weight term x @ W_root (root_weight=True). dropout=False, dynamic=False.
    src = edge_index[0]
    dst = edge_index[1]
    h = jnp.concatenate([jnp.take(x, dst, axis=0), jnp.take(x, src, axis=0)], axis=-1)  # [E, 2*in_c]
    m = jnp.maximum(h @ W1 + b1, 0.0) @ W2 + b2  # [E, out_c]
    agg = jax.ops.segment_sum(m, dst, num_segments=x.shape[0])  # [N, out_c]
    out = agg + x @ W_root
    # BatchNorm1d (training-mode batch statistics)
    mean = jnp.mean(out, axis=0)
    var = jnp.var(out, axis=0)
    out = (out - mean) / jnp.sqrt(var + 1e-5) * gamma + beta
    # activation (ReLU)
    out = jnp.maximum(out, 0.0)
    return (out, edge_index, edge_attr, batch)

if __name__ == "__main__":
    import jax
    _d = setup_inputs()
    print(jax.jit(kernel)(*tuple(_d.values())))

</pallas_src>

<mosaic_0001>
#map = affine_map<(d0, d1) -> (0, 0)>
#map1 = affine_map<(d0, d1) -> (0)>
#map2 = affine_map<(d0, d1) -> (0, 0, 0, 0)>
module attributes {stable_mosaic.version = 14 : i64} {
  func.func @body(%arg0: i32, %arg1: i32, %arg2: memref<10240x128xf32, #tpu.memory_space<hbm>>, %arg3: memref<10240x128xf32, #tpu.memory_space<hbm>>, %arg4: memref<10240x128xf32, #tpu.memory_space<hbm>>, %arg5: memref<10240x128xf32, #tpu.memory_space<hbm>>, %arg6: memref<163840xi32, #tpu.memory_space<hbm>>, %arg7: memref<163840xi32, #tpu.memory_space<hbm>>, %arg8: memref<640x128xf32, #tpu.memory_space<hbm>>, %arg9: memref<2x3x10240x128xf32, #tpu.memory_space<hbm>>, %arg10: memref<80xi32, #tpu.memory_space<vmem>>, %arg11: memref<80xi32, #tpu.memory_space<vmem>>, %arg12: memref<80x128xf32, #tpu.memory_space<vmem>>, %arg13: memref<80x128xf32, #tpu.memory_space<vmem>>, %arg14: memref<80xi32, #tpu.memory_space<vmem>>, %arg15: memref<80xi32, #tpu.memory_space<vmem>>, %arg16: memref<80x128xf32, #tpu.memory_space<vmem>>, %arg17: memref<80x128xf32, #tpu.memory_space<vmem>>, %arg18: memref<10240x128xf32, #tpu.memory_space<vmem_shared>>, %arg19: memref<!tpu.dma_semaphore, #tpu.memory_space<semaphore_mem>>, %arg20: memref<!tpu.dma_semaphore, #tpu.memory_space<semaphore_mem>>, %arg21: memref<!tpu.dma_semaphore, #tpu.memory_space<semaphore_mem>>, %arg22: memref<!tpu.dma_semaphore, #tpu.memory_space<semaphore_mem>>, %arg23: memref<!tpu.dma_semaphore, #tpu.memory_space<semaphore_mem>>, %arg24: memref<!tpu.dma_semaphore, #tpu.memory_space<semaphore_mem>>) attributes {dimension_semantics = [#tpu.dimension_semantics<core_parallel>, #tpu.dimension_semantics<subcore_parallel>], iteration_bounds = array<i64: 2, 16>, scalar_prefetch = 0 : i64, scratch_operands = 15 : i64, tpu.core_type = #tpu.core_type<sc_vector_subcore>, window_params = [{transform_indices = #map}, {transform_indices = #map}, {transform_indices = #map}, {transform_indices = #map}, {transform_indices = #map1}, {transform_indices = #map1}, {transform_indices = #map}, {transform_indices = #map2}]} {
    %mul3A = arith.constant 16 : i32
    %mul3A_0 = arith.muli %arg0, %mul3A : i32
    %add3A = arith.addi %mul3A_0, %arg1 : i32
    %mul3A_1 = arith.constant 5120 : i32
    %mul3A_2 = arith.muli %add3A, %mul3A_1 : i32
    %mul3A_3 = arith.constant 640 : i32
    %mul3A_4 = arith.muli %arg1, %mul3A_3 : i32
    "tpu.region"() ({
      %run_scoped3A_80 = tpu.sem_alloc : memref<!tpu.dma_semaphore, #tpu.memory_space<semaphore_mem>>
      %dma_start3A_81 = arith.constant 0 : i32
      %dma_start3A_82 = tpu.memref_slice %arg18[%mul3A_4, %dma_start3A_81] : memref<10240x128xf32, #tpu.memory_space<vmem_shared>> -> memref<640x128xf32, #tpu.memory_space<vmem_shared>>
      tpu.enqueue_dma source(%arg8 : memref<640x128xf32, #tpu.memory_space<hbm>>) target(%dma_start3A_82 : memref<640x128xf32, #tpu.memory_space<vmem_shared>>) target_semaphore(%run_scoped3A_80 : memref<!tpu.dma_semaphore, #tpu.memory_space<semaphore_mem>>)
      %dma_wait3A_83 = arith.constant 0 : i32
      %dma_wait3A_84 = tpu.memref_slice %arg18[%mul3A_4, %dma_wait3A_83] : memref<10240x128xf32, #tpu.memory_space<vmem_shared>> -> memref<640x128xf32, #tpu.memory_space<vmem_shared>>
      tpu.wait_dma2 semaphore(%run_scoped3A_80 : memref<!tpu.dma_semaphore, #tpu.memory_space<semaphore_mem>>) src(%arg8 : memref<640x128xf32, #tpu.memory_space<hbm>>) dst(%dma_wait3A_84 : memref<640x128xf32, #tpu.memory_space<vmem_shared>>)
      tpu.yield
    }) : () -> ()
    %barrier3A = arith.constant 0 : index
    tpu.barrier barrier_id(%barrier3A)
    %add3A_5 = arith.constant 0 : i32
    %add3A_6 = arith.addi %mul3A_2, %add3A_5 : i32
    "tpu.region"() ({
      %run_scoped3A_80 = tpu.sem_alloc : memref<!tpu.dma_semaphore, #tpu.memory_space<semaphore_mem>>
      %dma_start3A_81 = tpu.memref_slice %arg6[%add3A_6] : memref<163840xi32, #tpu.memory_space<hbm>> -> memref<80xi32, #tpu.memory_space<hbm>>
      %dma_start3A_82 = tpu.memref_slice %arg6[%add3A_6] : memref<163840xi32, #tpu.memory_space<hbm>> -> memref<80xi32, #tpu.memory_space<hbm>>
      tpu.enqueue_dma source(%dma_start3A_82 : memref<80xi32, #tpu.memory_space<hbm>>) target(%arg10 : memref<80xi32, #tpu.memory_space<vmem>>) target_semaphore(%run_scoped3A_80 : memref<!tpu.dma_semaphore, #tpu.memory_space<semaphore_mem>>)
      %dma_wait3A_83 = tpu.memref_slice %arg6[%add3A_6] : memref<163840xi32, #tpu.memory_space<hbm>> -> memref<80xi32, #tpu.memory_space<hbm>>
      %dma_wait3A_84 = tpu.memref_slice %arg6[%add3A_6] : memref<163840xi32, #tpu.memory_space<hbm>> -> memref<80xi32, #tpu.memory_space<hbm>>
      tpu.wait_dma2 semaphore(%run_scoped3A_80 : memref<!tpu.dma_semaphore, #tpu.memory_space<semaphore_mem>>) src(%dma_wait3A_84 : memref<80xi32, #tpu.memory_space<hbm>>) dst(%arg10 : memref<80xi32, #tpu.memory_space<vmem>>)
      tpu.yield
    }) : () -> ()
    "tpu.region"() ({
      %run_scoped3A_80 = tpu.sem_alloc : memref<!tpu.dma_semaphore, #tpu.memory_space<semaphore_mem>>
      %dma_start3A_81 = tpu.memref_slice %arg7[%add3A_6] : memref<163840xi32, #tpu.memory_space<hbm>> -> memref<80xi32, #tpu.memory_space<hbm>>
      %dma_start3A_82 = tpu.memref_slice %arg7[%add3A_6] : memref<163840xi32, #tpu.memory_space<hbm>> -> memref<80xi32, #tpu.memory_space<hbm>>
      tpu.enqueue_dma source(%dma_start3A_82 : memref<80xi32, #tpu.memory_space<hbm>>) target(%arg11 : memref<80xi32, #tpu.memory_space<vmem>>) target_semaphore(%run_scoped3A_80 : memref<!tpu.dma_semaphore, #tpu.memory_space<semaphore_mem>>)
      %dma_wait3A_83 = tpu.memref_slice %arg7[%add3A_6] : memref<163840xi32, #tpu.memory_space<hbm>> -> memref<80xi32, #tpu.memory_space<hbm>>
      %dma_wait3A_84 = tpu.memref_slice %arg7[%add3A_6] : memref<163840xi32, #tpu.memory_space<hbm>> -> memref<80xi32, #tpu.memory_space<hbm>>
      tpu.wait_dma2 semaphore(%run_scoped3A_80 : memref<!tpu.dma_semaphore, #tpu.memory_space<semaphore_mem>>) src(%dma_wait3A_84 : memref<80xi32, #tpu.memory_space<hbm>>) dst(%arg11 : memref<80xi32, #tpu.memory_space<vmem>>)
      tpu.yield
    }) : () -> ()
    %dma_start3A = arith.constant 0 : i32
    %dma_start3A_7 = arith.constant 0 : i32
    %dma_start3A_8 = tpu.memref_slice %arg2[%dma_start3A, %dma_start3A_7] : memref<10240x128xf32, #tpu.memory_space<hbm>> -> memref<10240x128xf32, #tpu.memory_space<hbm>>
    tpu.enqueue_indirect_dma source(%dma_start3A_8 : memref<10240x128xf32, #tpu.memory_space<hbm>>) target(%arg12 : memref<80x128xf32, #tpu.memory_space<vmem>>) offsets(%arg10 : memref<80xi32, #tpu.memory_space<vmem>>) semaphore(%arg19 : memref<!tpu.dma_semaphore, #tpu.memory_space<semaphore_mem>>)
    %dma_start3A_9 = arith.constant 0 : i32
    %dma_start3A_10 = arith.constant 0 : i32
    %dma_start3A_11 = tpu.memref_slice %arg4[%dma_start3A_9, %dma_start3A_10] : memref<10240x128xf32, #tpu.memory_space<hbm>> -> memref<10240x128xf32, #tpu.memory_space<hbm>>
    tpu.enqueue_indirect_dma source(%dma_start3A_11 : memref<10240x128xf32, #tpu.memory_space<hbm>>) target(%arg13 : memref<80x128xf32, #tpu.memory_space<vmem>>) offsets(%arg11 : memref<80xi32, #tpu.memory_space<vmem>>) semaphore(%arg20 : memref<!tpu.dma_semaphore, #tpu.memory_space<semaphore_mem>>)
    %scan3A = arith.constant 0 : i32
    %scan3A_12 = arith.constant 0 : i32
    %scan3A_13 = arith.constant 32 : i32
    %scan3A_14 = arith.addi %scan3A_12, %scan3A_13 : i32
    %scan3A_15 = arith.constant 1 : i32
    scf.for %scan3A_80 = %scan3A_12 to %scan3A_14 step %scan3A_15  : i32 {
      %mul3A_81 = arith.constant 2 : i32
      %mul3A_82 = arith.muli %mul3A_81, %scan3A_80 : i32
      %add3A_83 = arith.constant 0 : i32
      %add3A_84 = arith.addi %mul3A_82, %add3A_83 : i32
      %dma_wait3A_85 = arith.constant 0 : i32
      %dma_wait3A_86 = arith.constant 0 : i32
      %dma_wait3A_87 = tpu.memref_slice %arg2[%dma_wait3A_85, %dma_wait3A_86] : memref<10240x128xf32, #tpu.memory_space<hbm>> -> memref<10240x128xf32, #tpu.memory_space<hbm>>
      tpu.wait_indirect_dma semaphore(%arg19 : memref<!tpu.dma_semaphore, #tpu.memory_space<semaphore_mem>>) src(%dma_wait3A_87 : memref<10240x128xf32, #tpu.memory_space<hbm>>) dst(%arg12 : memref<80x128xf32, #tpu.memory_space<vmem>>)
      %dma_wait3A_88 = arith.constant 0 : i32
      %dma_wait3A_89 = arith.constant 0 : i32
      %dma_wait3A_90 = tpu.memref_slice %arg4[%dma_wait3A_88, %dma_wait3A_89] : memref<10240x128xf32, #tpu.memory_space<hbm>> -> memref<10240x128xf32, #tpu.memory_space<hbm>>
      tpu.wait_indirect_dma semaphore(%arg20 : memref<!tpu.dma_semaphore, #tpu.memory_space<semaphore_mem>>) src(%dma_wait3A_90 : memref<10240x128xf32, #tpu.memory_space<hbm>>) dst(%arg13 : memref<80x128xf32, #tpu.memory_space<vmem>>)
      %gt3A = arith.constant 0 : i32
      %gt3A_91 = arith.cmpi sgt, %add3A_84, %gt3A : i32
      %convert_element_type3A = arith.extui %gt3A_91 : i1 to i32
      %cond3A = arith.constant 0 : i32
      %cond3A_92 = arith.cmpi ne, %convert_element_type3A, %cond3A : i32
      scf.if %cond3A_92 {
        %dma_wait3A_132 = arith.constant 0 : i32
        %dma_wait3A_133 = arith.constant 0 : i32
        %dma_wait3A_134 = tpu.memref_slice %arg18[%dma_wait3A_132, %dma_wait3A_133] : memref<10240x128xf32, #tpu.memory_space<vmem_shared>> -> memref<10240x128xf32, #tpu.memory_space<vmem_shared>>
        tpu.wait_indirect_dma semaphore(%arg24 : memref<!tpu.dma_semaphore, #tpu.memory_space<semaphore_mem>>) src(%arg16 : memref<80x128xf32, #tpu.memory_space<vmem>>) dst(%dma_wait3A_134 : memref<10240x128xf32, #tpu.memory_space<vmem_shared>>)
      } else {
      }
      %add3A_93 = arith.constant 1 : i32
      %add3A_94 = arith.addi %add3A_84, %add3A_93 : i32
      %lt3A = arith.constant 64 : i32
      %lt3A_95 = arith.cmpi slt, %add3A_94, %lt3A : i32
      %convert_element_type3A_96 = arith.extui %lt3A_95 : i1 to i32
      %cond3A_97 = arith.constant 0 : i32
      %cond3A_98 = arith.cmpi ne, %convert_element_type3A_96, %cond3A_97 : i32
      scf.if %cond3A_98 {
        %add3A_132 = arith.constant 1 : i32
        %add3A_133 = arith.addi %add3A_84, %add3A_132 : i32
        %mul3A_134 = arith.constant 80 : i32
        %mul3A_135 = arith.muli %add3A_133, %mul3A_134 : i32
        %add3A_136 = arith.addi %mul3A_2, %mul3A_135 : i32
        "tpu.region"() ({
          %run_scoped3A_143 = tpu.sem_alloc : memref<!tpu.dma_semaphore, #tpu.memory_space<semaphore_mem>>
          %dma_start3A_144 = tpu.memref_slice %arg6[%add3A_136] : memref<163840xi32, #tpu.memory_space<hbm>> -> memref<80xi32, #tpu.memory_space<hbm>>
          %dma_start3A_145 = tpu.memref_slice %arg6[%add3A_136] : memref<163840xi32, #tpu.memory_space<hbm>> -> memref<80xi32, #tpu.memory_space<hbm>>
          tpu.enqueue_dma source(%dma_start3A_145 : memref<80xi32, #tpu.memory_space<hbm>>) target(%arg14 : memref<80xi32, #tpu.memory_space<vmem>>) target_semaphore(%run_scoped3A_143 : memref<!tpu.dma_semaphore, #tpu.memory_space<semaphore_mem>>)
          %dma_wait3A_146 = tpu.memref_slice %arg6[%add3A_136] : memref<163840xi32, #tpu.memory_space<hbm>> -> memref<80xi32, #tpu.memory_space<hbm>>
          %dma_wait3A_147 = tpu.memref_slice %arg6[%add3A_136] : memref<163840xi32, #tpu.memory_space<hbm>> -> memref<80xi32, #tpu.memory_space<hbm>>
          tpu.wait_dma2 semaphore(%run_scoped3A_143 : memref<!tpu.dma_semaphore, #tpu.memory_space<semaphore_mem>>) src(%dma_wait3A_147 : memref<80xi32, #tpu.memory_space<hbm>>) dst(%arg14 : memref<80xi32, #tpu.memory_space<vmem>>)
          tpu.yield
        }) : () -> ()
        "tpu.region"() ({
          %run_scoped3A_143 = tpu.sem_alloc : memref<!tpu.dma_semaphore, #tpu.memory_space<semaphore_mem>>
          %dma_start3A_144 = tpu.memref_slice %arg7[%add3A_136] : memref<163840xi32, #tpu.memory_space<hbm>> -> memref<80xi32, #tpu.memory_space<hbm>>
          %dma_start3A_145 = tpu.memref_slice %arg7[%add3A_136] : memref<163840xi32, #tpu.memory_space<hbm>> -> memref<80xi32, #tpu.memory_space<hbm>>
          tpu.enqueue_dma source(%dma_start3A_145 : memref<80xi32, #tpu.memory_space<hbm>>) target(%arg15 : memref<80xi32, #tpu.memory_space<vmem>>) target_semaphore(%run_scoped3A_143 : memref<!tpu.dma_semaphore, #tpu.memory_space<semaphore_mem>>)
          %dma_wait3A_146 = tpu.memref_slice %arg7[%add3A_136] : memref<163840xi32, #tpu.memory_space<hbm>> -> memref<80xi32, #tpu.memory_space<hbm>>
          %dma_wait3A_147 = tpu.memref_slice %arg7[%add3A_136] : memref<163840xi32, #tpu.memory_space<hbm>> -> memref<80xi32, #tpu.memory_space<hbm>>
          tpu.wait_dma2 semaphore(%run_scoped3A_143 : memref<!tpu.dma_semaphore, #tpu.memory_space<semaphore_mem>>) src(%dma_wait3A_147 : memref<80xi32, #tpu.memory_space<hbm>>) dst(%arg15 : memref<80xi32, #tpu.memory_space<vmem>>)
          tpu.yield
        }) : () -> ()
        %dma_start3A_137 = arith.constant 0 : i32
        %dma_start3A_138 = arith.constant 0 : i32
        %dma_start3A_139 = tpu.memref_slice %arg2[%dma_start3A_137, %dma_start3A_138] : memref<10240x128xf32, #tpu.memory_space<hbm>> -> memref<10240x128xf32, #tpu.memory_space<hbm>>
        tpu.enqueue_indirect_dma source(%dma_start3A_139 : memref<10240x128xf32, #tpu.memory_space<hbm>>) target(%arg16 : memref<80x128xf32, #tpu.memory_space<vmem>>) offsets(%arg14 : memref<80xi32, #tpu.memory_space<vmem>>) semaphore(%arg21 : memref<!tpu.dma_semaphore, #tpu.memory_space<semaphore_mem>>)
        %dma_start3A_140 = arith.constant 0 : i32
        %dma_start3A_141 = arith.constant 0 : i32
        %dma_start3A_142 = tpu.memref_slice %arg4[%dma_start3A_140, %dma_start3A_141] : memref<10240x128xf32, #tpu.memory_space<hbm>> -> memref<10240x128xf32, #tpu.memory_space<hbm>>
        tpu.enqueue_indirect_dma source(%dma_start3A_142 : memref<10240x128xf32, #tpu.memory_space<hbm>>) target(%arg17 : memref<80x128xf32, #tpu.memory_space<vmem>>) offsets(%arg15 : memref<80xi32, #tpu.memory_space<vmem>>) semaphore(%arg22 : memref<!tpu.dma_semaphore, #tpu.memory_space<semaphore_mem>>)
      } else {
      }
      %parallel_loop3A = arith.constant 0 : i32
      %parallel_loop3A_99 = arith.constant 80 : i32
      %parallel_loop3A_100 = arith.constant 1 : i32
      scf.for %parallel_loop3A_132 = %parallel_loop3A to %parallel_loop3A_99 step %parallel_loop3A_100  : i32 {
        %parallel_loop3A_133 = arith.index_cast %parallel_loop3A_132 : i32 to index
        %parallel_loop3A_134 = arith.constant 0 : index
        %parallel_loop3A_135 = tpu.vector_load %arg12[%parallel_loop3A_133, %parallel_loop3A_134] {strides = array<i32>} : memref<80x128xf32, #tpu.memory_space<vmem>>, vector<1x16xf32>,
        %parallel_loop3A_136 = vector.shape_cast %parallel_loop3A_135 : vector<1x16xf32> to vector<16xf32>
        %parallel_loop3A_137 = arith.index_cast %parallel_loop3A_132 : i32 to index
        %parallel_loop3A_138 = arith.constant 0 : index
        %parallel_loop3A_139 = tpu.vector_load %arg13[%parallel_loop3A_137, %parallel_loop3A_138] {strides = array<i32>} : memref<80x128xf32, #tpu.memory_space<vmem>>, vector<1x16xf32>,
        %parallel_loop3A_140 = vector.shape_cast %parallel_loop3A_139 : vector<1x16xf32> to vector<16xf32>
        %parallel_loop3A_141 = arith.addf %parallel_loop3A_136, %parallel_loop3A_140 : vector<16xf32>
        %parallel_loop3A_142 = arith.constant 0.000000e+00 : f32
        %parallel_loop3A_143 = vector.broadcast %parallel_loop3A_142 : f32 to vector<16xf32>
        %parallel_loop3A_144 = arith.maximumf %parallel_loop3A_141, %parallel_loop3A_143 : vector<16xf32>
        %parallel_loop3A_145 = arith.index_cast %parallel_loop3A_132 : i32 to index
        %parallel_loop3A_146 = arith.constant 0 : index
        %parallel_loop3A_147 = tpu.vector_load %arg12[%parallel_loop3A_145, %parallel_loop3A_146] {strides = array<i32>} : memref<80x128xf32, #tpu.memory_space<vmem>>, vector<1x16xf32>,
        %parallel_loop3A_148 = vector.shape_cast %parallel_loop3A_147 : vector<1x16xf32> to vector<16xf32>
        %parallel_loop3A_149 = vector.shape_cast %parallel_loop3A_144 : vector<16xf32> to vector<1x16xf32>
        tpu.vector_store %arg12[%parallel_loop3A_145, %parallel_loop3A_146], %parallel_loop3A_149 {strides = array<i32>} : memref<80x128xf32, #tpu.memory_space<vmem>>, vector<1x16xf32>,
        %parallel_loop3A_150 = arith.index_cast %parallel_loop3A_132 : i32 to index
        %parallel_loop3A_151 = arith.constant 16 : index
        %parallel_loop3A_152 = tpu.vector_load %arg12[%parallel_loop3A_150, %parallel_loop3A_151] {strides = array<i32>} : memref<80x128xf32, #tpu.memory_space<vmem>>, vector<1x16xf32>,
        %parallel_loop3A_153 = vector.shape_cast %parallel_loop3A_152 : vector<1x16xf32> to vector<16xf32>
        %parallel_loop3A_154 = arith.index_cast %parallel_loop3A_132 : i32 to index
        %parallel_loop3A_155 = arith.constant 16 : index
        %parallel_loop3A_156 = tpu.vector_load %arg13[%parallel_loop3A_154, %parallel_loop3A_155] {strides = array<i32>} : memref<80x128xf32, #tpu.memory_space<vmem>>, vector<1x16xf32>,
        %parallel_loop3A_157 = vector.shape_cast %parallel_loop3A_156 : vector<1x16xf32> to vector<16xf32>
        %parallel_loop3A_158 = arith.addf %parallel_loop3A_153, %parallel_loop3A_157 : vector<16xf32>
        %parallel_loop3A_159 = arith.constant 0.000000e+00 : f32
        %parallel_loop3A_160 = vector.broadcast %parallel_loop3A_159 : f32 to vector<16xf32>
        %parallel_loop3A_161 = arith.maximumf %parallel_loop3A_158, %parallel_loop3A_160 : vector<16xf32>
        %parallel_loop3A_162 = arith.index_cast %parallel_loop3A_132 : i32 to index
        %parallel_loop3A_163 = arith.constant 16 : index
        %parallel_loop3A_164 = tpu.vector_load %arg12[%parallel_loop3A_162, %parallel_loop3A_163] {strides = array<i32>} : memref<80x128xf32, #tpu.memory_space<vmem>>, vector<1x16xf32>,
        %parallel_loop3A_165 = vector.shape_cast %parallel_loop3A_164 : vector<1x16xf32> to vector<16xf32>
        %parallel_loop3A_166 = vector.shape_cast %parallel_loop3A_161 : vector<16xf32> to vector<1x16xf32>
        tpu.vector_store %arg12[%parallel_loop3A_162, %parallel_loop3A_163], %parallel_loop3A_166 {strides = array<i32>} : memref<80x128xf32, #tpu.memory_space<vmem>>, vector<1x16xf32>,
        %parallel_loop3A_167 = arith.index_cast %parallel_loop3A_132 : i32 to index
        %parallel_loop3A_168 = arith.constant 32 : index
        %parallel_loop3A_169 = tpu.vector_load %arg12[%parallel_loop3A_167, %parallel_loop3A_168] {strides = array<i32>} : memref<80x128xf32, #tpu.memory_space<vmem>>, vector<1x16xf32>,
        %parallel_loop3A_170 = vector.shape_cast %parallel_loop3A_169 : vector<1x16xf32> to vector<16xf32>
        %parallel_loop3A_171 = arith.index_cast %parallel_loop3A_132 : i32 to index
        %parallel_loop3A_172 = arith.constant 32 : index
        %parallel_loop3A_173 = tpu.vector_load %arg13[%parallel_loop3A_171, %parallel_loop3A_172] {strides = array<i32>} : memref<80x128xf32, #tpu.memory_space<vmem>>, vector<1x16xf32>,
        %parallel_loop3A_174 = vector.shape_cast %parallel_loop3A_173 : vector<1x16xf32> to vector<16xf32>
        %parallel_loop3A_175 = arith.addf %parallel_loop3A_170, %parallel_loop3A_174 : vector<16xf32>
        %parallel_loop3A_176 = arith.constant 0.000000e+00 : f32
        %parallel_loop3A_177 = vector.broadcast %parallel_loop3A_176 : f32 to vector<16xf32>
        %parallel_loop3A_178 = arith.maximumf %parallel_loop3A_175, %parallel_loop3A_177 : vector<16xf32>
        %parallel_loop3A_179 = arith.index_cast %parallel_loop3A_132 : i32 to index
        %parallel_loop3A_180 = arith.constant 32 : index
        %parallel_loop3A_181 = tpu.vector_load %arg12[%parallel_loop3A_179, %parallel_loop3A_180] {strides = array<i32>} : memref<80x128xf32, #tpu.memory_space<vmem>>, vector<1x16xf32>,
        %parallel_loop3A_182 = vector.shape_cast %parallel_loop3A_181 : vector<1x16xf32> to vector<16xf32>
        %parallel_loop3A_183 = vector.shape_cast %parallel_loop3A_178 : vector<16xf32> to vector<1x16xf32>
        tpu.vector_store %arg12[%parallel_loop3A_179, %parallel_loop3A_180], %parallel_loop3A_183 {strides = array<i32>} : memref<80x128xf32, #tpu.memory_space<vmem>>, vector<1x16xf32>,
        %parallel_loop3A_184 = arith.index_cast %parallel_loop3A_132 : i32 to index
        %parallel_loop3A_185 = arith.constant 48 : index
        %parallel_loop3A_186 = tpu.vector_load %arg12[%parallel_loop3A_184, %parallel_loop3A_185] {strides = array<i32>} : memref<80x128xf32, #tpu.memory_space<vmem>>, vector<1x16xf32>,
        %parallel_loop3A_187 = vector.shape_cast %parallel_loop3A_186 : vector<1x16xf32> to vector<16xf32>
        %parallel_loop3A_188 = arith.index_cast %parallel_loop3A_132 : i32 to index
        %parallel_loop3A_189 = arith.constant 48 : index
        %parallel_loop3A_190 = tpu.vector_load %arg13[%parallel_loop3A_188, %parallel_loop3A_189] {strides = array<i32>} : memref<80x128xf32, #tpu.memory_space<vmem>>, vector<1x16xf32>,
        %parallel_loop3A_191 = vector.shape_cast %parallel_loop3A_190 : vector<1x16xf32> to vector<16xf32>
        %parallel_loop3A_192 = arith.addf %parallel_loop3A_187, %parallel_loop3A_191 : vector<16xf32>
        %parallel_loop3A_193 = arith.constant 0.000000e+00 : f32
        %parallel_loop3A_194 = vector.broadcast %parallel_loop3A_193 : f32 to vector<16xf32>
        %parallel_loop3A_195 = arith.maximumf %parallel_loop3A_192, %parallel_loop3A_194 : vector<16xf32>
        %parallel_loop3A_196 = arith.index_cast %parallel_loop3A_132 : i32 to index
        %parallel_loop3A_197 = arith.constant 48 : index
        %parallel_loop3A_198 = tpu.vector_load %arg12[%parallel_loop3A_196, %parallel_loop3A_197] {strides = array<i32>} : memref<80x128xf32, #tpu.memory_space<vmem>>, vector<1x16xf32>,
        %parallel_loop3A_199 = vector.shape_cast %parallel_loop3A_198 : vector<1x16xf32> to vector<16xf32>
        %parallel_loop3A_200 = vector.shape_cast %parallel_loop3A_195 : vector<16xf32> to vector<1x16xf32>
        tpu.vector_store %arg12[%parallel_loop3A_196, %parallel_loop3A_197], %parallel_loop3A_200 {strides = array<i32>} : memref<80x128xf32, #tpu.memory_space<vmem>>, vector<1x16xf32>,
        %parallel_loop3A_201 = arith.index_cast %parallel_loop3A_132 : i32 to index
        %parallel_loop3A_202 = arith.constant 64 : index
        %parallel_loop3A_203 = tpu.vector_load %arg12[%parallel_loop3A_201, %parallel_loop3A_202] {strides = array<i32>} : memref<80x128xf32, #tpu.memory_space<vmem>>, vector<1x16xf32>,
        %parallel_loop3A_204 = vector.shape_cast %parallel_loop3A_203 : vector<1x16xf32> to vector<16xf32>
        %parallel_loop3A_205 = arith.index_cast %parallel_loop3A_132 : i32 to index
        %parallel_loop3A_206 = arith.constant 64 : index
        %parallel_loop3A_207 = tpu.vector_load %arg13[%parallel_loop3A_205, %parallel_loop3A_206] {strides = array<i32>} : memref<80x128xf32, #tpu.memory_space<vmem>>, vector<1x16xf32>,
        %parallel_loop3A_208 = vector.shape_cast %parallel_loop3A_207 : vector<1x16xf32> to vector<16xf32>
        %parallel_loop3A_209 = arith.addf %parallel_loop3A_204, %parallel_loop3A_208 : vector<16xf32>
        %parallel_loop3A_210 = arith.constant 0.000000e+00 : f32
        %parallel_loop3A_211 = vector.broadcast %parallel_loop3A_210 : f32 to vector<16xf32>
        %parallel_loop3A_212 = arith.maximumf %parallel_loop3A_209, %parallel_loop3A_211 : vector<16xf32>
        %parallel_loop3A_213 = arith.index_cast %parallel_loop3A_132 : i32 to index
        %parallel_loop3A_214 = arith.constant 64 : index
        %parallel_loop3A_215 = tpu.vector_load %arg12[%parallel_loop3A_213, %parallel_loop3A_214] {strides = array<i32>} : memref<80x128xf32, #tpu.memory_space<vmem>>, vector<1x16xf32>,
        %parallel_loop3A_216 = vector.shape_cast %parallel_loop3A_215 : vector<1x16xf32> to vector<16xf32>
        %parallel_loop3A_217 = vector.shape_cast %parallel_loop3A_212 : vector<16xf32> to vector<1x16xf32>
        tpu.vector_store %arg12[%parallel_loop3A_213, %parallel_loop3A_214], %parallel_loop3A_217 {strides = array<i32>} : memref<80x128xf32, #tpu.memory_space<vmem>>, vector<1x16xf32>,
        %parallel_loop3A_218 = arith.index_cast %parallel_loop3A_132 : i32 to index
        %parallel_loop3A_219 = arith.constant 80 : index
        %parallel_loop3A_220 = tpu.vector_load %arg12[%parallel_loop3A_218, %parallel_loop3A_219] {strides = array<i32>} : memref<80x128xf32, #tpu.memory_space<vmem>>, vector<1x16xf32>,
        %parallel_loop3A_221 = vector.shape_cast %parallel_loop3A_220 : vector<1x16xf32> to vector<16xf32>
        %parallel_loop3A_222 = arith.index_cast %parallel_loop3A_132 : i32 to index
        %parallel_loop3A_223 = arith.constant 80 : index
        %parallel_loop3A_224 = tpu.vector_load %arg13[%parallel_loop3A_222, %parallel_loop3A_223] {strides = array<i32>} : memref<80x128xf32, #tpu.memory_space<vmem>>, vector<1x16xf32>,
        %parallel_loop3A_225 = vector.shape_cast %parallel_loop3A_224 : vector<1x16xf32> to vector<16xf32>
        %parallel_loop3A_226 = arith.addf %parallel_loop3A_221, %parallel_loop3A_225 : vector<16xf32>
        %parallel_loop3A_227 = arith.constant 0.000000e+00 : f32
        %parallel_loop3A_228 = vector.broadcast %parallel_loop3A_227 : f32 to vector<16xf32>
        %parallel_loop3A_229 = arith.maximumf %parallel_loop3A_226, %parallel_loop3A_228 : vector<16xf32>
        %parallel_loop3A_230 = arith.index_cast %parallel_loop3A_132 : i32 to index
        %parallel_loop3A_231 = arith.constant 80 : index
        %parallel_loop3A_232 = tpu.vector_load %arg12[%parallel_loop3A_230, %parallel_loop3A_231] {strides = array<i32>} : memref<80x128xf32, #tpu.memory_space<vmem>>, vector<1x16xf32>,
        %parallel_loop3A_233 = vector.shape_cast %parallel_loop3A_232 : vector<1x16xf32> to vector<16xf32>
        %parallel_loop3A_234 = vector.shape_cast %parallel_loop3A_229 : vector<16xf32> to vector<1x16xf32>
        tpu.vector_store %arg12[%parallel_loop3A_230, %parallel_loop3A_231], %parallel_loop3A_234 {strides = array<i32>} : memref<80x128xf32, #tpu.memory_space<vmem>>, vector<1x16xf32>,
        %parallel_loop3A_235 = arith.index_cast %parallel_loop3A_132 : i32 to index
        %parallel_loop3A_236 = arith.constant 96 : index
        %parallel_loop3A_237 = tpu.vector_load %arg12[%parallel_loop3A_235, %parallel_loop3A_236] {strides = array<i32>} : memref<80x128xf32, #tpu.memory_space<vmem>>, vector<1x16xf32>,
        %parallel_loop3A_238 = vector.shape_cast %parallel_loop3A_237 : vector<1x16xf32> to vector<16xf32>
        %parallel_loop3A_239 = arith.index_cast %parallel_loop3A_132 : i32 to index
        %parallel_loop3A_240 = arith.constant 96 : index
        %parallel_loop3A_241 = tpu.vector_load %arg13[%parallel_loop3A_239, %parallel_loop3A_240] {strides = array<i32>} : memref<80x128xf32, #tpu.memory_space<vmem>>, vector<1x16xf32>,
        %parallel_loop3A_242 = vector.shape_cast %parallel_loop3A_241 : vector<1x16xf32> to vector<16xf32>
        %parallel_loop3A_243 = arith.addf %parallel_loop3A_238, %parallel_loop3A_242 : vector<16xf32>
        %parallel_loop3A_244 = arith.constant 0.000000e+00 : f32
        %parallel_loop3A_245 = vector.broadcast %parallel_loop3A_244 : f32 to vector<16xf32>
        %parallel_loop3A_246 = arith.maximumf %parallel_loop3A_243, %parallel_loop3A_245 : vector<16xf32>
        %parallel_loop3A_247 = arith.index_cast %parallel_loop3A_132 : i32 to index
        %parallel_loop3A_248 = arith.constant 96 : index
        %parallel_loop3A_249 = tpu.vector_load %arg12[%parallel_loop3A_247, %parallel_loop3A_248] {strides = array<i32>} : memref<80x128xf32, #tpu.memory_space<vmem>>, vector<1x16xf32>,
        %parallel_loop3A_250 = vector.shape_cast %parallel_loop3A_249 : vector<1x16xf32> to vector<16xf32>
        %parallel_loop3A_251 = vector.shape_cast %parallel_loop3A_246 : vector<16xf32> to vector<1x16xf32>
        tpu.vector_store %arg12[%parallel_loop3A_247, %parallel_loop3A_248], %parallel_loop3A_251 {strides = array<i32>} : memref<80x128xf32, #tpu.memory_space<vmem>>, vector<1x16xf32>,
        %parallel_loop3A_252 = arith.index_cast %parallel_loop3A_132 : i32 to index
        %parallel_loop3A_253 = arith.constant 112 : index
        %parallel_loop3A_254 = tpu.vector_load %arg12[%parallel_loop3A_252, %parallel_loop3A_253] {strides = array<i32>} : memref<80x128xf32, #tpu.memory_space<vmem>>, vector<1x16xf32>,
        %parallel_loop3A_255 = vector.shape_cast %parallel_loop3A_254 : vector<1x16xf32> to vector<16xf32>
        %parallel_loop3A_256 = arith.index_cast %parallel_loop3A_132 : i32 to index
        %parallel_loop3A_257 = arith.constant 112 : index
        %parallel_loop3A_258 = tpu.vector_load %arg13[%parallel_loop3A_256, %parallel_loop3A_257] {strides = array<i32>} : memref<80x128xf32, #tpu.memory_space<vmem>>, vector<1x16xf32>,
        %parallel_loop3A_259 = vector.shape_cast %parallel_loop3A_258 : vector<1x16xf32> to vector<16xf32>
        %parallel_loop3A_260 = arith.addf %parallel_loop3A_255, %parallel_loop3A_259 : vector<16xf32>
        %parallel_loop3A_261 = arith.constant 0.000000e+00 : f32
        %parallel_loop3A_262 = vector.broadcast %parallel_loop3A_261 : f32 to vector<16xf32>
        %parallel_loop3A_263 = arith.maximumf %parallel_loop3A_260, %parallel_loop3A_262 : vector<16xf32>
        %parallel_loop3A_264 = arith.index_cast %parallel_loop3A_132 : i32 to index
        %parallel_loop3A_265 = arith.constant 112 : index
        %parallel_loop3A_266 = tpu.vector_load %arg12[%parallel_loop3A_264, %parallel_loop3A_265] {strides = array<i32>} : memref<80x128xf32, #tpu.memory_space<vmem>>, vector<1x16xf32>,
        %parallel_loop3A_267 = vector.shape_cast %parallel_loop3A_266 : vector<1x16xf32> to vector<16xf32>
        %parallel_loop3A_268 = vector.shape_cast %parallel_loop3A_263 : vector<16xf32> to vector<1x16xf32>
        tpu.vector_store %arg12[%parallel_loop3A_264, %parallel_loop3A_265], %parallel_loop3A_268 {strides = array<i32>} : memref<80x128xf32, #tpu.memory_space<vmem>>, vector<1x16xf32>,
      } {sc.loop_unroll_factor = 4 : i64, sc.parallel_access}
      %dma_start3A_101 = arith.constant 0 : i32
      %dma_start3A_102 = arith.constant 0 : i32
      %dma_start3A_103 = tpu.memref_slice %arg18[%dma_start3A_101, %dma_start3A_102] : memref<10240x128xf32, #tpu.memory_space<vmem_shared>> -> memref<10240x128xf32, #tpu.memory_space<vmem_shared>>
      tpu.enqueue_indirect_dma source(%arg12 : memref<80x128xf32, #tpu.memory_space<vmem>>) target(%dma_start3A_103 : memref<10240x128xf32, #tpu.memory_space<vmem_shared>>) offsets(%arg10 : memref<80xi32, #tpu.memory_space<vmem>>) semaphore(%arg23 : memref<!tpu.dma_semaphore, #tpu.memory_space<semaphore_mem>>) {add = true}
      %mul3A_104 = arith.constant 2 : i32
      %mul3A_105 = arith.muli %mul3A_104, %scan3A_80 : i32
      %add3A_106 = arith.constant 1 : i32
      %add3A_107 = arith.addi %mul3A_105, %add3A_106 : i32
      %dma_wait3A_108 = arith.constant 0 : i32
      %dma_wait3A_109 = arith.constant 0 : i32
      %dma_wait3A_110 = tpu.memref_slice %arg2[%dma_wait3A_108, %dma_wait3A_109] : memref<10240x128xf32, #tpu.memory_space<hbm>> -> memref<10240x128xf32, #tpu.memory_space<hbm>>
      tpu.wait_indirect_dma semaphore(%arg21 : memref<!tpu.dma_semaphore, #tpu.memory_space<semaphore_mem>>) src(%dma_wait3A_110 : memref<10240x128xf32, #tpu.memory_space<hbm>>) dst(%arg16 : memref<80x128xf32, #tpu.memory_space<vmem>>)
      %dma_wait3A_111 = arith.constant 0 : i32
      %dma_wait3A_112 = arith.constant 0 : i32
      %dma_wait3A_113 = tpu.memref_slice %arg4[%dma_wait3A_111, %dma_wait3A_112] : memref<10240x128xf32, #tpu.memory_space<hbm>> -> memref<10240x128xf32, #tpu.memory_space<hbm>>
      tpu.wait_indirect_dma semaphore(%arg22 : memref<!tpu.dma_semaphore, #tpu.memory_space<semaphore_mem>>) src(%dma_wait3A_113 : memref<10240x128xf32, #tpu.memory_space<hbm>>) dst(%arg17 : memref<80x128xf32, #tpu.memory_space<vmem>>)
      %gt3A_114 = arith.constant 0 : i32
      %gt3A_115 = arith.cmpi sgt, %add3A_107, %gt3A_114 : i32
      %convert_element_type3A_116 = arith.extui %gt3A_115 : i1 to i32
      %cond3A_117 = arith.constant 0 : i32
      %cond3A_118 = arith.cmpi ne, %convert_element_type3A_116, %cond3A_117 : i32
      scf.if %cond3A_118 {
        %dma_wait3A_132 = arith.constant 0 : i32
        %dma_wait3A_133 = arith.constant 0 : i32
        %dma_wait3A_134 = tpu.memref_slice %arg18[%dma_wait3A_132, %dma_wait3A_133] : memref<10240x128xf32, #tpu.memory_space<vmem_shared>> -> memref<10240x128xf32, #tpu.memory_space<vmem_shared>>
        tpu.wait_indirect_dma semaphore(%arg23 : memref<!tpu.dma_semaphore, #tpu.memory_space<semaphore_mem>>) src(%arg12 : memref<80x128xf32, #tpu.memory_space<vmem>>) dst(%dma_wait3A_134 : memref<10240x128xf32, #tpu.memory_space<vmem_shared>>)
      } else {
      }
      %add3A_119 = arith.constant 1 : i32
      %add3A_120 = arith.addi %add3A_107, %add3A_119 : i32
      %lt3A_121 = arith.constant 64 : i32
      %lt3A_122 = arith.cmpi slt, %add3A_120, %lt3A_121 : i32
      %convert_element_type3A_123 = arith.extui %lt3A_122 : i1 to i32
      %cond3A_124 = arith.constant 0 : i32
      %cond3A_125 = arith.cmpi ne, %convert_element_type3A_123, %cond3A_124 : i32
      scf.if %cond3A_125 {
        %add3A_132 = arith.constant 1 : i32
        %add3A_133 = arith.addi %add3A_107, %add3A_132 : i32
        %mul3A_134 = arith.constant 80 : i32
        %mul3A_135 = arith.muli %add3A_133, %mul3A_134 : i32
        %add3A_136 = arith.addi %mul3A_2, %mul3A_135 : i32
        "tpu.region"() ({
          %run_scoped3A_143 = tpu.sem_alloc : memref<!tpu.dma_semaphore, #tpu.memory_space<semaphore_mem>>
          %dma_start3A_144 = tpu.memref_slice %arg6[%add3A_136] : memref<163840xi32, #tpu.memory_space<hbm>> -> memref<80xi32, #tpu.memory_space<hbm>>
          %dma_start3A_145 = tpu.memref_slice %arg6[%add3A_136] : memref<163840xi32, #tpu.memory_space<hbm>> -> memref<80xi32, #tpu.memory_space<hbm>>
          tpu.enqueue_dma source(%dma_start3A_145 : memref<80xi32, #tpu.memory_space<hbm>>) target(%arg10 : memref<80xi32, #tpu.memory_space<vmem>>) target_semaphore(%run_scoped3A_143 : memref<!tpu.dma_semaphore, #tpu.memory_space<semaphore_mem>>)
          %dma_wait3A_146 = tpu.memref_slice %arg6[%add3A_136] : memref<163840xi32, #tpu.memory_space<hbm>> -> memref<80xi32, #tpu.memory_space<hbm>>
          %dma_wait3A_147 = tpu.memref_slice %arg6[%add3A_136] : memref<163840xi32, #tpu.memory_space<hbm>> -> memref<80xi32, #tpu.memory_space<hbm>>
          tpu.wait_dma2 semaphore(%run_scoped3A_143 : memref<!tpu.dma_semaphore, #tpu.memory_space<semaphore_mem>>) src(%dma_wait3A_147 : memref<80xi32, #tpu.memory_space<hbm>>) dst(%arg10 : memref<80xi32, #tpu.memory_space<vmem>>)
          tpu.yield
        }) : () -> ()
        "tpu.region"() ({
          %run_scoped3A_143 = tpu.sem_alloc : memref<!tpu.dma_semaphore, #tpu.memory_space<semaphore_mem>>
          %dma_start3A_144 = tpu.memref_slice %arg7[%add3A_136] : memref<163840xi32, #tpu.memory_space<hbm>> -> memref<80xi32, #tpu.memory_space<hbm>>
          %dma_start3A_145 = tpu.memref_slice %arg7[%add3A_136] : memref<163840xi32, #tpu.memory_space<hbm>> -> memref<80xi32, #tpu.memory_space<hbm>>
          tpu.enqueue_dma source(%dma_start3A_145 : memref<80xi32, #tpu.memory_space<hbm>>) target(%arg11 : memref<80xi32, #tpu.memory_space<vmem>>) target_semaphore(%run_scoped3A_143 : memref<!tpu.dma_semaphore, #tpu.memory_space<semaphore_mem>>)
          %dma_wait3A_146 = tpu.memref_slice %arg7[%add3A_136] : memref<163840xi32, #tpu.memory_space<hbm>> -> memref<80xi32, #tpu.memory_space<hbm>>
          %dma_wait3A_147 = tpu.memref_slice %arg7[%add3A_136] : memref<163840xi32, #tpu.memory_space<hbm>> -> memref<80xi32, #tpu.memory_space<hbm>>
          tpu.wait_dma2 semaphore(%run_scoped3A_143 : memref<!tpu.dma_semaphore, #tpu.memory_space<semaphore_mem>>) src(%dma_wait3A_147 : memref<80xi32, #tpu.memory_space<hbm>>) dst(%arg11 : memref<80xi32, #tpu.memory_space<vmem>>)
          tpu.yield
        }) : () -> ()
        %dma_start3A_137 = arith.constant 0 : i32
        %dma_start3A_138 = arith.constant 0 : i32
        %dma_start3A_139 = tpu.memref_slice %arg2[%dma_start3A_137, %dma_start3A_138] : memref<10240x128xf32, #tpu.memory_space<hbm>> -> memref<10240x128xf32, #tpu.memory_space<hbm>>
        tpu.enqueue_indirect_dma source(%dma_start3A_139 : memref<10240x128xf32, #tpu.memory_space<hbm>>) target(%arg12 : memref<80x128xf32, #tpu.memory_space<vmem>>) offsets(%arg10 : memref<80xi32, #tpu.memory_space<vmem>>) semaphore(%arg19 : memref<!tpu.dma_semaphore, #tpu.memory_space<semaphore_mem>>)
        %dma_start3A_140 = arith.constant 0 : i32
        %dma_start3A_141 = arith.constant 0 : i32
        %dma_start3A_142 = tpu.memref_slice %arg4[%dma_start3A_140, %dma_start3A_141] : memref<10240x128xf32, #tpu.memory_space<hbm>> -> memref<10240x128xf32, #tpu.memory_space<hbm>>
        tpu.enqueue_indirect_dma source(%dma_start3A_142 : memref<10240x128xf32, #tpu.memory_space<hbm>>) target(%arg13 : memref<80x128xf32, #tpu.memory_space<vmem>>) offsets(%arg11 : memref<80xi32, #tpu.memory_space<vmem>>) semaphore(%arg20 : memref<!tpu.dma_semaphore, #tpu.memory_space<semaphore_mem>>)
      } else {
      }
      %parallel_loop3A_126 = arith.constant 0 : i32
      %parallel_loop3A_127 = arith.constant 80 : i32
      %parallel_loop3A_128 = arith.constant 1 : i32
      scf.for %parallel_loop3A_132 = %parallel_loop3A_126 to %parallel_loop3A_127 step %parallel_loop3A_128  : i32 {
        %parallel_loop3A_133 = arith.index_cast %parallel_loop3A_132 : i32 to index
        %parallel_loop3A_134 = arith.constant 0 : index
        %parallel_loop3A_135 = tpu.vector_load %arg16[%parallel_loop3A_133, %parallel_loop3A_134] {strides = array<i32>} : memref<80x128xf32, #tpu.memory_space<vmem>>, vector<1x16xf32>,
        %parallel_loop3A_136 = vector.shape_cast %parallel_loop3A_135 : vector<1x16xf32> to vector<16xf32>
        %parallel_loop3A_137 = arith.index_cast %parallel_loop3A_132 : i32 to index
        %parallel_loop3A_138 = arith.constant 0 : index
        %parallel_loop3A_139 = tpu.vector_load %arg17[%parallel_loop3A_137, %parallel_loop3A_138] {strides = array<i32>} : memref<80x128xf32, #tpu.memory_space<vmem>>, vector<1x16xf32>,
        %parallel_loop3A_140 = vector.shape_cast %parallel_loop3A_139 : vector<1x16xf32> to vector<16xf32>
        %parallel_loop3A_141 = arith.addf %parallel_loop3A_136, %parallel_loop3A_140 : vector<16xf32>
        %parallel_loop3A_142 = arith.constant 0.000000e+00 : f32
        %parallel_loop3A_143 = vector.broadcast %parallel_loop3A_142 : f32 to vector<16xf32>
        %parallel_loop3A_144 = arith.maximumf %parallel_loop3A_141, %parallel_loop3A_143 : vector<16xf32>
        %parallel_loop3A_145 = arith.index_cast %parallel_loop3A_132 : i32 to index
        %parallel_loop3A_146 = arith.constant 0 : index
        %parallel_loop3A_147 = tpu.vector_load %arg16[%parallel_loop3A_145, %parallel_loop3A_146] {strides = array<i32>} : memref<80x128xf32, #tpu.memory_space<vmem>>, vector<1x16xf32>,
        %parallel_loop3A_148 = vector.shape_cast %parallel_loop3A_147 : vector<1x16xf32> to vector<16xf32>
        %parallel_loop3A_149 = vector.shape_cast %parallel_loop3A_144 : vector<16xf32> to vector<1x16xf32>
        tpu.vector_store %arg16[%parallel_loop3A_145, %parallel_loop3A_146], %parallel_loop3A_149 {strides = array<i32>} : memref<80x128xf32, #tpu.memory_space<vmem>>, vector<1x16xf32>,
        %parallel_loop3A_150 = arith.index_cast %parallel_loop3A_132 : i32 to index
        %parallel_loop3A_151 = arith.constant 16 : index
        %parallel_loop3A_152 = tpu.vector_load %arg16[%parallel_loop3A_150, %parallel_loop3A_151] {strides = array<i32>} : memref<80x128xf32, #tpu.memory_space<vmem>>, vector<1x16xf32>,
        %parallel_loop3A_153 = vector.shape_cast %parallel_loop3A_152 : vector<1x16xf32> to vector<16xf32>
        %parallel_loop3A_154 = arith.index_cast %parallel_loop3A_132 : i32 to index
        %parallel_loop3A_155 = arith.constant 16 : index
        %parallel_loop3A_156 = tpu.vector_load %arg17[%parallel_loop3A_154, %parallel_loop3A_155] {strides = array<i32>} : memref<80x128xf32, #tpu.memory_space<vmem>>, vector<1x16xf32>,
        %parallel_loop3A_157 = vector.shape_cast %parallel_loop3A_156 : vector<1x16xf32> to vector<16xf32>
        %parallel_loop3A_158 = arith.addf %parallel_loop3A_153, %parallel_loop3A_157 : vector<16xf32>
        %parallel_loop3A_159 = arith.constant 0.000000e+00 : f32
        %parallel_loop3A_160 = vector.broadcast %parallel_loop3A_159 : f32 to vector<16xf32>
        %parallel_loop3A_161 = arith.maximumf %parallel_loop3A_158, %parallel_loop3A_160 : vector<16xf32>
        %parallel_loop3A_162 = arith.index_cast %parallel_loop3A_132 : i32 to index
        %parallel_loop3A_163 = arith.constant 16 : index
        %parallel_loop3A_164 = tpu.vector_load %arg16[%parallel_loop3A_162, %parallel_loop3A_163] {strides = array<i32>} : memref<80x128xf32, #tpu.memory_space<vmem>>, vector<1x16xf32>,
        %parallel_loop3A_165 = vector.shape_cast %parallel_loop3A_164 : vector<1x16xf32> to vector<16xf32>
        %parallel_loop3A_166 = vector.shape_cast %parallel_loop3A_161 : vector<16xf32> to vector<1x16xf32>
        tpu.vector_store %arg16[%parallel_loop3A_162, %parallel_loop3A_163], %parallel_loop3A_166 {strides = array<i32>} : memref<80x128xf32, #tpu.memory_space<vmem>>, vector<1x16xf32>,
        %parallel_loop3A_167 = arith.index_cast %parallel_loop3A_132 : i32 to index
        %parallel_loop3A_168 = arith.constant 32 : index
        %parallel_loop3A_169 = tpu.vector_load %arg16[%parallel_loop3A_167, %parallel_loop3A_168] {strides = array<i32>} : memref<80x128xf32, #tpu.memory_space<vmem>>, vector<1x16xf32>,
        %parallel_loop3A_170 = vector.shape_cast %parallel_loop3A_169 : vector<1x16xf32> to vector<16xf32>
        %parallel_loop3A_171 = arith.index_cast %parallel_loop3A_132 : i32 to index
        %parallel_loop3A_172 = arith.constant 32 : index
        %parallel_loop3A_173 = tpu.vector_load %arg17[%parallel_loop3A_171, %parallel_loop3A_172] {strides = array<i32>} : memref<80x128xf32, #tpu.memory_space<vmem>>, vector<1x16xf32>,
        %parallel_loop3A_174 = vector.shape_cast %parallel_loop3A_173 : vector<1x16xf32> to vector<16xf32>
        %parallel_loop3A_175 = arith.addf %parallel_loop3A_170, %parallel_loop3A_174 : vector<16xf32>
        %parallel_loop3A_176 = arith.constant 0.000000e+00 : f32
        %parallel_loop3A_177 = vector.broadcast %parallel_loop3A_176 : f32 to vector<16xf32>
        %parallel_loop3A_178 = arith.maximumf %parallel_loop3A_175, %parallel_loop3A_177 : vector<16xf32>
        %parallel_loop3A_179 = arith.index_cast %parallel_loop3A_132 : i32 to index
        %parallel_loop3A_180 = arith.constant 32 : index
        %parallel_loop3A_181 = tpu.vector_load %arg16[%parallel_loop3A_179, %parallel_loop3A_180] {strides = array<i32>} : memref<80x128xf32, #tpu.memory_space<vmem>>, vector<1x16xf32>,
        %parallel_loop3A_182 = vector.shape_cast %parallel_loop3A_181 : vector<1x16xf32> to vector<16xf32>
        %parallel_loop3A_183 = vector.shape_cast %parallel_loop3A_178 : vector<16xf32> to vector<1x16xf32>
        tpu.vector_store %arg16[%parallel_loop3A_179, %parallel_loop3A_180], %parallel_loop3A_183 {strides = array<i32>} : memref<80x128xf32, #tpu.memory_space<vmem>>, vector<1x16xf32>,
        %parallel_loop3A_184 = arith.index_cast %parallel_loop3A_132 : i32 to index
        %parallel_loop3A_185 = arith.constant 48 : index
        %parallel_loop3A_186 = tpu.vector_load %arg16[%parallel_loop3A_184, %parallel_loop3A_185] {strides = array<i32>} : memref<80x128xf32, #tpu.memory_space<vmem>>, vector<1x16xf32>,
        %parallel_loop3A_187 = vector.shape_cast %parallel_loop3A_186 : vector<1x16xf32> to vector<16xf32>
        %parallel_loop3A_188 = arith.index_cast %parallel_loop3A_132 : i32 to index
        %parallel_loop3A_189 = arith.constant 48 : index
        %parallel_loop3A_190 = tpu.vector_load %arg17[%parallel_loop3A_188, %parallel_loop3A_189] {strides = array<i32>} : memref<80x128xf32, #tpu.memory_space<vmem>>, vector<1x16xf32>,
        %parallel_loop3A_191 = vector.shape_cast %parallel_loop3A_190 : vector<1x16xf32> to vector<16xf32>
        %parallel_loop3A_192 = arith.addf %parallel_loop3A_187, %parallel_loop3A_191 : vector<16xf32>
        %parallel_loop3A_193 = arith.constant 0.000000e+00 : f32
        %parallel_loop3A_194 = vector.broadcast %parallel_loop3A_193 : f32 to vector<16xf32>
        %parallel_loop3A_195 = arith.maximumf %parallel_loop3A_192, %parallel_loop3A_194 : vector<16xf32>
        %parallel_loop3A_196 = arith.index_cast %parallel_loop3A_132 : i32 to index
        %parallel_loop3A_197 = arith.constant 48 : index
        %parallel_loop3A_198 = tpu.vector_load %arg16[%parallel_loop3A_196, %parallel_loop3A_197] {strides = array<i32>} : memref<80x128xf32, #tpu.memory_space<vmem>>, vector<1x16xf32>,
        %parallel_loop3A_199 = vector.shape_cast %parallel_loop3A_198 : vector<1x16xf32> to vector<16xf32>
        %parallel_loop3A_200 = vector.shape_cast %parallel_loop3A_195 : vector<16xf32> to vector<1x16xf32>
        tpu.vector_store %arg16[%parallel_loop3A_196, %parallel_loop3A_197], %parallel_loop3A_200 {strides = array<i32>} : memref<80x128xf32, #tpu.memory_space<vmem>>, vector<1x16xf32>,
        %parallel_loop3A_201 = arith.index_cast %parallel_loop3A_132 : i32 to index
        %parallel_loop3A_202 = arith.constant 64 : index
        %parallel_loop3A_203 = tpu.vector_load %arg16[%parallel_loop3A_201, %parallel_loop3A_202] {strides = array<i32>} : memref<80x128xf32, #tpu.memory_space<vmem>>, vector<1x16xf32>,
        %parallel_loop3A_204 = vector.shape_cast %parallel_loop3A_203 : vector<1x16xf32> to vector<16xf32>
        %parallel_loop3A_205 = arith.index_cast %parallel_loop3A_132 : i32 to index
        %parallel_loop3A_206 = arith.constant 64 : index
        %parallel_loop3A_207 = tpu.vector_load %arg17[%parallel_loop3A_205, %parallel_loop3A_206] {strides = array<i32>} : memref<80x128xf32, #tpu.memory_space<vmem>>, vector<1x16xf32>,
        %parallel_loop3A_208 = vector.shape_cast %parallel_loop3A_207 : vector<1x16xf32> to vector<16xf32>
        %parallel_loop3A_209 = arith.addf %parallel_loop3A_204, %parallel_loop3A_208 : vector<16xf32>
        %parallel_loop3A_210 = arith.constant 0.000000e+00 : f32
        %parallel_loop3A_211 = vector.broadcast %parallel_loop3A_210 : f32 to vector<16xf32>
        %parallel_loop3A_212 = arith.maximumf %parallel_loop3A_209, %parallel_loop3A_211 : vector<16xf32>
        %parallel_loop3A_213 = arith.index_cast %parallel_loop3A_132 : i32 to index
        %parallel_loop3A_214 = arith.constant 64 : index
        %parallel_loop3A_215 = tpu.vector_load %arg16[%parallel_loop3A_213, %parallel_loop3A_214] {strides = array<i32>} : memref<80x128xf32, #tpu.memory_space<vmem>>, vector<1x16xf32>,
        %parallel_loop3A_216 = vector.shape_cast %parallel_loop3A_215 : vector<1x16xf32> to vector<16xf32>
        %parallel_loop3A_217 = vector.shape_cast %parallel_loop3A_212 : vector<16xf32> to vector<1x16xf32>
        tpu.vector_store %arg16[%parallel_loop3A_213, %parallel_loop3A_214], %parallel_loop3A_217 {strides = array<i32>} : memref<80x128xf32, #tpu.memory_space<vmem>>, vector<1x16xf32>,
        %parallel_loop3A_218 = arith.index_cast %parallel_loop3A_132 : i32 to index
        %parallel_loop3A_219 = arith.constant 80 : index
        %parallel_loop3A_220 = tpu.vector_load %arg16[%parallel_loop3A_218, %parallel_loop3A_219] {strides = array<i32>} : memref<80x128xf32, #tpu.memory_space<vmem>>, vector<1x16xf32>,
        %parallel_loop3A_221 = vector.shape_cast %parallel_loop3A_220 : vector<1x16xf32> to vector<16xf32>
        %parallel_loop3A_222 = arith.index_cast %parallel_loop3A_132 : i32 to index
        %parallel_loop3A_223 = arith.constant 80 : index
        %parallel_loop3A_224 = tpu.vector_load %arg17[%parallel_loop3A_222, %parallel_loop3A_223] {strides = array<i32>} : memref<80x128xf32, #tpu.memory_space<vmem>>, vector<1x16xf32>,
        %parallel_loop3A_225 = vector.shape_cast %parallel_loop3A_224 : vector<1x16xf32> to vector<16xf32>
        %parallel_loop3A_226 = arith.addf %parallel_loop3A_221, %parallel_loop3A_225 : vector<16xf32>
        %parallel_loop3A_227 = arith.constant 0.000000e+00 : f32
        %parallel_loop3A_228 = vector.broadcast %parallel_loop3A_227 : f32 to vector<16xf32>
        %parallel_loop3A_229 = arith.maximumf %parallel_loop3A_226, %parallel_loop3A_228 : vector<16xf32>
        %parallel_loop3A_230 = arith.index_cast %parallel_loop3A_132 : i32 to index
        %parallel_loop3A_231 = arith.constant 80 : index
        %parallel_loop3A_232 = tpu.vector_load %arg16[%parallel_loop3A_230, %parallel_loop3A_231] {strides = array<i32>} : memref<80x128xf32, #tpu.memory_space<vmem>>, vector<1x16xf32>,
        %parallel_loop3A_233 = vector.shape_cast %parallel_loop3A_232 : vector<1x16xf32> to vector<16xf32>
        %parallel_loop3A_234 = vector.shape_cast %parallel_loop3A_229 : vector<16xf32> to vector<1x16xf32>
        tpu.vector_store %arg16[%parallel_loop3A_230, %parallel_loop3A_231], %parallel_loop3A_234 {strides = array<i32>} : memref<80x128xf32, #tpu.memory_space<vmem>>, vector<1x16xf32>,
        %parallel_loop3A_235 = arith.index_cast %parallel_loop3A_132 : i32 to index
        %parallel_loop3A_236 = arith.constant 96 : index
        %parallel_loop3A_237 = tpu.vector_load %arg16[%parallel_loop3A_235, %parallel_loop3A_236] {strides = array<i32>} : memref<80x128xf32, #tpu.memory_space<vmem>>, vector<1x16xf32>,
        %parallel_loop3A_238 = vector.shape_cast %parallel_loop3A_237 : vector<1x16xf32> to vector<16xf32>
        %parallel_loop3A_239 = arith.index_cast %parallel_loop3A_132 : i32 to index
        %parallel_loop3A_240 = arith.constant 96 : index
        %parallel_loop3A_241 = tpu.vector_load %arg17[%parallel_loop3A_239, %parallel_loop3A_240] {strides = array<i32>} : memref<80x128xf32, #tpu.memory_space<vmem>>, vector<1x16xf32>,
        %parallel_loop3A_242 = vector.shape_cast %parallel_loop3A_241 : vector<1x16xf32> to vector<16xf32>
        %parallel_loop3A_243 = arith.addf %parallel_loop3A_238, %parallel_loop3A_242 : vector<16xf32>
        %parallel_loop3A_244 = arith.constant 0.000000e+00 : f32
        %parallel_loop3A_245 = vector.broadcast %parallel_loop3A_244 : f32 to vector<16xf32>
        %parallel_loop3A_246 = arith.maximumf %parallel_loop3A_243, %parallel_loop3A_245 : vector<16xf32>
        %parallel_loop3A_247 = arith.index_cast %parallel_loop3A_132 : i32 to index
        %parallel_loop3A_248 = arith.constant 96 : index
        %parallel_loop3A_249 = tpu.vector_load %arg16[%parallel_loop3A_247, %parallel_loop3A_248] {strides = array<i32>} : memref<80x128xf32, #tpu.memory_space<vmem>>, vector<1x16xf32>,
        %parallel_loop3A_250 = vector.shape_cast %parallel_loop3A_249 : vector<1x16xf32> to vector<16xf32>
        %parallel_loop3A_251 = vector.shape_cast %parallel_loop3A_246 : vector<16xf32> to vector<1x16xf32>
        tpu.vector_store %arg16[%parallel_loop3A_247, %parallel_loop3A_248], %parallel_loop3A_251 {strides = array<i32>} : memref<80x128xf32, #tpu.memory_space<vmem>>, vector<1x16xf32>,
        %parallel_loop3A_252 = arith.index_cast %parallel_loop3A_132 : i32 to index
        %parallel_loop3A_253 = arith.constant 112 : index
        %parallel_loop3A_254 = tpu.vector_load %arg16[%parallel_loop3A_252, %parallel_loop3A_253] {strides = array<i32>} : memref<80x128xf32, #tpu.memory_space<vmem>>, vector<1x16xf32>,
        %parallel_loop3A_255 = vector.shape_cast %parallel_loop3A_254 : vector<1x16xf32> to vector<16xf32>
        %parallel_loop3A_256 = arith.index_cast %parallel_loop3A_132 : i32 to index
        %parallel_loop3A_257 = arith.constant 112 : index
        %parallel_loop3A_258 = tpu.vector_load %arg17[%parallel_loop3A_256, %parallel_loop3A_257] {strides = array<i32>} : memref<80x128xf32, #tpu.memory_space<vmem>>, vector<1x16xf32>,
        %parallel_loop3A_259 = vector.shape_cast %parallel_loop3A_258 : vector<1x16xf32> to vector<16xf32>
        %parallel_loop3A_260 = arith.addf %parallel_loop3A_255, %parallel_loop3A_259 : vector<16xf32>
        %parallel_loop3A_261 = arith.constant 0.000000e+00 : f32
        %parallel_loop3A_262 = vector.broadcast %parallel_loop3A_261 : f32 to vector<16xf32>
        %parallel_loop3A_263 = arith.maximumf %parallel_loop3A_260, %parallel_loop3A_262 : vector<16xf32>
        %parallel_loop3A_264 = arith.index_cast %parallel_loop3A_132 : i32 to index
        %parallel_loop3A_265 = arith.constant 112 : index
        %parallel_loop3A_266 = tpu.vector_load %arg16[%parallel_loop3A_264, %parallel_loop3A_265] {strides = array<i32>} : memref<80x128xf32, #tpu.memory_space<vmem>>, vector<1x16xf32>,
        %parallel_loop3A_267 = vector.shape_cast %parallel_loop3A_266 : vector<1x16xf32> to vector<16xf32>
        %parallel_loop3A_268 = vector.shape_cast %parallel_loop3A_263 : vector<16xf32> to vector<1x16xf32>
        tpu.vector_store %arg16[%parallel_loop3A_264, %parallel_loop3A_265], %parallel_loop3A_268 {strides = array<i32>} : memref<80x128xf32, #tpu.memory_space<vmem>>, vector<1x16xf32>,
      } {sc.loop_unroll_factor = 4 : i64, sc.parallel_access}
      %dma_start3A_129 = arith.constant 0 : i32
      %dma_start3A_130 = arith.constant 0 : i32
      %dma_start3A_131 = tpu.memref_slice %arg18[%dma_start3A_129, %dma_start3A_130] : memref<10240x128xf32, #tpu.memory_space<vmem_shared>> -> memref<10240x128xf32, #tpu.memory_space<vmem_shared>>
      tpu.enqueue_indirect_dma source(%arg16 : memref<80x128xf32, #tpu.memory_space<vmem>>) target(%dma_start3A_131 : memref<10240x128xf32, #tpu.memory_space<vmem_shared>>) offsets(%arg14 : memref<80xi32, #tpu.memory_space<vmem>>) semaphore(%arg24 : memref<!tpu.dma_semaphore, #tpu.memory_space<semaphore_mem>>) {add = true}
    }
    %scan3A_16 = arith.constant 32 : i32
    %dma_wait3A = arith.constant 0 : i32
    %dma_wait3A_17 = arith.constant 0 : i32
    %dma_wait3A_18 = tpu.memref_slice %arg18[%dma_wait3A, %dma_wait3A_17] : memref<10240x128xf32, #tpu.memory_space<vmem_shared>> -> memref<10240x128xf32, #tpu.memory_space<vmem_shared>>
    tpu.wait_indirect_dma semaphore(%arg24 : memref<!tpu.dma_semaphore, #tpu.memory_space<semaphore_mem>>) src(%arg16 : memref<80x128xf32, #tpu.memory_space<vmem>>) dst(%dma_wait3A_18 : memref<10240x128xf32, #tpu.memory_space<vmem_shared>>)
    %barrier3A_19 = arith.constant 0 : index
    tpu.barrier barrier_id(%barrier3A_19)
    %mul3A_20 = arith.constant 640 : i32
    %mul3A_21 = arith.muli %arg1, %mul3A_20 : i32
    %mul3A_22 = arith.constant 640 : i32
    %mul3A_23 = arith.muli %arg1, %mul3A_22 : i32
    %run_scoped3A = arith.constant 0 : i32
    "tpu.region"() ({
      %run_scoped3A_80 = tpu.sem_alloc : memref<!tpu.dma_semaphore, #tpu.memory_space<semaphore_mem>>
      %dma_start3A_81 = arith.constant 0 : i32
      %dma_start3A_82 = tpu.memref_slice %arg9[%arg0, %run_scoped3A, %mul3A_23, %dma_start3A_81] : memref<2x3x10240x128xf32, #tpu.memory_space<hbm>> -> memref<1x1x640x128xf32, #tpu.memory_space<hbm>>
      %dma_start3A_83 = tpu.memref_squeeze %dma_start3A_82 : memref<1x1x640x128xf32, #tpu.memory_space<hbm>> -> memref<640x128xf32, #tpu.memory_space<hbm>>
      %dma_start3A_84 = arith.constant 0 : i32
      %dma_start3A_85 = tpu.memref_slice %arg18[%mul3A_21, %dma_start3A_84] : memref<10240x128xf32, #tpu.memory_space<vmem_shared>> -> memref<640x128xf32, #tpu.memory_space<vmem_shared>>
      tpu.enqueue_dma source(%dma_start3A_85 : memref<640x128xf32, #tpu.memory_space<vmem_shared>>) target(%dma_start3A_83 : memref<640x128xf32, #tpu.memory_space<hbm>>) target_semaphore(%run_scoped3A_80 : memref<!tpu.dma_semaphore, #tpu.memory_space<semaphore_mem>>)
      %dma_wait3A_86 = arith.constant 0 : i32
      %dma_wait3A_87 = tpu.memref_slice %arg9[%arg0, %run_scoped3A, %mul3A_23, %dma_wait3A_86] : memref<2x3x10240x128xf32, #tpu.memory_space<hbm>> -> memref<1x1x640x128xf32, #tpu.memory_space<hbm>>
      %dma_wait3A_88 = tpu.memref_squeeze %dma_wait3A_87 : memref<1x1x640x128xf32, #tpu.memory_space<hbm>> -> memref<640x128xf32, #tpu.memory_space<hbm>>
      %dma_wait3A_89 = arith.constant 0 : i32
      %dma_wait3A_90 = tpu.memref_slice %arg18[%mul3A_21, %dma_wait3A_89] : memref<10240x128xf32, #tpu.memory_space<vmem_shared>> -> memref<640x128xf32, #tpu.memory_space<vmem_shared>>
      tpu.wait_dma2 semaphore(%run_scoped3A_80 : memref<!tpu.dma_semaphore, #tpu.memory_space<semaphore_mem>>) src(%dma_wait3A_90 : memref<640x128xf32, #tpu.memory_space<vmem_shared>>) dst(%dma_wait3A_88 : memref<640x128xf32, #tpu.memory_space<hbm>>)
      tpu.yield
    }) : () -> ()
    %barrier3A_24 = arith.constant 0 : index
    tpu.barrier barrier_id(%barrier3A_24)
    %mul3A_25 = arith.constant 640 : i32
    %mul3A_26 = arith.muli %arg1, %mul3A_25 : i32
    "tpu.region"() ({
      %run_scoped3A_80 = tpu.sem_alloc : memref<!tpu.dma_semaphore, #tpu.memory_space<semaphore_mem>>
      %dma_start3A_81 = arith.constant 0 : i32
      %dma_start3A_82 = tpu.memref_slice %arg18[%mul3A_26, %dma_start3A_81] : memref<10240x128xf32, #tpu.memory_space<vmem_shared>> -> memref<640x128xf32, #tpu.memory_space<vmem_shared>>
      tpu.enqueue_dma source(%arg8 : memref<640x128xf32, #tpu.memory_space<hbm>>) target(%dma_start3A_82 : memref<640x128xf32, #tpu.memory_space<vmem_shared>>) target_semaphore(%run_scoped3A_80 : memref<!tpu.dma_semaphore, #tpu.memory_space<semaphore_mem>>)
      %dma_wait3A_83 = arith.constant 0 : i32
      %dma_wait3A_84 = tpu.memref_slice %arg18[%mul3A_26, %dma_wait3A_83] : memref<10240x128xf32, #tpu.memory_space<vmem_shared>> -> memref<640x128xf32, #tpu.memory_space<vmem_shared>>
      tpu.wait_dma2 semaphore(%run_scoped3A_80 : memref<!tpu.dma_semaphore, #tpu.memory_space<semaphore_mem>>) src(%arg8 : memref<640x128xf32, #tpu.memory_space<hbm>>) dst(%dma_wait3A_84 : memref<640x128xf32, #tpu.memory_space<vmem_shared>>)
      tpu.yield
    }) : () -> ()
    %barrier3A_27 = arith.constant 0 : index
    tpu.barrier barrier_id(%barrier3A_27)
    %add3A_28 = arith.constant 0 : i32
    %add3A_29 = arith.addi %mul3A_2, %add3A_28 : i32
    "tpu.region"() ({
      %run_scoped3A_80 = tpu.sem_alloc : memref<!tpu.dma_semaphore, #tpu.memory_space<semaphore_mem>>
      %dma_start3A_81 = tpu.memref_slice %arg6[%add3A_29] : memref<163840xi32, #tpu.memory_space<hbm>> -> memref<80xi32, #tpu.memory_space<hbm>>
      %dma_start3A_82 = tpu.memref_slice %arg6[%add3A_29] : memref<163840xi32, #tpu.memory_space<hbm>> -> memref<80xi32, #tpu.memory_space<hbm>>
      tpu.enqueue_dma source(%dma_start3A_82 : memref<80xi32, #tpu.memory_space<hbm>>) target(%arg10 : memref<80xi32, #tpu.memory_space<vmem>>) target_semaphore(%run_scoped3A_80 : memref<!tpu.dma_semaphore, #tpu.memory_space<semaphore_mem>>)
      %dma_wait3A_83 = tpu.memref_slice %arg6[%add3A_29] : memref<163840xi32, #tpu.memory_space<hbm>> -> memref<80xi32, #tpu.memory_space<hbm>>
      %dma_wait3A_84 = tpu.memref_slice %arg6[%add3A_29] : memref<163840xi32, #tpu.memory_space<hbm>> -> memref<80xi32, #tpu.memory_space<hbm>>
      tpu.wait_dma2 semaphore(%run_scoped3A_80 : memref<!tpu.dma_semaphore, #tpu.memory_space<semaphore_mem>>) src(%dma_wait3A_84 : memref<80xi32, #tpu.memory_space<hbm>>) dst(%arg10 : memref<80xi32, #tpu.memory_space<vmem>>)
      tpu.yield
    }) : () -> ()
    "tpu.region"() ({
      %run_scoped3A_80 = tpu.sem_alloc : memref<!tpu.dma_semaphore, #tpu.memory_space<semaphore_mem>>
      %dma_start3A_81 = tpu.memref_slice %arg7[%add3A_29] : memref<163840xi32, #tpu.memory_space<hbm>> -> memref<80xi32, #tpu.memory_space<hbm>>
      %dma_start3A_82 = tpu.memref_slice %arg7[%add3A_29] : memref<163840xi32, #tpu.memory_space<hbm>> -> memref<80xi32, #tpu.memory_space<hbm>>
      tpu.enqueue_dma source(%dma_start3A_82 : memref<80xi32, #tpu.memory_space<hbm>>) target(%arg11 : memref<80xi32, #tpu.memory_space<vmem>>) target_semaphore(%run_scoped3A_80 : memref<!tpu.dma_semaphore, #tpu.memory_space<semaphore_mem>>)
      %dma_wait3A_83 = tpu.memref_slice %arg7[%add3A_29] : memref<163840xi32, #tpu.memory_space<hbm>> -> memref<80xi32, #tpu.memory_space<hbm>>
      %dma_wait3A_84 = tpu.memref_slice %arg7[%add3A_29] : memref<163840xi32, #tpu.memory_space<hbm>> -> memref<80xi32, #tpu.memory_space<hbm>>
      tpu.wait_dma2 semaphore(%run_scoped3A_80 : memref<!tpu.dma_semaphore, #tpu.memory_space<semaphore_mem>>) src(%dma_wait3A_84 : memref<80xi32, #tpu.memory_space<hbm>>) dst(%arg11 : memref<80xi32, #tpu.memory_space<vmem>>)
      tpu.yield
    }) : () -> ()
    %dma_start3A_30 = arith.constant 0 : i32
    %dma_start3A_31 = arith.constant 0 : i32
    %dma_start3A_32 = tpu.memref_slice %arg3[%dma_start3A_30, %dma_start3A_31] : memref<10240x128xf32, #tpu.memory_space<hbm>> -> memref<10240x128xf32, #tpu.memory_space<hbm>>
    tpu.enqueue_indirect_dma source(%dma_start3A_32 : memref<10240x128xf32, #tpu.memory_space<hbm>>) target(%arg12 : memref<80x128xf32, #tpu.memory_space<vmem>>) offsets(%arg10 : memref<80xi32, #tpu.memory_space<vmem>>) semaphore(%arg19 : memref<!tpu.dma_semaphore, #tpu.memory_space<semaphore_mem>>)
    %dma_start3A_33 = arith.constant 0 : i32
    %dma_start3A_34 = arith.constant 0 : i32
    %dma_start3A_35 = tpu.memref_slice %arg5[%dma_start3A_33, %dma_start3A_34] : memref<10240x128xf32, #tpu.memory_space<hbm>> -> memref<10240x128xf32, #tpu.memory_space<hbm>>
    tpu.enqueue_indirect_dma source(%dma_start3A_35 : memref<10240x128xf32, #tpu.memory_space<hbm>>) target(%arg13 : memref<80x128xf32, #tpu.memory_space<vmem>>) offsets(%arg11 : memref<80xi32, #tpu.memory_space<vmem>>) semaphore(%arg20 : memref<!tpu.dma_semaphore, #tpu.memory_space<semaphore_mem>>)
    %scan3A_36 = arith.constant 0 : i32
    %scan3A_37 = arith.constant 0 : i32
    %scan3A_38 = arith.constant 32 : i32
    %scan3A_39 = arith.addi %scan3A_37, %scan3A_38 : i32
    %scan3A_40 = arith.constant 1 : i32
    scf.for %scan3A_80 = %scan3A_37 to %scan3A_39 step %scan3A_40  : i32 {
      %mul3A_81 = arith.constant 2 : i32
      %mul3A_82 = arith.muli %mul3A_81, %scan3A_80 : i32
      %add3A_83 = arith.constant 0 : i32
      %add3A_84 = arith.addi %mul3A_82, %add3A_83 : i32
      %dma_wait3A_85 = arith.constant 0 : i32
      %dma_wait3A_86 = arith.constant 0 : i32
      %dma_wait3A_87 = tpu.memref_slice %arg3[%dma_wait3A_85, %dma_wait3A_86] : memref<10240x128xf32, #tpu.memory_space<hbm>> -> memref<10240x128xf32, #tpu.memory_space<hbm>>
      tpu.wait_indirect_dma semaphore(%arg19 : memref<!tpu.dma_semaphore, #tpu.memory_space<semaphore_mem>>) src(%dma_wait3A_87 : memref<10240x128xf32, #tpu.memory_space<hbm>>) dst(%arg12 : memref<80x128xf32, #tpu.memory_space<vmem>>)
      %dma_wait3A_88 = arith.constant 0 : i32
      %dma_wait3A_89 = arith.constant 0 : i32
      %dma_wait3A_90 = tpu.memref_slice %arg5[%dma_wait3A_88, %dma_wait3A_89] : memref<10240x128xf32, #tpu.memory_space<hbm>> -> memref<10240x128xf32, #tpu.memory_space<hbm>>
      tpu.wait_indirect_dma semaphore(%arg20 : memref<!tpu.dma_semaphore, #tpu.memory_space<semaphore_mem>>) src(%dma_wait3A_90 : memref<10240x128xf32, #tpu.memory_space<hbm>>) dst(%arg13 : memref<80x128xf32, #tpu.memory_space<vmem>>)
      %gt3A = arith.constant 0 : i32
      %gt3A_91 = arith.cmpi sgt, %add3A_84, %gt3A : i32
      %convert_element_type3A = arith.extui %gt3A_91 : i1 to i32
      %cond3A = arith.constant 0 : i32
      %cond3A_92 = arith.cmpi ne, %convert_element_type3A, %cond3A : i32
      scf.if %cond3A_92 {
        %dma_wait3A_132 = arith.constant 0 : i32
        %dma_wait3A_133 = arith.constant 0 : i32
        %dma_wait3A_134 = tpu.memref_slice %arg18[%dma_wait3A_132, %dma_wait3A_133] : memref<10240x128xf32, #tpu.memory_space<vmem_shared>> -> memref<10240x128xf32, #tpu.memory_space<vmem_shared>>
        tpu.wait_indirect_dma semaphore(%arg24 : memref<!tpu.dma_semaphore, #tpu.memory_space<semaphore_mem>>) src(%arg16 : memref<80x128xf32, #tpu.memory_space<vmem>>) dst(%dma_wait3A_134 : memref<10240x128xf32, #tpu.memory_space<vmem_shared>>)
      } else {
      }
      %add3A_93 = arith.constant 1 : i32
      %add3A_94 = arith.addi %add3A_84, %add3A_93 : i32
      %lt3A = arith.constant 64 : i32
      %lt3A_95 = arith.cmpi slt, %add3A_94, %lt3A : i32
      %convert_element_type3A_96 = arith.extui %lt3A_95 : i1 to i32
      %cond3A_97 = arith.constant 0 : i32
      %cond3A_98 = arith.cmpi ne, %convert_element_type3A_96, %cond3A_97 : i32
      scf.if %cond3A_98 {
        %add3A_132 = arith.constant 1 : i32
        %add3A_133 = arith.addi %add3A_84, %add3A_132 : i32
        %mul3A_134 = arith.constant 80 : i32
        %mul3A_135 = arith.muli %add3A_133, %mul3A_134 : i32
        %add3A_136 = arith.addi %mul3A_2, %mul3A_135 : i32
        "tpu.region"() ({
          %run_scoped3A_143 = tpu.sem_alloc : memref<!tpu.dma_semaphore, #tpu.memory_space<semaphore_mem>>
          %dma_start3A_144 = tpu.memref_slice %arg6[%add3A_136] : memref<163840xi32, #tpu.memory_space<hbm>> -> memref<80xi32, #tpu.memory_space<hbm>>
          %dma_start3A_145 = tpu.memref_slice %arg6[%add3A_136] : memref<163840xi32, #tpu.memory_space<hbm>> -> memref<80xi32, #tpu.memory_space<hbm>>
          tpu.enqueue_dma source(%dma_start3A_145 : memref<80xi32, #tpu.memory_space<hbm>>) target(%arg14 : memref<80xi32, #tpu.memory_space<vmem>>) target_semaphore(%run_scoped3A_143 : memref<!tpu.dma_semaphore, #tpu.memory_space<semaphore_mem>>)
          %dma_wait3A_146 = tpu.memref_slice %arg6[%add3A_136] : memref<163840xi32, #tpu.memory_space<hbm>> -> memref<80xi32, #tpu.memory_space<hbm>>
          %dma_wait3A_147 = tpu.memref_slice %arg6[%add3A_136] : memref<163840xi32, #tpu.memory_space<hbm>> -> memref<80xi32, #tpu.memory_space<hbm>>
          tpu.wait_dma2 semaphore(%run_scoped3A_143 : memref<!tpu.dma_semaphore, #tpu.memory_space<semaphore_mem>>) src(%dma_wait3A_147 : memref<80xi32, #tpu.memory_space<hbm>>) dst(%arg14 : memref<80xi32, #tpu.memory_space<vmem>>)
          tpu.yield
        }) : () -> ()
        "tpu.region"() ({
          %run_scoped3A_143 = tpu.sem_alloc : memref<!tpu.dma_semaphore, #tpu.memory_space<semaphore_mem>>
          %dma_start3A_144 = tpu.memref_slice %arg7[%add3A_136] : memref<163840xi32, #tpu.memory_space<hbm>> -> memref<80xi32, #tpu.memory_space<hbm>>
          %dma_start3A_145 = tpu.memref_slice %arg7[%add3A_136] : memref<163840xi32, #tpu.memory_space<hbm>> -> memref<80xi32, #tpu.memory_space<hbm>>
          tpu.enqueue_dma source(%dma_start3A_145 : memref<80xi32, #tpu.memory_space<hbm>>) target(%arg15 : memref<80xi32, #tpu.memory_space<vmem>>) target_semaphore(%run_scoped3A_143 : memref<!tpu.dma_semaphore, #tpu.memory_space<semaphore_mem>>)
          %dma_wait3A_146 = tpu.memref_slice %arg7[%add3A_136] : memref<163840xi32, #tpu.memory_space<hbm>> -> memref<80xi32, #tpu.memory_space<hbm>>
          %dma_wait3A_147 = tpu.memref_slice %arg7[%add3A_136] : memref<163840xi32, #tpu.memory_space<hbm>> -> memref<80xi32, #tpu.memory_space<hbm>>
          tpu.wait_dma2 semaphore(%run_scoped3A_143 : memref<!tpu.dma_semaphore, #tpu.memory_space<semaphore_mem>>) src(%dma_wait3A_147 : memref<80xi32, #tpu.memory_space<hbm>>) dst(%arg15 : memref<80xi32, #tpu.memory_space<vmem>>)
          tpu.yield
        }) : () -> ()
        %dma_start3A_137 = arith.constant 0 : i32
        %dma_start3A_138 = arith.constant 0 : i32
        %dma_start3A_139 = tpu.memref_slice %arg3[%dma_start3A_137, %dma_start3A_138] : memref<10240x128xf32, #tpu.memory_space<hbm>> -> memref<10240x128xf32, #tpu.memory_space<hbm>>
        tpu.enqueue_indirect_dma source(%dma_start3A_139 : memref<10240x128xf32, #tpu.memory_space<hbm>>) target(%arg16 : memref<80x128xf32, #tpu.memory_space<vmem>>) offsets(%arg14 : memref<80xi32, #tpu.memory_space<vmem>>) semaphore(%arg21 : memref<!tpu.dma_semaphore, #tpu.memory_space<semaphore_mem>>)
        %dma_start3A_140 = arith.constant 0 : i32
        %dma_start3A_141 = arith.constant 0 : i32
        %dma_start3A_142 = tpu.memref_slice %arg5[%dma_start3A_140, %dma_start3A_141] : memref<10240x128xf32, #tpu.memory_space<hbm>> -> memref<10240x128xf32, #tpu.memory_space<hbm>>
        tpu.enqueue_indirect_dma source(%dma_start3A_142 : memref<10240x128xf32, #tpu.memory_space<hbm>>) target(%arg17 : memref<80x128xf32, #tpu.memory_space<vmem>>) offsets(%arg15 : memref<80xi32, #tpu.memory_space<vmem>>) semaphore(%arg22 : memref<!tpu.dma_semaphore, #tpu.memory_space<semaphore_mem>>)
      } else {
      }
      %parallel_loop3A = arith.constant 0 : i32
      %parallel_loop3A_99 = arith.constant 80 : i32
      %parallel_loop3A_100 = arith.constant 1 : i32
      scf.for %parallel_loop3A_132 = %parallel_loop3A to %parallel_loop3A_99 step %parallel_loop3A_100  : i32 {
        %parallel_loop3A_133 = arith.index_cast %parallel_loop3A_132 : i32 to index
        %parallel_loop3A_134 = arith.constant 0 : index
        %parallel_loop3A_135 = tpu.vector_load %arg12[%parallel_loop3A_133, %parallel_loop3A_134] {strides = array<i32>} : memref<80x128xf32, #tpu.memory_space<vmem>>, vector<1x16xf32>,
        %parallel_loop3A_136 = vector.shape_cast %parallel_loop3A_135 : vector<1x16xf32> to vector<16xf32>
        %parallel_loop3A_137 = arith.index_cast %parallel_loop3A_132 : i32 to index
        %parallel_loop3A_138 = arith.constant 0 : index
        %parallel_loop3A_139 = tpu.vector_load %arg13[%parallel_loop3A_137, %parallel_loop3A_138] {strides = array<i32>} : memref<80x128xf32, #tpu.memory_space<vmem>>, vector<1x16xf32>,
        %parallel_loop3A_140 = vector.shape_cast %parallel_loop3A_139 : vector<1x16xf32> to vector<16xf32>
        %parallel_loop3A_141 = arith.addf %parallel_loop3A_136, %parallel_loop3A_140 : vector<16xf32>
        %parallel_loop3A_142 = arith.constant 0.000000e+00 : f32
        %parallel_loop3A_143 = vector.broadcast %parallel_loop3A_142 : f32 to vector<16xf32>
        %parallel_loop3A_144 = arith.maximumf %parallel_loop3A_141, %parallel_loop3A_143 : vector<16xf32>
        %parallel_loop3A_145 = arith.index_cast %parallel_loop3A_132 : i32 to index
        %parallel_loop3A_146 = arith.constant 0 : index
        %parallel_loop3A_147 = tpu.vector_load %arg12[%parallel_loop3A_145, %parallel_loop3A_146] {strides = array<i32>} : memref<80x128xf32, #tpu.memory_space<vmem>>, vector<1x16xf32>,
        %parallel_loop3A_148 = vector.shape_cast %parallel_loop3A_147 : vector<1x16xf32> to vector<16xf32>
        %parallel_loop3A_149 = vector.shape_cast %parallel_loop3A_144 : vector<16xf32> to vector<1x16xf32>
        tpu.vector_store %arg12[%parallel_loop3A_145, %parallel_loop3A_146], %parallel_loop3A_149 {strides = array<i32>} : memref<80x128xf32, #tpu.memory_space<vmem>>, vector<1x16xf32>,
        %parallel_loop3A_150 = arith.index_cast %parallel_loop3A_132 : i32 to index
        %parallel_loop3A_151 = arith.constant 16 : index
        %parallel_loop3A_152 = tpu.vector_load %arg12[%parallel_loop3A_150, %parallel_loop3A_151] {strides = array<i32>} : memref<80x128xf32, #tpu.memory_space<vmem>>, vector<1x16xf32>,
        %parallel_loop3A_153 = vector.shape_cast %parallel_loop3A_152 : vector<1x16xf32> to vector<16xf32>
        %parallel_loop3A_154 = arith.index_cast %parallel_loop3A_132 : i32 to index
        %parallel_loop3A_155 = arith.constant 16 : index
        %parallel_loop3A_156 = tpu.vector_load %arg13[%parallel_loop3A_154, %parallel_loop3A_155] {strides = array<i32>} : memref<80x128xf32, #tpu.memory_space<vmem>>, vector<1x16xf32>,
        %parallel_loop3A_157 = vector.shape_cast %parallel_loop3A_156 : vector<1x16xf32> to vector<16xf32>
        %parallel_loop3A_158 = arith.addf %parallel_loop3A_153, %parallel_loop3A_157 : vector<16xf32>
        %parallel_loop3A_159 = arith.constant 0.000000e+00 : f32
        %parallel_loop3A_160 = vector.broadcast %parallel_loop3A_159 : f32 to vector<16xf32>
        %parallel_loop3A_161 = arith.maximumf %parallel_loop3A_158, %parallel_loop3A_160 : vector<16xf32>
        %parallel_loop3A_162 = arith.index_cast %parallel_loop3A_132 : i32 to index
        %parallel_loop3A_163 = arith.constant 16 : index
        %parallel_loop3A_164 = tpu.vector_load %arg12[%parallel_loop3A_162, %parallel_loop3A_163] {strides = array<i32>} : memref<80x128xf32, #tpu.memory_space<vmem>>, vector<1x16xf32>,
        %parallel_loop3A_165 = vector.shape_cast %parallel_loop3A_164 : vector<1x16xf32> to vector<16xf32>
        %parallel_loop3A_166 = vector.shape_cast %parallel_loop3A_161 : vector<16xf32> to vector<1x16xf32>
        tpu.vector_store %arg12[%parallel_loop3A_162, %parallel_loop3A_163], %parallel_loop3A_166 {strides = array<i32>} : memref<80x128xf32, #tpu.memory_space<vmem>>, vector<1x16xf32>,
        %parallel_loop3A_167 = arith.index_cast %parallel_loop3A_132 : i32 to index
        %parallel_loop3A_168 = arith.constant 32 : index
        %parallel_loop3A_169 = tpu.vector_load %arg12[%parallel_loop3A_167, %parallel_loop3A_168] {strides = array<i32>} : memref<80x128xf32, #tpu.memory_space<vmem>>, vector<1x16xf32>,
        %parallel_loop3A_170 = vector.shape_cast %parallel_loop3A_169 : vector<1x16xf32> to vector<16xf32>
        %parallel_loop3A_171 = arith.index_cast %parallel_loop3A_132 : i32 to index
        %parallel_loop3A_172 = arith.constant 32 : index
        %parallel_loop3A_173 = tpu.vector_load %arg13[%parallel_loop3A_171, %parallel_loop3A_172] {strides = array<i32>} : memref<80x128xf32, #tpu.memory_space<vmem>>, vector<1x16xf32>,
        %parallel_loop3A_174 = vector.shape_cast %parallel_loop3A_173 : vector<1x16xf32> to vector<16xf32>
        %parallel_loop3A_175 = arith.addf %parallel_loop3A_170, %parallel_loop3A_174 : vector<16xf32>
        %parallel_loop3A_176 = arith.constant 0.000000e+00 : f32
        %parallel_loop3A_177 = vector.broadcast %parallel_loop3A_176 : f32 to vector<16xf32>
        %parallel_loop3A_178 = arith.maximumf %parallel_loop3A_175, %parallel_loop3A_177 : vector<16xf32>
        %parallel_loop3A_179 = arith.index_cast %parallel_loop3A_132 : i32 to index
        %parallel_loop3A_180 = arith.constant 32 : index
        %parallel_loop3A_181 = tpu.vector_load %arg12[%parallel_loop3A_179, %parallel_loop3A_180] {strides = array<i32>} : memref<80x128xf32, #tpu.memory_space<vmem>>, vector<1x16xf32>,
        %parallel_loop3A_182 = vector.shape_cast %parallel_loop3A_181 : vector<1x16xf32> to vector<16xf32>
        %parallel_loop3A_183 = vector.shape_cast %parallel_loop3A_178 : vector<16xf32> to vector<1x16xf32>
        tpu.vector_store %arg12[%parallel_loop3A_179, %parallel_loop3A_180], %parallel_loop3A_183 {strides = array<i32>} : memref<80x128xf32, #tpu.memory_space<vmem>>, vector<1x16xf32>,
        %parallel_loop3A_184 = arith.index_cast %parallel_loop3A_132 : i32 to index
        %parallel_loop3A_185 = arith.constant 48 : index
        %parallel_loop3A_186 = tpu.vector_load %arg12[%parallel_loop3A_184, %parallel_loop3A_185] {strides = array<i32>} : memref<80x128xf32, #tpu.memory_space<vmem>>, vector<1x16xf32>,
        %parallel_loop3A_187 = vector.shape_cast %parallel_loop3A_186 : vector<1x16xf32> to vector<16xf32>
        %parallel_loop3A_188 = arith.index_cast %parallel_loop3A_132 : i32 to index
        %parallel_loop3A_189 = arith.constant 48 : index
        %parallel_loop3A_190 = tpu.vector_load %arg13[%parallel_loop3A_188, %parallel_loop3A_189] {strides = array<i32>} : memref<80x128xf32, #tpu.memory_space<vmem>>, vector<1x16xf32>,
        %parallel_loop3A_191 = vector.shape_cast %parallel_loop3A_190 : vector<1x16xf32> to vector<16xf32>
        %parallel_loop3A_192 = arith.addf %parallel_loop3A_187, %parallel_loop3A_191 : vector<16xf32>
        %parallel_loop3A_193 = arith.constant 0.000000e+00 : f32
        %parallel_loop3A_194 = vector.broadcast %parallel_loop3A_193 : f32 to vector<16xf32>
        %parallel_loop3A_195 = arith.maximumf %parallel_loop3A_192, %parallel_loop3A_194 : vector<16xf32>
        %parallel_loop3A_196 = arith.index_cast %parallel_loop3A_132 : i32 to index
        %parallel_loop3A_197 = arith.constant 48 : index
        %parallel_loop3A_198 = tpu.vector_load %arg12[%parallel_loop3A_196, %parallel_loop3A_197] {strides = array<i32>} : memref<80x128xf32, #tpu.memory_space<vmem>>, vector<1x16xf32>,
        %parallel_loop3A_199 = vector.shape_cast %parallel_loop3A_198 : vector<1x16xf32> to vector<16xf32>
        %parallel_loop3A_200 = vector.shape_cast %parallel_loop3A_195 : vector<16xf32> to vector<1x16xf32>
        tpu.vector_store %arg12[%parallel_loop3A_196, %parallel_loop3A_197], %parallel_loop3A_200 {strides = array<i32>} : memref<80x128xf32, #tpu.memory_space<vmem>>, vector<1x16xf32>,
        %parallel_loop3A_201 = arith.index_cast %parallel_loop3A_132 : i32 to index
        %parallel_loop3A_202 = arith.constant 64 : index
        %parallel_loop3A_203 = tpu.vector_load %arg12[%parallel_loop3A_201, %parallel_loop3A_202] {strides = array<i32>} : memref<80x128xf32, #tpu.memory_space<vmem>>, vector<1x16xf32>,
        %parallel_loop3A_204 = vector.shape_cast %parallel_loop3A_203 : vector<1x16xf32> to vector<16xf32>
        %parallel_loop3A_205 = arith.index_cast %parallel_loop3A_132 : i32 to index
        %parallel_loop3A_206 = arith.constant 64 : index
        %parallel_loop3A_207 = tpu.vector_load %arg13[%parallel_loop3A_205, %parallel_loop3A_206] {strides = array<i32>} : memref<80x128xf32, #tpu.memory_space<vmem>>, vector<1x16xf32>,
        %parallel_loop3A_208 = vector.shape_cast %parallel_loop3A_207 : vector<1x16xf32> to vector<16xf32>
        %parallel_loop3A_209 = arith.addf %parallel_loop3A_204, %parallel_loop3A_208 : vector<16xf32>
        %parallel_loop3A_210 = arith.constant 0.000000e+00 : f32
        %parallel_loop3A_211 = vector.broadcast %parallel_loop3A_210 : f32 to vector<16xf32>
        %parallel_loop3A_212 = arith.maximumf %parallel_loop3A_209, %parallel_loop3A_211 : vector<16xf32>
        %parallel_loop3A_213 = arith.index_cast %parallel_loop3A_132 : i32 to index
        %parallel_loop3A_214 = arith.constant 64 : index
        %parallel_loop3A_215 = tpu.vector_load %arg12[%parallel_loop3A_213, %parallel_loop3A_214] {strides = array<i32>} : memref<80x128xf32, #tpu.memory_space<vmem>>, vector<1x16xf32>,
        %parallel_loop3A_216 = vector.shape_cast %parallel_loop3A_215 : vector<1x16xf32> to vector<16xf32>
        %parallel_loop3A_217 = vector.shape_cast %parallel_loop3A_212 : vector<16xf32> to vector<1x16xf32>
        tpu.vector_store %arg12[%parallel_loop3A_213, %parallel_loop3A_214], %parallel_loop3A_217 {strides = array<i32>} : memref<80x128xf32, #tpu.memory_space<vmem>>, vector<1x16xf32>,
        %parallel_loop3A_218 = arith.index_cast %parallel_loop3A_132 : i32 to index
        %parallel_loop3A_219 = arith.constant 80 : index
        %parallel_loop3A_220 = tpu.vector_load %arg12[%parallel_loop3A_218, %parallel_loop3A_219] {strides = array<i32>} : memref<80x128xf32, #tpu.memory_space<vmem>>, vector<1x16xf32>,
        %parallel_loop3A_221 = vector.shape_cast %parallel_loop3A_220 : vector<1x16xf32> to vector<16xf32>
        %parallel_loop3A_222 = arith.index_cast %parallel_loop3A_132 : i32 to index
        %parallel_loop3A_223 = arith.constant 80 : index
        %parallel_loop3A_224 = tpu.vector_load %arg13[%parallel_loop3A_222, %parallel_loop3A_223] {strides = array<i32>} : memref<80x128xf32, #tpu.memory_space<vmem>>, vector<1x16xf32>,
        %parallel_loop3A_225 = vector.shape_cast %parallel_loop3A_224 : vector<1x16xf32> to vector<16xf32>
        %parallel_loop3A_226 = arith.addf %parallel_loop3A_221, %parallel_loop3A_225 : vector<16xf32>
        %parallel_loop3A_227 = arith.constant 0.000000e+00 : f32
        %parallel_loop3A_228 = vector.broadcast %parallel_loop3A_227 : f32 to vector<16xf32>
        %parallel_loop3A_229 = arith.maximumf %parallel_loop3A_226, %parallel_loop3A_228 : vector<16xf32>
        %parallel_loop3A_230 = arith.index_cast %parallel_loop3A_132 : i32 to index
        %parallel_loop3A_231 = arith.constant 80 : index
        %parallel_loop3A_232 = tpu.vector_load %arg12[%parallel_loop3A_230, %parallel_loop3A_231] {strides = array<i32>} : memref<80x128xf32, #tpu.memory_space<vmem>>, vector<1x16xf32>,
        %parallel_loop3A_233 = vector.shape_cast %parallel_loop3A_232 : vector<1x16xf32> to vector<16xf32>
        %parallel_loop3A_234 = vector.shape_cast %parallel_loop3A_229 : vector<16xf32> to vector<1x16xf32>
        tpu.vector_store %arg12[%parallel_loop3A_230, %parallel_loop3A_231], %parallel_loop3A_234 {strides = array<i32>} : memref<80x128xf32, #tpu.memory_space<vmem>>, vector<1x16xf32>,
        %parallel_loop3A_235 = arith.index_cast %parallel_loop3A_132 : i32 to index
        %parallel_loop3A_236 = arith.constant 96 : index
        %parallel_loop3A_237 = tpu.vector_load %arg12[%parallel_loop3A_235, %parallel_loop3A_236] {strides = array<i32>} : memref<80x128xf32, #tpu.memory_space<vmem>>, vector<1x16xf32>,
        %parallel_loop3A_238 = vector.shape_cast %parallel_loop3A_237 : vector<1x16xf32> to vector<16xf32>
        %parallel_loop3A_239 = arith.index_cast %parallel_loop3A_132 : i32 to index
        %parallel_loop3A_240 = arith.constant 96 : index
        %parallel_loop3A_241 = tpu.vector_load %arg13[%parallel_loop3A_239, %parallel_loop3A_240] {strides = array<i32>} : memref<80x128xf32, #tpu.memory_space<vmem>>, vector<1x16xf32>,
        %parallel_loop3A_242 = vector.shape_cast %parallel_loop3A_241 : vector<1x16xf32> to vector<16xf32>
        %parallel_loop3A_243 = arith.addf %parallel_loop3A_238, %parallel_loop3A_242 : vector<16xf32>
        %parallel_loop3A_244 = arith.constant 0.000000e+00 : f32
        %parallel_loop3A_245 = vector.broadcast %parallel_loop3A_244 : f32 to vector<16xf32>
        %parallel_loop3A_246 = arith.maximumf %parallel_loop3A_243, %parallel_loop3A_245 : vector<16xf32>
        %parallel_loop3A_247 = arith.index_cast %parallel_loop3A_132 : i32 to index
        %parallel_loop3A_248 = arith.constant 96 : index
        %parallel_loop3A_249 = tpu.vector_load %arg12[%parallel_loop3A_247, %parallel_loop3A_248] {strides = array<i32>} : memref<80x128xf32, #tpu.memory_space<vmem>>, vector<1x16xf32>,
        %parallel_loop3A_250 = vector.shape_cast %parallel_loop3A_249 : vector<1x16xf32> to vector<16xf32>
        %parallel_loop3A_251 = vector.shape_cast %parallel_loop3A_246 : vector<16xf32> to vector<1x16xf32>
        tpu.vector_store %arg12[%parallel_loop3A_247, %parallel_loop3A_248], %parallel_loop3A_251 {strides = array<i32>} : memref<80x128xf32, #tpu.memory_space<vmem>>, vector<1x16xf32>,
        %parallel_loop3A_252 = arith.index_cast %parallel_loop3A_132 : i32 to index
        %parallel_loop3A_253 = arith.constant 112 : index
        %parallel_loop3A_254 = tpu.vector_load %arg12[%parallel_loop3A_252, %parallel_loop3A_253] {strides = array<i32>} : memref<80x128xf32, #tpu.memory_space<vmem>>, vector<1x16xf32>,
        %parallel_loop3A_255 = vector.shape_cast %parallel_loop3A_254 : vector<1x16xf32> to vector<16xf32>
        %parallel_loop3A_256 = arith.index_cast %parallel_loop3A_132 : i32 to index
        %parallel_loop3A_257 = arith.constant 112 : index
        %parallel_loop3A_258 = tpu.vector_load %arg13[%parallel_loop3A_256, %parallel_loop3A_257] {strides = array<i32>} : memref<80x128xf32, #tpu.memory_space<vmem>>, vector<1x16xf32>,
        %parallel_loop3A_259 = vector.shape_cast %parallel_loop3A_258 : vector<1x16xf32> to vector<16xf32>
        %parallel_loop3A_260 = arith.addf %parallel_loop3A_255, %parallel_loop3A_259 : vector<16xf32>
        %parallel_loop3A_261 = arith.constant 0.000000e+00 : f32
        %parallel_loop3A_262 = vector.broadcast %parallel_loop3A_261 : f32 to vector<16xf32>
        %parallel_loop3A_263 = arith.maximumf %parallel_loop3A_260, %parallel_loop3A_262 : vector<16xf32>
        %parallel_loop3A_264 = arith.index_cast %parallel_loop3A_132 : i32 to index
        %parallel_loop3A_265 = arith.constant 112 : index
        %parallel_loop3A_266 = tpu.vector_load %arg12[%parallel_loop3A_264, %parallel_loop3A_265] {strides = array<i32>} : memref<80x128xf32, #tpu.memory_space<vmem>>, vector<1x16xf32>,
        %parallel_loop3A_267 = vector.shape_cast %parallel_loop3A_266 : vector<1x16xf32> to vector<16xf32>
        %parallel_loop3A_268 = vector.shape_cast %parallel_loop3A_263 : vector<16xf32> to vector<1x16xf32>
        tpu.vector_store %arg12[%parallel_loop3A_264, %parallel_loop3A_265], %parallel_loop3A_268 {strides = array<i32>} : memref<80x128xf32, #tpu.memory_space<vmem>>, vector<1x16xf32>,
      } {sc.loop_unroll_factor = 4 : i64, sc.parallel_access}
      %dma_start3A_101 = arith.constant 0 : i32
      %dma_start3A_102 = arith.constant 0 : i32
      %dma_start3A_103 = tpu.memref_slice %arg18[%dma_start3A_101, %dma_start3A_102] : memref<10240x128xf32, #tpu.memory_space<vmem_shared>> -> memref<10240x128xf32, #tpu.memory_space<vmem_shared>>
      tpu.enqueue_indirect_dma source(%arg12 : memref<80x128xf32, #tpu.memory_space<vmem>>) target(%dma_start3A_103 : memref<10240x128xf32, #tpu.memory_space<vmem_shared>>) offsets(%arg10 : memref<80xi32, #tpu.memory_space<vmem>>) semaphore(%arg23 : memref<!tpu.dma_semaphore, #tpu.memory_space<semaphore_mem>>) {add = true}
      %mul3A_104 = arith.constant 2 : i32
      %mul3A_105 = arith.muli %mul3A_104, %scan3A_80 : i32
      %add3A_106 = arith.constant 1 : i32
      %add3A_107 = arith.addi %mul3A_105, %add3A_106 : i32
      %dma_wait3A_108 = arith.constant 0 : i32
      %dma_wait3A_109 = arith.constant 0 : i32
      %dma_wait3A_110 = tpu.memref_slice %arg3[%dma_wait3A_108, %dma_wait3A_109] : memref<10240x128xf32, #tpu.memory_space<hbm>> -> memref<10240x128xf32, #tpu.memory_space<hbm>>
      tpu.wait_indirect_dma semaphore(%arg21 : memref<!tpu.dma_semaphore, #tpu.memory_space<semaphore_mem>>) src(%dma_wait3A_110 : memref<10240x128xf32, #tpu.memory_space<hbm>>) dst(%arg16 : memref<80x128xf32, #tpu.memory_space<vmem>>)
      %dma_wait3A_111 = arith.constant 0 : i32
      %dma_wait3A_112 = arith.constant 0 : i32
      %dma_wait3A_113 = tpu.memref_slice %arg5[%dma_wait3A_111, %dma_wait3A_112] : memref<10240x128xf32, #tpu.memory_space<hbm>> -> memref<10240x128xf32, #tpu.memory_space<hbm>>
      tpu.wait_indirect_dma semaphore(%arg22 : memref<!tpu.dma_semaphore, #tpu.memory_space<semaphore_mem>>) src(%dma_wait3A_113 : memref<10240x128xf32, #tpu.memory_space<hbm>>) dst(%arg17 : memref<80x128xf32, #tpu.memory_space<vmem>>)
      %gt3A_114 = arith.constant 0 : i32
      %gt3A_115 = arith.cmpi sgt, %add3A_107, %gt3A_114 : i32
      %convert_element_type3A_116 = arith.extui %gt3A_115 : i1 to i32
      %cond3A_117 = arith.constant 0 : i32
      %cond3A_118 = arith.cmpi ne, %convert_element_type3A_116, %cond3A_117 : i32
      scf.if %cond3A_118 {
        %dma_wait3A_132 = arith.constant 0 : i32
        %dma_wait3A_133 = arith.constant 0 : i32
        %dma_wait3A_134 = tpu.memref_slice %arg18[%dma_wait3A_132, %dma_wait3A_133] : memref<10240x128xf32, #tpu.memory_space<vmem_shared>> -> memref<10240x128xf32, #tpu.memory_space<vmem_shared>>
        tpu.wait_indirect_dma semaphore(%arg23 : memref<!tpu.dma_semaphore, #tpu.memory_space<semaphore_mem>>) src(%arg12 : memref<80x128xf32, #tpu.memory_space<vmem>>) dst(%dma_wait3A_134 : memref<10240x128xf32, #tpu.memory_space<vmem_shared>>)
      } else {
      }
      %add3A_119 = arith.constant 1 : i32
      %add3A_120 = arith.addi %add3A_107, %add3A_119 : i32
      %lt3A_121 = arith.constant 64 : i32
      %lt3A_122 = arith.cmpi slt, %add3A_120, %lt3A_121 : i32
      %convert_element_type3A_123 = arith.extui %lt3A_122 : i1 to i32
      %cond3A_124 = arith.constant 0 : i32
      %cond3A_125 = arith.cmpi ne, %convert_element_type3A_123, %cond3A_124 : i32
      scf.if %cond3A_125 {
        %add3A_132 = arith.constant 1 : i32
        %add3A_133 = arith.addi %add3A_107, %add3A_132 : i32
        %mul3A_134 = arith.constant 80 : i32
        %mul3A_135 = arith.muli %add3A_133, %mul3A_134 : i32
        %add3A_136 = arith.addi %mul3A_2, %mul3A_135 : i32
        "tpu.region"() ({
          %run_scoped3A_143 = tpu.sem_alloc : memref<!tpu.dma_semaphore, #tpu.memory_space<semaphore_mem>>
          %dma_start3A_144 = tpu.memref_slice %arg6[%add3A_136] : memref<163840xi32, #tpu.memory_space<hbm>> -> memref<80xi32, #tpu.memory_space<hbm>>
          %dma_start3A_145 = tpu.memref_slice %arg6[%add3A_136] : memref<163840xi32, #tpu.memory_space<hbm>> -> memref<80xi32, #tpu.memory_space<hbm>>
          tpu.enqueue_dma source(%dma_start3A_145 : memref<80xi32, #tpu.memory_space<hbm>>) target(%arg10 : memref<80xi32, #tpu.memory_space<vmem>>) target_semaphore(%run_scoped3A_143 : memref<!tpu.dma_semaphore, #tpu.memory_space<semaphore_mem>>)
          %dma_wait3A_146 = tpu.memref_slice %arg6[%add3A_136] : memref<163840xi32, #tpu.memory_space<hbm>> -> memref<80xi32, #tpu.memory_space<hbm>>
          %dma_wait3A_147 = tpu.memref_slice %arg6[%add3A_136] : memref<163840xi32, #tpu.memory_space<hbm>> -> memref<80xi32, #tpu.memory_space<hbm>>
          tpu.wait_dma2 semaphore(%run_scoped3A_143 : memref<!tpu.dma_semaphore, #tpu.memory_space<semaphore_mem>>) src(%dma_wait3A_147 : memref<80xi32, #tpu.memory_space<hbm>>) dst(%arg10 : memref<80xi32, #tpu.memory_space<vmem>>)
          tpu.yield
        }) : () -> ()
        "tpu.region"() ({
          %run_scoped3A_143 = tpu.sem_alloc : memref<!tpu.dma_semaphore, #tpu.memory_space<semaphore_mem>>
          %dma_start3A_144 = tpu.memref_slice %arg7[%add3A_136] : memref<163840xi32, #tpu.memory_space<hbm>> -> memref<80xi32, #tpu.memory_space<hbm>>
          %dma_start3A_145 = tpu.memref_slice %arg7[%add3A_136] : memref<163840xi32, #tpu.memory_space<hbm>> -> memref<80xi32, #tpu.memory_space<hbm>>
          tpu.enqueue_dma source(%dma_start3A_145 : memref<80xi32, #tpu.memory_space<hbm>>) target(%arg11 : memref<80xi32, #tpu.memory_space<vmem>>) target_semaphore(%run_scoped3A_143 : memref<!tpu.dma_semaphore, #tpu.memory_space<semaphore_mem>>)
          %dma_wait3A_146 = tpu.memref_slice %arg7[%add3A_136] : memref<163840xi32, #tpu.memory_space<hbm>> -> memref<80xi32, #tpu.memory_space<hbm>>
          %dma_wait3A_147 = tpu.memref_slice %arg7[%add3A_136] : memref<163840xi32, #tpu.memory_space<hbm>> -> memref<80xi32, #tpu.memory_space<hbm>>
          tpu.wait_dma2 semaphore(%run_scoped3A_143 : memref<!tpu.dma_semaphore, #tpu.memory_space<semaphore_mem>>) src(%dma_wait3A_147 : memref<80xi32, #tpu.memory_space<hbm>>) dst(%arg11 : memref<80xi32, #tpu.memory_space<vmem>>)
          tpu.yield
        }) : () -> ()
        %dma_start3A_137 = arith.constant 0 : i32
        %dma_start3A_138 = arith.constant 0 : i32
        %dma_start3A_139 = tpu.memref_slice %arg3[%dma_start3A_137, %dma_start3A_138] : memref<10240x128xf32, #tpu.memory_space<hbm>> -> memref<10240x128xf32, #tpu.memory_space<hbm>>
        tpu.enqueue_indirect_dma source(%dma_start3A_139 : memref<10240x128xf32, #tpu.memory_space<hbm>>) target(%arg12 : memref<80x128xf32, #tpu.memory_space<vmem>>) offsets(%arg10 : memref<80xi32, #tpu.memory_space<vmem>>) semaphore(%arg19 : memref<!tpu.dma_semaphore, #tpu.memory_space<semaphore_mem>>)
        %dma_start3A_140 = arith.constant 0 : i32
        %dma_start3A_141 = arith.constant 0 : i32
        %dma_start3A_142 = tpu.memref_slice %arg5[%dma_start3A_140, %dma_start3A_141] : memref<10240x128xf32, #tpu.memory_space<hbm>> -> memref<10240x128xf32, #tpu.memory_space<hbm>>
        tpu.enqueue_indirect_dma source(%dma_start3A_142 : memref<10240x128xf32, #tpu.memory_space<hbm>>) target(%arg13 : memref<80x128xf32, #tpu.memory_space<vmem>>) offsets(%arg11 : memref<80xi32, #tpu.memory_space<vmem>>) semaphore(%arg20 : memref<!tpu.dma_semaphore, #tpu.memory_space<semaphore_mem>>)
      } else {
      }
      %parallel_loop3A_126 = arith.constant 0 : i32
      %parallel_loop3A_127 = arith.constant 80 : i32
      %parallel_loop3A_128 = arith.constant 1 : i32
      scf.for %parallel_loop3A_132 = %parallel_loop3A_126 to %parallel_loop3A_127 step %parallel_loop3A_128  : i32 {
        %parallel_loop3A_133 = arith.index_cast %parallel_loop3A_132 : i32 to index
        %parallel_loop3A_134 = arith.constant 0 : index
        %parallel_loop3A_135 = tpu.vector_load %arg16[%parallel_loop3A_133, %parallel_loop3A_134] {strides = array<i32>} : memref<80x128xf32, #tpu.memory_space<vmem>>, vector<1x16xf32>,
        %parallel_loop3A_136 = vector.shape_cast %parallel_loop3A_135 : vector<1x16xf32> to vector<16xf32>
        %parallel_loop3A_137 = arith.index_cast %parallel_loop3A_132 : i32 to index
        %parallel_loop3A_138 = arith.constant 0 : index
        %parallel_loop3A_139 = tpu.vector_load %arg17[%parallel_loop3A_137, %parallel_loop3A_138] {strides = array<i32>} : memref<80x128xf32, #tpu.memory_space<vmem>>, vector<1x16xf32>,
        %parallel_loop3A_140 = vector.shape_cast %parallel_loop3A_139 : vector<1x16xf32> to vector<16xf32>
        %parallel_loop3A_141 = arith.addf %parallel_loop3A_136, %parallel_loop3A_140 : vector<16xf32>
        %parallel_loop3A_142 = arith.constant 0.000000e+00 : f32
        %parallel_loop3A_143 = vector.broadcast %parallel_loop3A_142 : f32 to vector<16xf32>
        %parallel_loop3A_144 = arith.maximumf %parallel_loop3A_141, %parallel_loop3A_143 : vector<16xf32>
        %parallel_loop3A_145 = arith.index_cast %parallel_loop3A_132 : i32 to index
        %parallel_loop3A_146 = arith.constant 0 : index
        %parallel_loop3A_147 = tpu.vector_load %arg16[%parallel_loop3A_145, %parallel_loop3A_146] {strides = array<i32>} : memref<80x128xf32, #tpu.memory_space<vmem>>, vector<1x16xf32>,
        %parallel_loop3A_148 = vector.shape_cast %parallel_loop3A_147 : vector<1x16xf32> to vector<16xf32>
        %parallel_loop3A_149 = vector.shape_cast %parallel_loop3A_144 : vector<16xf32> to vector<1x16xf32>
        tpu.vector_store %arg16[%parallel_loop3A_145, %parallel_loop3A_146], %parallel_loop3A_149 {strides = array<i32>} : memref<80x128xf32, #tpu.memory_space<vmem>>, vector<1x16xf32>,
        %parallel_loop3A_150 = arith.index_cast %parallel_loop3A_132 : i32 to index
        %parallel_loop3A_151 = arith.constant 16 : index
        %parallel_loop3A_152 = tpu.vector_load %arg16[%parallel_loop3A_150, %parallel_loop3A_151] {strides = array<i32>} : memref<80x128xf32, #tpu.memory_space<vmem>>, vector<1x16xf32>,
        %parallel_loop3A_153 = vector.shape_cast %parallel_loop3A_152 : vector<1x16xf32> to vector<16xf32>
        %parallel_loop3A_154 = arith.index_cast %parallel_loop3A_132 : i32 to index
        %parallel_loop3A_155 = arith.constant 16 : index
        %parallel_loop3A_156 = tpu.vector_load %arg17[%parallel_loop3A_154, %parallel_loop3A_155] {strides = array<i32>} : memref<80x128xf32, #tpu.memory_space<vmem>>, vector<1x16xf32>,
        %parallel_loop3A_157 = vector.shape_cast %parallel_loop3A_156 : vector<1x16xf32> to vector<16xf32>
        %parallel_loop3A_158 = arith.addf %parallel_loop3A_153, %parallel_loop3A_157 : vector<16xf32>
        %parallel_loop3A_159 = arith.constant 0.000000e+00 : f32
        %parallel_loop3A_160 = vector.broadcast %parallel_loop3A_159 : f32 to vector<16xf32>
        %parallel_loop3A_161 = arith.maximumf %parallel_loop3A_158, %parallel_loop3A_160 : vector<16xf32>
        %parallel_loop3A_162 = arith.index_cast %parallel_loop3A_132 : i32 to index
        %parallel_loop3A_163 = arith.constant 16 : index
        %parallel_loop3A_164 = tpu.vector_load %arg16[%parallel_loop3A_162, %parallel_loop3A_163] {strides = array<i32>} : memref<80x128xf32, #tpu.memory_space<vmem>>, vector<1x16xf32>,
        %parallel_loop3A_165 = vector.shape_cast %parallel_loop3A_164 : vector<1x16xf32> to vector<16xf32>
        %parallel_loop3A_166 = vector.shape_cast %parallel_loop3A_161 : vector<16xf32> to vector<1x16xf32>
        tpu.vector_store %arg16[%parallel_loop3A_162, %parallel_loop3A_163], %parallel_loop3A_166 {strides = array<i32>} : memref<80x128xf32, #tpu.memory_space<vmem>>, vector<1x16xf32>,
        %parallel_loop3A_167 = arith.index_cast %parallel_loop3A_132 : i32 to index
        %parallel_loop3A_168 = arith.constant 32 : index
        %parallel_loop3A_169 = tpu.vector_load %arg16[%parallel_loop3A_167, %parallel_loop3A_168] {strides = array<i32>} : memref<80x128xf32, #tpu.memory_space<vmem>>, vector<1x16xf32>,
        %parallel_loop3A_170 = vector.shape_cast %parallel_loop3A_169 : vector<1x16xf32> to vector<16xf32>
        %parallel_loop3A_171 = arith.index_cast %parallel_loop3A_132 : i32 to index
        %parallel_loop3A_172 = arith.constant 32 : index
        %parallel_loop3A_173 = tpu.vector_load %arg17[%parallel_loop3A_171, %parallel_loop3A_172] {strides = array<i32>} : memref<80x128xf32, #tpu.memory_space<vmem>>, vector<1x16xf32>,
        %parallel_loop3A_174 = vector.shape_cast %parallel_loop3A_173 : vector<1x16xf32> to vector<16xf32>
        %parallel_loop3A_175 = arith.addf %parallel_loop3A_170, %parallel_loop3A_174 : vector<16xf32>
        %parallel_loop3A_176 = arith.constant 0.000000e+00 : f32
        %parallel_loop3A_177 = vector.broadcast %parallel_loop3A_176 : f32 to vector<16xf32>
        %parallel_loop3A_178 = arith.maximumf %parallel_loop3A_175, %parallel_loop3A_177 : vector<16xf32>
        %parallel_loop3A_179 = arith.index_cast %parallel_loop3A_132 : i32 to index
        %parallel_loop3A_180 = arith.constant 32 : index
        %parallel_loop3A_181 = tpu.vector_load %arg16[%parallel_loop3A_179, %parallel_loop3A_180] {strides = array<i32>} : memref<80x128xf32, #tpu.memory_space<vmem>>, vector<1x16xf32>,
        %parallel_loop3A_182 = vector.shape_cast %parallel_loop3A_181 : vector<1x16xf32> to vector<16xf32>
        %parallel_loop3A_183 = vector.shape_cast %parallel_loop3A_178 : vector<16xf32> to vector<1x16xf32>
        tpu.vector_store %arg16[%parallel_loop3A_179, %parallel_loop3A_180], %parallel_loop3A_183 {strides = array<i32>} : memref<80x128xf32, #tpu.memory_space<vmem>>, vector<1x16xf32>,
        %parallel_loop3A_184 = arith.index_cast %parallel_loop3A_132 : i32 to index
        %parallel_loop3A_185 = arith.constant 48 : index
        %parallel_loop3A_186 = tpu.vector_load %arg16[%parallel_loop3A_184, %parallel_loop3A_185] {strides = array<i32>} : memref<80x128xf32, #tpu.memory_space<vmem>>, vector<1x16xf32>,
        %parallel_loop3A_187 = vector.shape_cast %parallel_loop3A_186 : vector<1x16xf32> to vector<16xf32>
        %parallel_loop3A_188 = arith.index_cast %parallel_loop3A_132 : i32 to index
        %parallel_loop3A_189 = arith.constant 48 : index
        %parallel_loop3A_190 = tpu.vector_load %arg17[%parallel_loop3A_188, %parallel_loop3A_189] {strides = array<i32>} : memref<80x128xf32, #tpu.memory_space<vmem>>, vector<1x16xf32>,
        %parallel_loop3A_191 = vector.shape_cast %parallel_loop3A_190 : vector<1x16xf32> to vector<16xf32>
        %parallel_loop3A_192 = arith.addf %parallel_loop3A_187, %parallel_loop3A_191 : vector<16xf32>
        %parallel_loop3A_193 = arith.constant 0.000000e+00 : f32
        %parallel_loop3A_194 = vector.broadcast %parallel_loop3A_193 : f32 to vector<16xf32>
        %parallel_loop3A_195 = arith.maximumf %parallel_loop3A_192, %parallel_loop3A_194 : vector<16xf32>
        %parallel_loop3A_196 = arith.index_cast %parallel_loop3A_132 : i32 to index
        %parallel_loop3A_197 = arith.constant 48 : index
        %parallel_loop3A_198 = tpu.vector_load %arg16[%parallel_loop3A_196, %parallel_loop3A_197] {strides = array<i32>} : memref<80x128xf32, #tpu.memory_space<vmem>>, vector<1x16xf32>,
        %parallel_loop3A_199 = vector.shape_cast %parallel_loop3A_198 : vector<1x16xf32> to vector<16xf32>
        %parallel_loop3A_200 = vector.shape_cast %parallel_loop3A_195 : vector<16xf32> to vector<1x16xf32>
        tpu.vector_store %arg16[%parallel_loop3A_196, %parallel_loop3A_197], %parallel_loop3A_200 {strides = array<i32>} : memref<80x128xf32, #tpu.memory_space<vmem>>, vector<1x16xf32>,
        %parallel_loop3A_201 = arith.index_cast %parallel_loop3A_132 : i32 to index
        %parallel_loop3A_202 = arith.constant 64 : index
        %parallel_loop3A_203 = tpu.vector_load %arg16[%parallel_loop3A_201, %parallel_loop3A_202] {strides = array<i32>} : memref<80x128xf32, #tpu.memory_space<vmem>>, vector<1x16xf32>,
        %parallel_loop3A_204 = vector.shape_cast %parallel_loop3A_203 : vector<1x16xf32> to vector<16xf32>
        %parallel_loop3A_205 = arith.index_cast %parallel_loop3A_132 : i32 to index
        %parallel_loop3A_206 = arith.constant 64 : index
        %parallel_loop3A_207 = tpu.vector_load %arg17[%parallel_loop3A_205, %parallel_loop3A_206] {strides = array<i32>} : memref<80x128xf32, #tpu.memory_space<vmem>>, vector<1x16xf32>,
        %parallel_loop3A_208 = vector.shape_cast %parallel_loop3A_207 : vector<1x16xf32> to vector<16xf32>
        %parallel_loop3A_209 = arith.addf %parallel_loop3A_204, %parallel_loop3A_208 : vector<16xf32>
        %parallel_loop3A_210 = arith.constant 0.000000e+00 : f32
        %parallel_loop3A_211 = vector.broadcast %parallel_loop3A_210 : f32 to vector<16xf32>
        %parallel_loop3A_212 = arith.maximumf %parallel_loop3A_209, %parallel_loop3A_211 : vector<16xf32>
        %parallel_loop3A_213 = arith.index_cast %parallel_loop3A_132 : i32 to index
        %parallel_loop3A_214 = arith.constant 64 : index
        %parallel_loop3A_215 = tpu.vector_load %arg16[%parallel_loop3A_213, %parallel_loop3A_214] {strides = array<i32>} : memref<80x128xf32, #tpu.memory_space<vmem>>, vector<1x16xf32>,
        %parallel_loop3A_216 = vector.shape_cast %parallel_loop3A_215 : vector<1x16xf32> to vector<16xf32>
        %parallel_loop3A_217 = vector.shape_cast %parallel_loop3A_212 : vector<16xf32> to vector<1x16xf32>
        tpu.vector_store %arg16[%parallel_loop3A_213, %parallel_loop3A_214], %parallel_loop3A_217 {strides = array<i32>} : memref<80x128xf32, #tpu.memory_space<vmem>>, vector<1x16xf32>,
        %parallel_loop3A_218 = arith.index_cast %parallel_loop3A_132 : i32 to index
        %parallel_loop3A_219 = arith.constant 80 : index
        %parallel_loop3A_220 = tpu.vector_load %arg16[%parallel_loop3A_218, %parallel_loop3A_219] {strides = array<i32>} : memref<80x128xf32, #tpu.memory_space<vmem>>, vector<1x16xf32>,
        %parallel_loop3A_221 = vector.shape_cast %parallel_loop3A_220 : vector<1x16xf32> to vector<16xf32>
        %parallel_loop3A_222 = arith.index_cast %parallel_loop3A_132 : i32 to index
        %parallel_loop3A_223 = arith.constant 80 : index
        %parallel_loop3A_224 = tpu.vector_load %arg17[%parallel_loop3A_222, %parallel_loop3A_223] {strides = array<i32>} : memref<80x128xf32, #tpu.memory_space<vmem>>, vector<1x16xf32>,
        %parallel_loop3A_225 = vector.shape_cast %parallel_loop3A_224 : vector<1x16xf32> to vector<16xf32>
        %parallel_loop3A_226 = arith.addf %parallel_loop3A_221, %parallel_loop3A_225 : vector<16xf32>
        %parallel_loop3A_227 = arith.constant 0.000000e+00 : f32
        %parallel_loop3A_228 = vector.broadcast %parallel_loop3A_227 : f32 to vector<16xf32>
        %parallel_loop3A_229 = arith.maximumf %parallel_loop3A_226, %parallel_loop3A_228 : vector<16xf32>
        %parallel_loop3A_230 = arith.index_cast %parallel_loop3A_132 : i32 to index
        %parallel_loop3A_231 = arith.constant 80 : index
        %parallel_loop3A_232 = tpu.vector_load %arg16[%parallel_loop3A_230, %parallel_loop3A_231] {strides = array<i32>} : memref<80x128xf32, #tpu.memory_space<vmem>>, vector<1x16xf32>,
        %parallel_loop3A_233 = vector.shape_cast %parallel_loop3A_232 : vector<1x16xf32> to vector<16xf32>
        %parallel_loop3A_234 = vector.shape_cast %parallel_loop3A_229 : vector<16xf32> to vector<1x16xf32>
        tpu.vector_store %arg16[%parallel_loop3A_230, %parallel_loop3A_231], %parallel_loop3A_234 {strides = array<i32>} : memref<80x128xf32, #tpu.memory_space<vmem>>, vector<1x16xf32>,
        %parallel_loop3A_235 = arith.index_cast %parallel_loop3A_132 : i32 to index
        %parallel_loop3A_236 = arith.constant 96 : index
        %parallel_loop3A_237 = tpu.vector_load %arg16[%parallel_loop3A_235, %parallel_loop3A_236] {strides = array<i32>} : memref<80x128xf32, #tpu.memory_space<vmem>>, vector<1x16xf32>,
        %parallel_loop3A_238 = vector.shape_cast %parallel_loop3A_237 : vector<1x16xf32> to vector<16xf32>
        %parallel_loop3A_239 = arith.index_cast %parallel_loop3A_132 : i32 to index
        %parallel_loop3A_240 = arith.constant 96 : index
        %parallel_loop3A_241 = tpu.vector_load %arg17[%parallel_loop3A_239, %parallel_loop3A_240] {strides = array<i32>} : memref<80x128xf32, #tpu.memory_space<vmem>>, vector<1x16xf32>,
        %parallel_loop3A_242 = vector.shape_cast %parallel_loop3A_241 : vector<1x16xf32> to vector<16xf32>
        %parallel_loop3A_243 = arith.addf %parallel_loop3A_238, %parallel_loop3A_242 : vector<16xf32>
        %parallel_loop3A_244 = arith.constant 0.000000e+00 : f32
        %parallel_loop3A_245 = vector.broadcast %parallel_loop3A_244 : f32 to vector<16xf32>
        %parallel_loop3A_246 = arith.maximumf %parallel_loop3A_243, %parallel_loop3A_245 : vector<16xf32>
        %parallel_loop3A_247 = arith.index_cast %parallel_loop3A_132 : i32 to index
        %parallel_loop3A_248 = arith.constant 96 : index
        %parallel_loop3A_249 = tpu.vector_load %arg16[%parallel_loop3A_247, %parallel_loop3A_248] {strides = array<i32>} : memref<80x128xf32, #tpu.memory_space<vmem>>, vector<1x16xf32>,
        %parallel_loop3A_250 = vector.shape_cast %parallel_loop3A_249 : vector<1x16xf32> to vector<16xf32>
        %parallel_loop3A_251 = vector.shape_cast %parallel_loop3A_246 : vector<16xf32> to vector<1x16xf32>
        tpu.vector_store %arg16[%parallel_loop3A_247, %parallel_loop3A_248], %parallel_loop3A_251 {strides = array<i32>} : memref<80x128xf32, #tpu.memory_space<vmem>>, vector<1x16xf32>,
        %parallel_loop3A_252 = arith.index_cast %parallel_loop3A_132 : i32 to index
        %parallel_loop3A_253 = arith.constant 112 : index
        %parallel_loop3A_254 = tpu.vector_load %arg16[%parallel_loop3A_252, %parallel_loop3A_253] {strides = array<i32>} : memref<80x128xf32, #tpu.memory_space<vmem>>, vector<1x16xf32>,
        %parallel_loop3A_255 = vector.shape_cast %parallel_loop3A_254 : vector<1x16xf32> to vector<16xf32>
        %parallel_loop3A_256 = arith.index_cast %parallel_loop3A_132 : i32 to index
        %parallel_loop3A_257 = arith.constant 112 : index
        %parallel_loop3A_258 = tpu.vector_load %arg17[%parallel_loop3A_256, %parallel_loop3A_257] {strides = array<i32>} : memref<80x128xf32, #tpu.memory_space<vmem>>, vector<1x16xf32>,
        %parallel_loop3A_259 = vector.shape_cast %parallel_loop3A_258 : vector<1x16xf32> to vector<16xf32>
        %parallel_loop3A_260 = arith.addf %parallel_loop3A_255, %parallel_loop3A_259 : vector<16xf32>
        %parallel_loop3A_261 = arith.constant 0.000000e+00 : f32
        %parallel_loop3A_262 = vector.broadcast %parallel_loop3A_261 : f32 to vector<16xf32>
        %parallel_loop3A_263 = arith.maximumf %parallel_loop3A_260, %parallel_loop3A_262 : vector<16xf32>
        %parallel_loop3A_264 = arith.index_cast %parallel_loop3A_132 : i32 to index
        %parallel_loop3A_265 = arith.constant 112 : index
        %parallel_loop3A_266 = tpu.vector_load %arg16[%parallel_loop3A_264, %parallel_loop3A_265] {strides = array<i32>} : memref<80x128xf32, #tpu.memory_space<vmem>>, vector<1x16xf32>,
        %parallel_loop3A_267 = vector.shape_cast %parallel_loop3A_266 : vector<1x16xf32> to vector<16xf32>
        %parallel_loop3A_268 = vector.shape_cast %parallel_loop3A_263 : vector<16xf32> to vector<1x16xf32>
        tpu.vector_store %arg16[%parallel_loop3A_264, %parallel_loop3A_265], %parallel_loop3A_268 {strides = array<i32>} : memref<80x128xf32, #tpu.memory_space<vmem>>, vector<1x16xf32>,
      } {sc.loop_unroll_factor = 4 : i64, sc.parallel_access}
      %dma_start3A_129 = arith.constant 0 : i32
      %dma_start3A_130 = arith.constant 0 : i32
      %dma_start3A_131 = tpu.memref_slice %arg18[%dma_start3A_129, %dma_start3A_130] : memref<10240x128xf32, #tpu.memory_space<vmem_shared>> -> memref<10240x128xf32, #tpu.memory_space<vmem_shared>>
      tpu.enqueue_indirect_dma source(%arg16 : memref<80x128xf32, #tpu.memory_space<vmem>>) target(%dma_start3A_131 : memref<10240x128xf32, #tpu.memory_space<vmem_shared>>) offsets(%arg14 : memref<80xi32, #tpu.memory_space<vmem>>) semaphore(%arg24 : memref<!tpu.dma_semaphore, #tpu.memory_space<semaphore_mem>>) {add = true}
    }
    %scan3A_41 = arith.constant 32 : i32
    %dma_wait3A_42 = arith.constant 0 : i32
    %dma_wait3A_43 = arith.constant 0 : i32
    %dma_wait3A_44 = tpu.memref_slice %arg18[%dma_wait3A_42, %dma_wait3A_43] : memref<10240x128xf32, #tpu.memory_space<vmem_shared>> -> memref<10240x128xf32, #tpu.memory_space<vmem_shared>>
    tpu.wait_indirect_dma semaphore(%arg24 : memref<!tpu.dma_semaphore, #tpu.memory_space<semaphore_mem>>) src(%arg16 : memref<80x128xf32, #tpu.memory_space<vmem>>) dst(%dma_wait3A_44 : memref<10240x128xf32, #tpu.memory_space<vmem_shared>>)
    %barrier3A_45 = arith.constant 0 : index
    tpu.barrier barrier_id(%barrier3A_45)
    %mul3A_46 = arith.constant 640 : i32
    %mul3A_47 = arith.muli %arg1, %mul3A_46 : i32
    %mul3A_48 = arith.constant 640 : i32
    %mul3A_49 = arith.muli %arg1, %mul3A_48 : i32
    %run_scoped3A_50 = arith.constant 1 : i32
    "tpu.region"() ({
      %run_scoped3A_80 = tpu.sem_alloc : memref<!tpu.dma_semaphore, #tpu.memory_space<semaphore_mem>>
      %dma_start3A_81 = arith.constant 0 : i32
      %dma_start3A_82 = tpu.memref_slice %arg9[%arg0, %run_scoped3A_50, %mul3A_49, %dma_start3A_81] : memref<2x3x10240x128xf32, #tpu.memory_space<hbm>> -> memref<1x1x640x128xf32, #tpu.memory_space<hbm>>
      %dma_start3A_83 = tpu.memref_squeeze %dma_start3A_82 : memref<1x1x640x128xf32, #tpu.memory_space<hbm>> -> memref<640x128xf32, #tpu.memory_space<hbm>>
      %dma_start3A_84 = arith.constant 0 : i32
      %dma_start3A_85 = tpu.memref_slice %arg18[%mul3A_47, %dma_start3A_84] : memref<10240x128xf32, #tpu.memory_space<vmem_shared>> -> memref<640x128xf32, #tpu.memory_space<vmem_shared>>
      tpu.enqueue_dma source(%dma_start3A_85 : memref<640x128xf32, #tpu.memory_space<vmem_shared>>) target(%dma_start3A_83 : memref<640x128xf32, #tpu.memory_space<hbm>>) target_semaphore(%run_scoped3A_80 : memref<!tpu.dma_semaphore, #tpu.memory_space<semaphore_mem>>)
      %dma_wait3A_86 = arith.constant 0 : i32
      %dma_wait3A_87 = tpu.memref_slice %arg9[%arg0, %run_scoped3A_50, %mul3A_49, %dma_wait3A_86] : memref<2x3x10240x128xf32, #tpu.memory_space<hbm>> -> memref<1x1x640x128xf32, #tpu.memory_space<hbm>>
      %dma_wait3A_88 = tpu.memref_squeeze %dma_wait3A_87 : memref<1x1x640x128xf32, #tpu.memory_space<hbm>> -> memref<640x128xf32, #tpu.memory_space<hbm>>
      %dma_wait3A_89 = arith.constant 0 : i32
      %dma_wait3A_90 = tpu.memref_slice %arg18[%mul3A_47, %dma_wait3A_89] : memref<10240x128xf32, #tpu.memory_space<vmem_shared>> -> memref<640x128xf32, #tpu.memory_space<vmem_shared>>
      tpu.wait_dma2 semaphore(%run_scoped3A_80 : memref<!tpu.dma_semaphore, #tpu.memory_space<semaphore_mem>>) src(%dma_wait3A_90 : memref<640x128xf32, #tpu.memory_space<vmem_shared>>) dst(%dma_wait3A_88 : memref<640x128xf32, #tpu.memory_space<hbm>>)
      tpu.yield
    }) : () -> ()
    %barrier3A_51 = arith.constant 0 : index
    tpu.barrier barrier_id(%barrier3A_51)
    %mul3A_52 = arith.constant 640 : i32
    %mul3A_53 = arith.muli %arg1, %mul3A_52 : i32
    "tpu.region"() ({
      %run_scoped3A_80 = tpu.sem_alloc : memref<!tpu.dma_semaphore, #tpu.memory_space<semaphore_mem>>
      %dma_start3A_81 = arith.constant 0 : i32
      %dma_start3A_82 = tpu.memref_slice %arg18[%mul3A_53, %dma_start3A_81] : memref<10240x128xf32, #tpu.memory_space<vmem_shared>> -> memref<640x128xf32, #tpu.memory_space<vmem_shared>>
      tpu.enqueue_dma source(%arg8 : memref<640x128xf32, #tpu.memory_space<hbm>>) target(%dma_start3A_82 : memref<640x128xf32, #tpu.memory_space<vmem_shared>>) target_semaphore(%run_scoped3A_80 : memref<!tpu.dma_semaphore, #tpu.memory_space<semaphore_mem>>)
      %dma_wait3A_83 = arith.constant 0 : i32
      %dma_wait3A_84 = tpu.memref_slice %arg18[%mul3A_53, %dma_wait3A_83] : memref<10240x128xf32, #tpu.memory_space<vmem_shared>> -> memref<640x128xf32, #tpu.memory_space<vmem_shared>>
      tpu.wait_dma2 semaphore(%run_scoped3A_80 : memref<!tpu.dma_semaphore, #tpu.memory_space<semaphore_mem>>) src(%arg8 : memref<640x128xf32, #tpu.memory_space<hbm>>) dst(%dma_wait3A_84 : memref<640x128xf32, #tpu.memory_space<vmem_shared>>)
      tpu.yield
    }) : () -> ()
    %barrier3A_54 = arith.constant 0 : index
    tpu.barrier barrier_id(%barrier3A_54)
    %scan3A_55 = arith.constant 0 : i32
    %scan3A_56 = arith.constant 0 : i32
    %scan3A_57 = arith.constant 80 : i32
    %scan3A_58 = arith.addi %scan3A_56, %scan3A_57 : i32
    %scan3A_59 = arith.constant 1 : i32
    scf.for %scan3A_80 = %scan3A_56 to %scan3A_58 step %scan3A_59  : i32 {
      %broadcast_in_dim3A = arith.constant 1.000000e+00 : f32
      %broadcast_in_dim3A_81 = vector.broadcast %broadcast_in_dim3A : f32 to vector<16xf32>
      %swap3A = arith.index_cast %scan3A_80 : i32 to index
      %swap3A_82 = arith.constant 0 : index
      %swap3A_83 = tpu.vector_load %arg12[%swap3A, %swap3A_82] {strides = array<i32>} : memref<80x128xf32, #tpu.memory_space<vmem>>, vector<1x16xf32>,
      %swap3A_84 = vector.shape_cast %swap3A_83 : vector<1x16xf32> to vector<16xf32>
      %swap3A_85 = vector.shape_cast %broadcast_in_dim3A_81 : vector<16xf32> to vector<1x16xf32>
      tpu.vector_store %arg12[%swap3A, %swap3A_82], %swap3A_85 {strides = array<i32>} : memref<80x128xf32, #tpu.memory_space<vmem>>, vector<1x16xf32>,
      %broadcast_in_dim3A_86 = arith.constant 1.000000e+00 : f32
      %broadcast_in_dim3A_87 = vector.broadcast %broadcast_in_dim3A_86 : f32 to vector<16xf32>
      %swap3A_88 = arith.index_cast %scan3A_80 : i32 to index
      %swap3A_89 = arith.constant 16 : index
      %swap3A_90 = tpu.vector_load %arg12[%swap3A_88, %swap3A_89] {strides = array<i32>} : memref<80x128xf32, #tpu.memory_space<vmem>>, vector<1x16xf32>,
      %swap3A_91 = vector.shape_cast %swap3A_90 : vector<1x16xf32> to vector<16xf32>
      %swap3A_92 = vector.shape_cast %broadcast_in_dim3A_87 : vector<16xf32> to vector<1x16xf32>
      tpu.vector_store %arg12[%swap3A_88, %swap3A_89], %swap3A_92 {strides = array<i32>} : memref<80x128xf32, #tpu.memory_space<vmem>>, vector<1x16xf32>,
      %broadcast_in_dim3A_93 = arith.constant 1.000000e+00 : f32
      %broadcast_in_dim3A_94 = vector.broadcast %broadcast_in_dim3A_93 : f32 to vector<16xf32>
      %swap3A_95 = arith.index_cast %scan3A_80 : i32 to index
      %swap3A_96 = arith.constant 32 : index
      %swap3A_97 = tpu.vector_load %arg12[%swap3A_95, %swap3A_96] {strides = array<i32>} : memref<80x128xf32, #tpu.memory_space<vmem>>, vector<1x16xf32>,
      %swap3A_98 = vector.shape_cast %swap3A_97 : vector<1x16xf32> to vector<16xf32>
      %swap3A_99 = vector.shape_cast %broadcast_in_dim3A_94 : vector<16xf32> to vector<1x16xf32>
      tpu.vector_store %arg12[%swap3A_95, %swap3A_96], %swap3A_99 {strides = array<i32>} : memref<80x128xf32, #tpu.memory_space<vmem>>, vector<1x16xf32>,
      %broadcast_in_dim3A_100 = arith.constant 1.000000e+00 : f32
      %broadcast_in_dim3A_101 = vector.broadcast %broadcast_in_dim3A_100 : f32 to vector<16xf32>
      %swap3A_102 = arith.index_cast %scan3A_80 : i32 to index
      %swap3A_103 = arith.constant 48 : index
      %swap3A_104 = tpu.vector_load %arg12[%swap3A_102, %swap3A_103] {strides = array<i32>} : memref<80x128xf32, #tpu.memory_space<vmem>>, vector<1x16xf32>,
      %swap3A_105 = vector.shape_cast %swap3A_104 : vector<1x16xf32> to vector<16xf32>
      %swap3A_106 = vector.shape_cast %broadcast_in_dim3A_101 : vector<16xf32> to vector<1x16xf32>
      tpu.vector_store %arg12[%swap3A_102, %swap3A_103], %swap3A_106 {strides = array<i32>} : memref<80x128xf32, #tpu.memory_space<vmem>>, vector<1x16xf32>,
      %broadcast_in_dim3A_107 = arith.constant 1.000000e+00 : f32
      %broadcast_in_dim3A_108 = vector.broadcast %broadcast_in_dim3A_107 : f32 to vector<16xf32>
      %swap3A_109 = arith.index_cast %scan3A_80 : i32 to index
      %swap3A_110 = arith.constant 64 : index
      %swap3A_111 = tpu.vector_load %arg12[%swap3A_109, %swap3A_110] {strides = array<i32>} : memref<80x128xf32, #tpu.memory_space<vmem>>, vector<1x16xf32>,
      %swap3A_112 = vector.shape_cast %swap3A_111 : vector<1x16xf32> to vector<16xf32>
      %swap3A_113 = vector.shape_cast %broadcast_in_dim3A_108 : vector<16xf32> to vector<1x16xf32>
      tpu.vector_store %arg12[%swap3A_109, %swap3A_110], %swap3A_113 {strides = array<i32>} : memref<80x128xf32, #tpu.memory_space<vmem>>, vector<1x16xf32>,
      %broadcast_in_dim3A_114 = arith.constant 1.000000e+00 : f32
      %broadcast_in_dim3A_115 = vector.broadcast %broadcast_in_dim3A_114 : f32 to vector<16xf32>
      %swap3A_116 = arith.index_cast %scan3A_80 : i32 to index
      %swap3A_117 = arith.constant 80 : index
      %swap3A_118 = tpu.vector_load %arg12[%swap3A_116, %swap3A_117] {strides = array<i32>} : memref<80x128xf32, #tpu.memory_space<vmem>>, vector<1x16xf32>,
      %swap3A_119 = vector.shape_cast %swap3A_118 : vector<1x16xf32> to vector<16xf32>
      %swap3A_120 = vector.shape_cast %broadcast_in_dim3A_115 : vector<16xf32> to vector<1x16xf32>
      tpu.vector_store %arg12[%swap3A_116, %swap3A_117], %swap3A_120 {strides = array<i32>} : memref<80x128xf32, #tpu.memory_space<vmem>>, vector<1x16xf32>,
      %broadcast_in_dim3A_121 = arith.constant 1.000000e+00 : f32
      %broadcast_in_dim3A_122 = vector.broadcast %broadcast_in_dim3A_121 : f32 to vector<16xf32>
      %swap3A_123 = arith.index_cast %scan3A_80 : i32 to index
      %swap3A_124 = arith.constant 96 : index
      %swap3A_125 = tpu.vector_load %arg12[%swap3A_123, %swap3A_124] {strides = array<i32>} : memref<80x128xf32, #tpu.memory_space<vmem>>, vector<1x16xf32>,
      %swap3A_126 = vector.shape_cast %swap3A_125 : vector<1x16xf32> to vector<16xf32>
      %swap3A_127 = vector.shape_cast %broadcast_in_dim3A_122 : vector<16xf32> to vector<1x16xf32>
      tpu.vector_store %arg12[%swap3A_123, %swap3A_124], %swap3A_127 {strides = array<i32>} : memref<80x128xf32, #tpu.memory_space<vmem>>, vector<1x16xf32>,
      %broadcast_in_dim3A_128 = arith.constant 1.000000e+00 : f32
      %broadcast_in_dim3A_129 = vector.broadcast %broadcast_in_dim3A_128 : f32 to vector<16xf32>
      %swap3A_130 = arith.index_cast %scan3A_80 : i32 to index
      %swap3A_131 = arith.constant 112 : index
      %swap3A_132 = tpu.vector_load %arg12[%swap3A_130, %swap3A_131] {strides = array<i32>} : memref<80x128xf32, #tpu.memory_space<vmem>>, vector<1x16xf32>,
      %swap3A_133 = vector.shape_cast %swap3A_132 : vector<1x16xf32> to vector<16xf32>
      %swap3A_134 = vector.shape_cast %broadcast_in_dim3A_129 : vector<16xf32> to vector<1x16xf32>
      tpu.vector_store %arg12[%swap3A_130, %swap3A_131], %swap3A_134 {strides = array<i32>} : memref<80x128xf32, #tpu.memory_space<vmem>>, vector<1x16xf32>,
    }
    %scan3A_60 = arith.constant 80 : i32
    %scan3A_61 = arith.constant 0 : i32
    %scan3A_62 = arith.constant 0 : i32
    %scan3A_63 = arith.constant 32 : i32
    %scan3A_64 = arith.addi %scan3A_62, %scan3A_63 : i32
    %scan3A_65 = arith.constant 1 : i32
    scf.for %scan3A_80 = %scan3A_62 to %scan3A_64 step %scan3A_65  : i32 {
      %mul3A_81 = arith.constant 2 : i32
      %mul3A_82 = arith.muli %mul3A_81, %scan3A_80 : i32
      %add3A_83 = arith.constant 0 : i32
      %add3A_84 = arith.addi %mul3A_82, %add3A_83 : i32
      %gt3A = arith.constant 1 : i32
      %gt3A_85 = arith.cmpi sgt, %add3A_84, %gt3A : i32
      %convert_element_type3A = arith.extui %gt3A_85 : i1 to i32
      %cond3A = arith.constant 0 : i32
      %cond3A_86 = arith.cmpi ne, %convert_element_type3A, %cond3A : i32
      scf.if %cond3A_86 {
        %dma_wait3A_108 = arith.constant 0 : i32
        %dma_wait3A_109 = arith.constant 0 : i32
        %dma_wait3A_110 = tpu.memref_slice %arg18[%dma_wait3A_108, %dma_wait3A_109] : memref<10240x128xf32, #tpu.memory_space<vmem_shared>> -> memref<10240x128xf32, #tpu.memory_space<vmem_shared>>
        tpu.wait_indirect_dma semaphore(%arg23 : memref<!tpu.dma_semaphore, #tpu.memory_space<semaphore_mem>>) src(%arg12 : memref<80x128xf32, #tpu.memory_space<vmem>>) dst(%dma_wait3A_110 : memref<10240x128xf32, #tpu.memory_space<vmem_shared>>)
      } else {
      }
      %mul3A_87 = arith.constant 80 : i32
      %mul3A_88 = arith.muli %add3A_84, %mul3A_87 : i32
      %add3A_89 = arith.addi %mul3A_2, %mul3A_88 : i32
      "tpu.region"() ({
        %run_scoped3A_108 = tpu.sem_alloc : memref<!tpu.dma_semaphore, #tpu.memory_space<semaphore_mem>>
        %dma_start3A_109 = tpu.memref_slice %arg6[%add3A_89] : memref<163840xi32, #tpu.memory_space<hbm>> -> memref<80xi32, #tpu.memory_space<hbm>>
        %dma_start3A_110 = tpu.memref_slice %arg6[%add3A_89] : memref<163840xi32, #tpu.memory_space<hbm>> -> memref<80xi32, #tpu.memory_space<hbm>>
        tpu.enqueue_dma source(%dma_start3A_110 : memref<80xi32, #tpu.memory_space<hbm>>) target(%arg10 : memref<80xi32, #tpu.memory_space<vmem>>) target_semaphore(%run_scoped3A_108 : memref<!tpu.dma_semaphore, #tpu.memory_space<semaphore_mem>>)
        %dma_wait3A_111 = tpu.memref_slice %arg6[%add3A_89] : memref<163840xi32, #tpu.memory_space<hbm>> -> memref<80xi32, #tpu.memory_space<hbm>>
        %dma_wait3A_112 = tpu.memref_slice %arg6[%add3A_89] : memref<163840xi32, #tpu.memory_space<hbm>> -> memref<80xi32, #tpu.memory_space<hbm>>
        tpu.wait_dma2 semaphore(%run_scoped3A_108 : memref<!tpu.dma_semaphore, #tpu.memory_space<semaphore_mem>>) src(%dma_wait3A_112 : memref<80xi32, #tpu.memory_space<hbm>>) dst(%arg10 : memref<80xi32, #tpu.memory_space<vmem>>)
        tpu.yield
      }) : () -> ()
      %dma_start3A_90 = arith.constant 0 : i32
      %dma_start3A_91 = arith.constant 0 : i32
      %dma_start3A_92 = tpu.memref_slice %arg18[%dma_start3A_90, %dma_start3A_91] : memref<10240x128xf32, #tpu.memory_space<vmem_shared>> -> memref<10240x128xf32, #tpu.memory_space<vmem_shared>>
      tpu.enqueue_indirect_dma source(%arg12 : memref<80x128xf32, #tpu.memory_space<vmem>>) target(%dma_start3A_92 : memref<10240x128xf32, #tpu.memory_space<vmem_shared>>) offsets(%arg10 : memref<80xi32, #tpu.memory_space<vmem>>) semaphore(%arg23 : memref<!tpu.dma_semaphore, #tpu.memory_space<semaphore_mem>>) {add = true}
      %mul3A_93 = arith.constant 2 : i32
      %mul3A_94 = arith.muli %mul3A_93, %scan3A_80 : i32
      %add3A_95 = arith.constant 1 : i32
      %add3A_96 = arith.addi %mul3A_94, %add3A_95 : i32
      %gt3A_97 = arith.constant 1 : i32
      %gt3A_98 = arith.cmpi sgt, %add3A_96, %gt3A_97 : i32
      %convert_element_type3A_99 = arith.extui %gt3A_98 : i1 to i32
      %cond3A_100 = arith.constant 0 : i32
      %cond3A_101 = arith.cmpi ne, %convert_element_type3A_99, %cond3A_100 : i32
      scf.if %cond3A_101 {
        %dma_wait3A_108 = arith.constant 0 : i32
        %dma_wait3A_109 = arith.constant 0 : i32
        %dma_wait3A_110 = tpu.memref_slice %arg18[%dma_wait3A_108, %dma_wait3A_109] : memref<10240x128xf32, #tpu.memory_space<vmem_shared>> -> memref<10240x128xf32, #tpu.memory_space<vmem_shared>>
        tpu.wait_indirect_dma semaphore(%arg24 : memref<!tpu.dma_semaphore, #tpu.memory_space<semaphore_mem>>) src(%arg12 : memref<80x128xf32, #tpu.memory_space<vmem>>) dst(%dma_wait3A_110 : memref<10240x128xf32, #tpu.memory_space<vmem_shared>>)
      } else {
      }
      %mul3A_102 = arith.constant 80 : i32
      %mul3A_103 = arith.muli %add3A_96, %mul3A_102 : i32
      %add3A_104 = arith.addi %mul3A_2, %mul3A_103 : i32
      "tpu.region"() ({
        %run_scoped3A_108 = tpu.sem_alloc : memref<!tpu.dma_semaphore, #tpu.memory_space<semaphore_mem>>
        %dma_start3A_109 = tpu.memref_slice %arg6[%add3A_104] : memref<163840xi32, #tpu.memory_space<hbm>> -> memref<80xi32, #tpu.memory_space<hbm>>
        %dma_start3A_110 = tpu.memref_slice %arg6[%add3A_104] : memref<163840xi32, #tpu.memory_space<hbm>> -> memref<80xi32, #tpu.memory_space<hbm>>
        tpu.enqueue_dma source(%dma_start3A_110 : memref<80xi32, #tpu.memory_space<hbm>>) target(%arg14 : memref<80xi32, #tpu.memory_space<vmem>>) target_semaphore(%run_scoped3A_108 : memref<!tpu.dma_semaphore, #tpu.memory_space<semaphore_mem>>)
        %dma_wait3A_111 = tpu.memref_slice %arg6[%add3A_104] : memref<163840xi32, #tpu.memory_space<hbm>> -> memref<80xi32, #tpu.memory_space<hbm>>
        %dma_wait3A_112 = tpu.memref_slice %arg6[%add3A_104] : memref<163840xi32, #tpu.memory_space<hbm>> -> memref<80xi32, #tpu.memory_space<hbm>>
        tpu.wait_dma2 semaphore(%run_scoped3A_108 : memref<!tpu.dma_semaphore, #tpu.memory_space<semaphore_mem>>) src(%dma_wait3A_112 : memref<80xi32, #tpu.memory_space<hbm>>) dst(%arg14 : memref<80xi32, #tpu.memory_space<vmem>>)
        tpu.yield
      }) : () -> ()
      %dma_start3A_105 = arith.constant 0 : i32
      %dma_start3A_106 = arith.constant 0 : i32
      %dma_start3A_107 = tpu.memref_slice %arg18[%dma_start3A_105, %dma_start3A_106] : memref<10240x128xf32, #tpu.memory_space<vmem_shared>> -> memref<10240x128xf32, #tpu.memory_space<vmem_shared>>
      tpu.enqueue_indirect_dma source(%arg12 : memref<80x128xf32, #tpu.memory_space<vmem>>) target(%dma_start3A_107 : memref<10240x128xf32, #tpu.memory_space<vmem_shared>>) offsets(%arg14 : memref<80xi32, #tpu.memory_space<vmem>>) semaphore(%arg24 : memref<!tpu.dma_semaphore, #tpu.memory_space<semaphore_mem>>) {add = true}
    }
    %scan3A_66 = arith.constant 32 : i32
    %dma_wait3A_67 = arith.constant 0 : i32
    %dma_wait3A_68 = arith.constant 0 : i32
    %dma_wait3A_69 = tpu.memref_slice %arg18[%dma_wait3A_67, %dma_wait3A_68] : memref<10240x128xf32, #tpu.memory_space<vmem_shared>> -> memref<10240x128xf32, #tpu.memory_space<vmem_shared>>
    tpu.wait_indirect_dma semaphore(%arg23 : memref<!tpu.dma_semaphore, #tpu.memory_space<semaphore_mem>>) src(%arg12 : memref<80x128xf32, #tpu.memory_space<vmem>>) dst(%dma_wait3A_69 : memref<10240x128xf32, #tpu.memory_space<vmem_shared>>)
    %dma_wait3A_70 = arith.constant 0 : i32
    %dma_wait3A_71 = arith.constant 0 : i32
    %dma_wait3A_72 = tpu.memref_slice %arg18[%dma_wait3A_70, %dma_wait3A_71] : memref<10240x128xf32, #tpu.memory_space<vmem_shared>> -> memref<10240x128xf32, #tpu.memory_space<vmem_shared>>
    tpu.wait_indirect_dma semaphore(%arg24 : memref<!tpu.dma_semaphore, #tpu.memory_space<semaphore_mem>>) src(%arg12 : memref<80x128xf32, #tpu.memory_space<vmem>>) dst(%dma_wait3A_72 : memref<10240x128xf32, #tpu.memory_space<vmem_shared>>)
    %barrier3A_73 = arith.constant 0 : index
    tpu.barrier barrier_id(%barrier3A_73)
    %mul3A_74 = arith.constant 640 : i32
    %mul3A_75 = arith.muli %arg1, %mul3A_74 : i32
    %mul3A_76 = arith.constant 640 : i32
    %mul3A_77 = arith.muli %arg1, %mul3A_76 : i32
    %run_scoped3A_78 = arith.constant 2 : i32
    "tpu.region"() ({
      %run_scoped3A_80 = tpu.sem_alloc : memref<!tpu.dma_semaphore, #tpu.memory_space<semaphore_mem>>
      %dma_start3A_81 = arith.constant 0 : i32
      %dma_start3A_82 = tpu.memref_slice %arg9[%arg0, %run_scoped3A_78, %mul3A_77, %dma_start3A_81] : memref<2x3x10240x128xf32, #tpu.memory_space<hbm>> -> memref<1x1x640x128xf32, #tpu.memory_space<hbm>>
      %dma_start3A_83 = tpu.memref_squeeze %dma_start3A_82 : memref<1x1x640x128xf32, #tpu.memory_space<hbm>> -> memref<640x128xf32, #tpu.memory_space<hbm>>
      %dma_start3A_84 = arith.constant 0 : i32
      %dma_start3A_85 = tpu.memref_slice %arg18[%mul3A_75, %dma_start3A_84] : memref<10240x128xf32, #tpu.memory_space<vmem_shared>> -> memref<640x128xf32, #tpu.memory_space<vmem_shared>>
      tpu.enqueue_dma source(%dma_start3A_85 : memref<640x128xf32, #tpu.memory_space<vmem_shared>>) target(%dma_start3A_83 : memref<640x128xf32, #tpu.memory_space<hbm>>) target_semaphore(%run_scoped3A_80 : memref<!tpu.dma_semaphore, #tpu.memory_space<semaphore_mem>>)
      %dma_wait3A_86 = arith.constant 0 : i32
      %dma_wait3A_87 = tpu.memref_slice %arg9[%arg0, %run_scoped3A_78, %mul3A_77, %dma_wait3A_86] : memref<2x3x10240x128xf32, #tpu.memory_space<hbm>> -> memref<1x1x640x128xf32, #tpu.memory_space<hbm>>
      %dma_wait3A_88 = tpu.memref_squeeze %dma_wait3A_87 : memref<1x1x640x128xf32, #tpu.memory_space<hbm>> -> memref<640x128xf32, #tpu.memory_space<hbm>>
      %dma_wait3A_89 = arith.constant 0 : i32
      %dma_wait3A_90 = tpu.memref_slice %arg18[%mul3A_75, %dma_wait3A_89] : memref<10240x128xf32, #tpu.memory_space<vmem_shared>> -> memref<640x128xf32, #tpu.memory_space<vmem_shared>>
      tpu.wait_dma2 semaphore(%run_scoped3A_80 : memref<!tpu.dma_semaphore, #tpu.memory_space<semaphore_mem>>) src(%dma_wait3A_90 : memref<640x128xf32, #tpu.memory_space<vmem_shared>>) dst(%dma_wait3A_88 : memref<640x128xf32, #tpu.memory_space<hbm>>)
      tpu.yield
    }) : () -> ()
    %barrier3A_79 = arith.constant 0 : index
    tpu.barrier barrier_id(%barrier3A_79)
    return
  }
}

module attributes {stable_mosaic.version = 14 : i64} {
  func.func @_linear_body(%arg0: i32, %arg1: memref<1024x256xf32, #tpu.memory_space<vmem>>, %arg2: memref<256x768xf32, #tpu.memory_space<vmem>>, %arg3: memref<1x256xf32, #tpu.memory_space<vmem>>, %arg4: memref<1024x128xf32, #tpu.memory_space<vmem>>, %arg5: memref<1024x128xf32, #tpu.memory_space<vmem>>, %arg6: memref<1024x128xf32, #tpu.memory_space<vmem>>, %arg7: memref<1024x128xf32, #tpu.memory_space<vmem>>, %arg8: memref<1024x256xf32, #tpu.memory_space<vmem>>) attributes {dimension_semantics = [#tpu.dimension_semantics<arbitrary>], iteration_bounds = array<i64: 10>, scalar_prefetch = 0 : i64, scratch_operands = 0 : i64, tpu.core_type = #tpu.core_type<tc>, window_params = [{transform_indices = @transform_0, window_bounds = array<i64: 1024, 256>}, {pipeline_mode = #tpu.pipeline_mode<synchronous>, transform_indices = @transform_1, window_bounds = array<i64: 256, 768>}, {pipeline_mode = #tpu.pipeline_mode<synchronous>, transform_indices = @transform_2, window_bounds = array<i64: 1, 256>}, {transform_indices = @transform_3, window_bounds = array<i64: 1024, 128>}, {transform_indices = @transform_4, window_bounds = array<i64: 1024, 128>}, {transform_indices = @transform_5, window_bounds = array<i64: 1024, 128>}, {transform_indices = @transform_6, window_bounds = array<i64: 1024, 128>}, {transform_indices = @transform_7, window_bounds = array<i64: 1024, 256>}]} {
    %get3A = arith.constant 0 : index
    %get3A_0 = arith.constant 0 : index
    %get3A_1 = vector.load %arg1[%get3A, %get3A_0] : memref<1024x256xf32, #tpu.memory_space<vmem>>, vector<1024x256xf32>
    %get3A_2 = arith.constant 0 : index
    %get3A_3 = arith.constant 0 : index
    %get3A_4 = vector.load %arg2[%get3A_2, %get3A_3] : memref<256x768xf32, #tpu.memory_space<vmem>>, vector<256x768xf32>
    %dot_general3A = arith.constant dense<0.000000e+00> : vector<1024x768xf32>
    %dot_general3A_5 = tpu.matmul %get3A_1, %get3A_4, %dot_general3A {dimension_numbers = #tpu.dot_dimension_numbers<[1], [0], [0], [1], [0, 0, 1, 1], [], []>, transpose_lhs_hint = false} : vector<1024x256xf32>, vector<256x768xf32>, vector<1024x768xf32> -> vector<1024x768xf32>
    %slice3A = vector.extract_strided_slice %dot_general3A_5 {offsets = [0, 0], sizes = [1024, 128], strides = [1, 1]} : vector<1024x768xf32> to vector<1024x128xf32>
    %get3A_6 = arith.constant 0 : index
    %get3A_7 = arith.constant 0 : index
    %get3A_8 = vector.load %arg3[%get3A_6, %get3A_7] : memref<1x256xf32, #tpu.memory_space<vmem>>, vector<1x128xf32>
    %add3A = vector.broadcast %get3A_8 : vector<1x128xf32> to vector<1024x128xf32>
    %add3A_9 = arith.addf %slice3A, %add3A : vector<1024x128xf32>
    %swap3A = arith.constant 0 : index
    %swap3A_10 = arith.constant 0 : index
    %swap3A_11 = vector.load %arg4[%swap3A, %swap3A_10] : memref<1024x128xf32, #tpu.memory_space<vmem>>, vector<1024x128xf32>
    tpu.vector_store %arg4[%swap3A, %swap3A_10], %add3A_9 {strides = array<i32>} : memref<1024x128xf32, #tpu.memory_space<vmem>>, vector<1024x128xf32>,
    %slice3A_12 = vector.extract_strided_slice %dot_general3A_5 {offsets = [0, 128], sizes = [1024, 128], strides = [1, 1]} : vector<1024x768xf32> to vector<1024x128xf32>
    %get3A_13 = arith.constant 0 : index
    %get3A_14 = arith.constant 128 : index
    %get3A_15 = vector.load %arg3[%get3A_13, %get3A_14] : memref<1x256xf32, #tpu.memory_space<vmem>>, vector<1x128xf32>
    %add3A_16 = vector.broadcast %get3A_15 : vector<1x128xf32> to vector<1024x128xf32>
    %add3A_17 = arith.addf %slice3A_12, %add3A_16 : vector<1024x128xf32>
    %swap3A_18 = arith.constant 0 : index
    %swap3A_19 = arith.constant 0 : index
    %swap3A_20 = vector.load %arg5[%swap3A_18, %swap3A_19] : memref<1024x128xf32, #tpu.memory_space<vmem>>, vector<1024x128xf32>
    tpu.vector_store %arg5[%swap3A_18, %swap3A_19], %add3A_17 {strides = array<i32>} : memref<1024x128xf32, #tpu.memory_space<vmem>>, vector<1024x128xf32>,
    %slice3A_21 = vector.extract_strided_slice %dot_general3A_5 {offsets = [0, 256], sizes = [1024, 128], strides = [1, 1]} : vector<1024x768xf32> to vector<1024x128xf32>
    %swap3A_22 = arith.constant 0 : index
    %swap3A_23 = arith.constant 0 : index
    %swap3A_24 = vector.load %arg6[%swap3A_22, %swap3A_23] : memref<1024x128xf32, #tpu.memory_space<vmem>>, vector<1024x128xf32>
    tpu.vector_store %arg6[%swap3A_22, %swap3A_23], %slice3A_21 {strides = array<i32>} : memref<1024x128xf32, #tpu.memory_space<vmem>>, vector<1024x128xf32>,
    %slice3A_25 = vector.extract_strided_slice %dot_general3A_5 {offsets = [0, 384], sizes = [1024, 128], strides = [1, 1]} : vector<1024x768xf32> to vector<1024x128xf32>
    %swap3A_26 = arith.constant 0 : index
    %swap3A_27 = arith.constant 0 : index
    %swap3A_28 = vector.load %arg7[%swap3A_26, %swap3A_27] : memref<1024x128xf32, #tpu.memory_space<vmem>>, vector<1024x128xf32>
    tpu.vector_store %arg7[%swap3A_26, %swap3A_27], %slice3A_25 {strides = array<i32>} : memref<1024x128xf32, #tpu.memory_space<vmem>>, vector<1024x128xf32>,
    %slice3A_29 = vector.extract_strided_slice %dot_general3A_5 {offsets = [0, 512], sizes = [1024, 256], strides = [1, 1]} : vector<1024x768xf32> to vector<1024x256xf32>
    %swap3A_30 = arith.constant 0 : index
    %swap3A_31 = arith.constant 0 : index
    %swap3A_32 = vector.load %arg8[%swap3A_30, %swap3A_31] : memref<1024x256xf32, #tpu.memory_space<vmem>>, vector<1024x256xf32>
    tpu.vector_store %arg8[%swap3A_30, %swap3A_31], %slice3A_29 {strides = array<i32>} : memref<1024x256xf32, #tpu.memory_space<vmem>>, vector<1024x256xf32>,
    return
  }
  func.func @transform_0(%arg0: i32) -> (i32, i32) {
    %c0_i32 = arith.constant 0 : i32
    %c0_i32_0 = arith.constant 0 : i32
    return %arg0, %c0_i32 : i32, i32
  }
  func.func @transform_1(%arg0: i32) -> (i32, i32) {
    %c0_i32 = arith.constant 0 : i32
    %c0_i32_0 = arith.constant 0 : i32
    %c0_i32_1 = arith.constant 0 : i32
    return %c0_i32, %c0_i32_0 : i32, i32
  }
  func.func @transform_2(%arg0: i32) -> (i32, i32) {
    %c0_i32 = arith.constant 0 : i32
    %c0_i32_0 = arith.constant 0 : i32
    %c0_i32_1 = arith.constant 0 : i32
    return %c0_i32, %c0_i32_0 : i32, i32
  }
  func.func @transform_3(%arg0: i32) -> (i32, i32) {
    %c0_i32 = arith.constant 0 : i32
    %c0_i32_0 = arith.constant 0 : i32
    return %arg0, %c0_i32 : i32, i32
  }
  func.func @transform_4(%arg0: i32) -> (i32, i32) {
    %c0_i32 = arith.constant 0 : i32
    %c0_i32_0 = arith.constant 0 : i32
    return %arg0, %c0_i32 : i32, i32
  }
  func.func @transform_5(%arg0: i32) -> (i32, i32) {
    %c0_i32 = arith.constant 0 : i32
    %c0_i32_0 = arith.constant 0 : i32
    return %arg0, %c0_i32 : i32, i32
  }
  func.func @transform_6(%arg0: i32) -> (i32, i32) {
    %c0_i32 = arith.constant 0 : i32
    %c0_i32_0 = arith.constant 0 : i32
    return %arg0, %c0_i32 : i32, i32
  }
  func.func @transform_7(%arg0: i32) -> (i32, i32) {
    %c0_i32 = arith.constant 0 : i32
    %c0_i32_0 = arith.constant 0 : i32
    return %arg0, %c0_i32 : i32, i32
  }
}

module attributes {stable_mosaic.version = 14 : i64} {
  func.func @_agg_body(%arg0: i32, %arg1: memref<2x3x1000x128xf32, #tpu.memory_space<vmem>>, %arg2: memref<1000x256xf32, #tpu.memory_space<vmem>>, %arg3: memref<256x256xf32, #tpu.memory_space<vmem>>, %arg4: memref<1x256xf32, #tpu.memory_space<vmem>>, %arg5: memref<1000x256xf32, #tpu.memory_space<vmem>>, %arg6: memref<8x256xf32, #tpu.memory_space<vmem>>, %arg7: memref<8x256xf32, #tpu.memory_space<vmem>>) attributes {dimension_semantics = [#tpu.dimension_semantics<arbitrary>], iteration_bounds = array<i64: 10>, scalar_prefetch = 0 : i64, scratch_operands = 1 : i64, tpu.core_type = #tpu.core_type<tc>, window_params = [{transform_indices = @transform_0, window_bounds = array<i64: 2, 3, 1000, 128>}, {transform_indices = @transform_1, window_bounds = array<i64: 1000, 256>}, {pipeline_mode = #tpu.pipeline_mode<synchronous>, transform_indices = @transform_2, window_bounds = array<i64: 256, 256>}, {pipeline_mode = #tpu.pipeline_mode<synchronous>, transform_indices = @transform_3, window_bounds = array<i64: 1, 256>}, {transform_indices = @transform_4, window_bounds = array<i64: 1000, 256>}, {pipeline_mode = #tpu.pipeline_mode<synchronous>, transform_indices = @transform_5, window_bounds = array<i64: 8, 256>}]} {
    %get3A = arith.constant 0 : index
    %get3A_0 = arith.constant 0 : index
    %get3A_1 = arith.constant 0 : index
    %get3A_2 = arith.constant 0 : index
    %get3A_3 = vector.load %arg1[%get3A, %get3A_0, %get3A_1, %get3A_2] : memref<2x3x1000x128xf32, #tpu.memory_space<vmem>>, vector<1x1x1000x128xf32>
    %get3A_4 = vector.shape_cast %get3A_3 : vector<1x1x1000x128xf32> to vector<1000x128xf32>
    %get3A_5 = arith.constant 1 : index
    %get3A_6 = arith.constant 0 : index
    %get3A_7 = arith.constant 0 : index
    %get3A_8 = arith.constant 0 : index
    %get3A_9 = vector.load %arg1[%get3A_5, %get3A_6, %get3A_7, %get3A_8] : memref<2x3x1000x128xf32, #tpu.memory_space<vmem>>, vector<1x1x1000x128xf32>
    %get3A_10 = vector.shape_cast %get3A_9 : vector<1x1x1000x128xf32> to vector<1000x128xf32>
    %add3A = arith.addf %get3A_4, %get3A_10 : vector<1000x128xf32>
    %get3A_11 = arith.constant 0 : index
    %get3A_12 = arith.constant 1 : index
    %get3A_13 = arith.constant 0 : index
    %get3A_14 = arith.constant 0 : index
    %get3A_15 = vector.load %arg1[%get3A_11, %get3A_12, %get3A_13, %get3A_14] : memref<2x3x1000x128xf32, #tpu.memory_space<vmem>>, vector<1x1x1000x128xf32>
    %get3A_16 = vector.shape_cast %get3A_15 : vector<1x1x1000x128xf32> to vector<1000x128xf32>
    %get3A_17 = arith.constant 1 : index
    %get3A_18 = arith.constant 1 : index
    %get3A_19 = arith.constant 0 : index
    %get3A_20 = arith.constant 0 : index
    %get3A_21 = vector.load %arg1[%get3A_17, %get3A_18, %get3A_19, %get3A_20] : memref<2x3x1000x128xf32, #tpu.memory_space<vmem>>, vector<1x1x1000x128xf32>
    %get3A_22 = vector.shape_cast %get3A_21 : vector<1x1x1000x128xf32> to vector<1000x128xf32>
    %add3A_23 = arith.addf %get3A_16, %get3A_22 : vector<1000x128xf32>
    %get3A_24 = arith.constant 0 : index
    %get3A_25 = arith.constant 0 : index
    %get3A_26 = vector.load %arg3[%get3A_24, %get3A_25] : memref<256x256xf32, #tpu.memory_space<vmem>>, vector<128x256xf32>
    %dot_general3A = arith.constant dense<0.000000e+00> : vector<1000x256xf32>
    %dot_general3A_27 = tpu.matmul %add3A, %get3A_26, %dot_general3A {dimension_numbers = #tpu.dot_dimension_numbers<[1], [0], [0], [1], [0, 0, 1, 1], [], []>, transpose_lhs_hint = false} : vector<1000x128xf32>, vector<128x256xf32>, vector<1000x256xf32> -> vector<1000x256xf32>
    %get3A_28 = arith.constant 128 : index
    %get3A_29 = arith.constant 0 : index
    %get3A_30 = vector.load %arg3[%get3A_28, %get3A_29] : memref<256x256xf32, #tpu.memory_space<vmem>>, vector<128x256xf32>
    %dot_general3A_31 = arith.constant dense<0.000000e+00> : vector<1000x256xf32>
    %dot_general3A_32 = tpu.matmul %add3A_23, %get3A_30, %dot_general3A_31 {dimension_numbers = #tpu.dot_dimension_numbers<[1], [0], [0], [1], [0, 0, 1, 1], [], []>, transpose_lhs_hint = false} : vector<1000x128xf32>, vector<128x256xf32>, vector<1000x256xf32> -> vector<1000x256xf32>
    %add3A_33 = arith.addf %dot_general3A_27, %dot_general3A_32 : vector<1000x256xf32>
    %get3A_34 = arith.constant 0 : index
    %get3A_35 = arith.constant 2 : index
    %get3A_36 = arith.constant 0 : index
    %get3A_37 = arith.constant 0 : index
    %get3A_38 = vector.load %arg1[%get3A_34, %get3A_35, %get3A_36, %get3A_37] : memref<2x3x1000x128xf32, #tpu.memory_space<vmem>>, vector<1x1x1000x1xf32>
    %get3A_39 = vector.shape_cast %get3A_38 : vector<1x1x1000x1xf32> to vector<1000x1xf32>
    %get3A_40 = arith.constant 1 : index
    %get3A_41 = arith.constant 2 : index
    %get3A_42 = arith.constant 0 : index
    %get3A_43 = arith.constant 0 : index
    %get3A_44 = vector.load %arg1[%get3A_40, %get3A_41, %get3A_42, %get3A_43] : memref<2x3x1000x128xf32, #tpu.memory_space<vmem>>, vector<1x1x1000x1xf32>
    %get3A_45 = vector.shape_cast %get3A_44 : vector<1x1x1000x1xf32> to vector<1000x1xf32>
    %add3A_46 = arith.addf %get3A_39, %get3A_45 : vector<1000x1xf32>
    %get3A_47 = arith.constant 0 : index
    %get3A_48 = arith.constant 0 : index
    %get3A_49 = vector.load %arg4[%get3A_47, %get3A_48] : memref<1x256xf32, #tpu.memory_space<vmem>>, vector<1x256xf32>
    %mul3A = vector.broadcast %add3A_46 : vector<1000x1xf32> to vector<1000x256xf32>
    %mul3A_50 = vector.broadcast %get3A_49 : vector<1x256xf32> to vector<1000x256xf32>
    %mul3A_51 = arith.mulf %mul3A, %mul3A_50 : vector<1000x256xf32>
    %add3A_52 = arith.addf %add3A_33, %mul3A_51 : vector<1000x256xf32>
    %get3A_53 = arith.constant 0 : index
    %get3A_54 = arith.constant 0 : index
    %get3A_55 = vector.load %arg2[%get3A_53, %get3A_54] : memref<1000x256xf32, #tpu.memory_space<vmem>>, vector<1000x256xf32>
    %add3A_56 = arith.addf %add3A_52, %get3A_55 : vector<1000x256xf32>
    %swap3A = arith.constant 0 : index
    %swap3A_57 = arith.constant 0 : index
    %swap3A_58 = vector.load %arg5[%swap3A, %swap3A_57] : memref<1000x256xf32, #tpu.memory_space<vmem>>, vector<1000x256xf32>
    tpu.vector_store %arg5[%swap3A, %swap3A_57], %add3A_56 {strides = array<i32>} : memref<1000x256xf32, #tpu.memory_space<vmem>>, vector<1000x256xf32>,
    %eq3A = arith.constant 0 : i32
    %eq3A_59 = arith.cmpi eq, %arg0, %eq3A : i32
    %convert_element_type3A = arith.extui %eq3A_59 : i1 to i32
    %cond3A = arith.constant 0 : i32
    %cond3A_60 = arith.cmpi ne, %convert_element_type3A, %cond3A : i32
    scf.if %cond3A_60 {
      %broadcast_in_dim3A_86 = arith.constant 0.000000e+00 : f32
      %broadcast_in_dim3A_87 = vector.broadcast %broadcast_in_dim3A_86 : f32 to vector<8x256xf32>
      %swap3A_88 = arith.constant 0 : index
      %swap3A_89 = arith.constant 0 : index
      %swap3A_90 = vector.load %arg7[%swap3A_88, %swap3A_89] : memref<8x256xf32, #tpu.memory_space<vmem>>, vector<8x256xf32>
      tpu.vector_store %arg7[%swap3A_88, %swap3A_89], %broadcast_in_dim3A_87 {strides = array<i32>} : memref<8x256xf32, #tpu.memory_space<vmem>>, vector<8x256xf32>,
    } else {
    }
    %get3A_61 = arith.constant 0 : index
    %get3A_62 = arith.constant 0 : index
    %get3A_63 = vector.load %arg7[%get3A_61, %get3A_62] : memref<8x256xf32, #tpu.memory_space<vmem>>, vector<1x256xf32>
    %reduce_sum3A = arith.constant dense<0.000000e+00> : vector<256xf32>
    %reduce_sum3A_64 = vector.multi_reduction <add>, %add3A_56, %reduce_sum3A [0] : vector<1000x256xf32> to vector<256xf32>
    %broadcast_in_dim3A = vector.shape_cast %reduce_sum3A_64 : vector<256xf32> to vector<1x256xf32>
    %add3A_65 = arith.addf %get3A_63, %broadcast_in_dim3A : vector<1x256xf32>
    %swap3A_66 = arith.constant 0 : index
    %swap3A_67 = arith.constant 0 : index
    %swap3A_68 = vector.load %arg7[%swap3A_66, %swap3A_67] : memref<8x256xf32, #tpu.memory_space<vmem>>, vector<1x256xf32>
    tpu.vector_store %arg7[%swap3A_66, %swap3A_67], %add3A_65 {strides = array<i32>} : memref<8x256xf32, #tpu.memory_space<vmem>>, vector<1x256xf32>,
    %get3A_69 = arith.constant 1 : index
    %get3A_70 = arith.constant 0 : index
    %get3A_71 = vector.load %arg7[%get3A_69, %get3A_70] : memref<8x256xf32, #tpu.memory_space<vmem>>, vector<1x256xf32>
    %mul3A_72 = arith.mulf %add3A_56, %add3A_56 : vector<1000x256xf32>
    %reduce_sum3A_73 = arith.constant dense<0.000000e+00> : vector<256xf32>
    %reduce_sum3A_74 = vector.multi_reduction <add>, %mul3A_72, %reduce_sum3A_73 [0] : vector<1000x256xf32> to vector<256xf32>
    %broadcast_in_dim3A_75 = vector.shape_cast %reduce_sum3A_74 : vector<256xf32> to vector<1x256xf32>
    %add3A_76 = arith.addf %get3A_71, %broadcast_in_dim3A_75 : vector<1x256xf32>
    %swap3A_77 = arith.constant 1 : index
    %swap3A_78 = arith.constant 0 : index
    %swap3A_79 = vector.load %arg7[%swap3A_77, %swap3A_78] : memref<8x256xf32, #tpu.memory_space<vmem>>, vector<1x256xf32>
    tpu.vector_store %arg7[%swap3A_77, %swap3A_78], %add3A_76 {strides = array<i32>} : memref<8x256xf32, #tpu.memory_space<vmem>>, vector<1x256xf32>,
    %get3A_80 = arith.constant 0 : index
    %get3A_81 = arith.constant 0 : index
    %get3A_82 = vector.load %arg7[%get3A_80, %get3A_81] : memref<8x256xf32, #tpu.memory_space<vmem>>, vector<8x256xf32>
    %swap3A_83 = arith.constant 0 : index
    %swap3A_84 = arith.constant 0 : index
    %swap3A_85 = vector.load %arg6[%swap3A_83, %swap3A_84] : memref<8x256xf32, #tpu.memory_space<vmem>>, vector<8x256xf32>
    tpu.vector_store %arg6[%swap3A_83, %swap3A_84], %get3A_82 {strides = array<i32>} : memref<8x256xf32, #tpu.memory_space<vmem>>, vector<8x256xf32>,
    return
  }
  func.func @transform_0(%arg0: i32) -> (i32, i32, i32, i32) {
    %c0_i32 = arith.constant 0 : i32
    %c0_i32_0 = arith.constant 0 : i32
    %c0_i32_1 = arith.constant 0 : i32
    %c0_i32_2 = arith.constant 0 : i32
    return %c0_i32, %c0_i32_0, %arg0, %c0_i32_1 : i32, i32, i32, i32
  }
  func.func @transform_1(%arg0: i32) -> (i32, i32) {
    %c0_i32 = arith.constant 0 : i32
    %c0_i32_0 = arith.constant 0 : i32
    return %arg0, %c0_i32 : i32, i32
  }
  func.func @transform_2(%arg0: i32) -> (i32, i32) {
    %c0_i32 = arith.constant 0 : i32
    %c0_i32_0 = arith.constant 0 : i32
    %c0_i32_1 = arith.constant 0 : i32
    return %c0_i32, %c0_i32_0 : i32, i32
  }
  func.func @transform_3(%arg0: i32) -> (i32, i32) {
    %c0_i32 = arith.constant 0 : i32
    %c0_i32_0 = arith.constant 0 : i32
    %c0_i32_1 = arith.constant 0 : i32
    return %c0_i32, %c0_i32_0 : i32, i32
  }
  func.func @transform_4(%arg0: i32) -> (i32, i32) {
    %c0_i32 = arith.constant 0 : i32
    %c0_i32_0 = arith.constant 0 : i32
    return %arg0, %c0_i32 : i32, i32
  }
  func.func @transform_5(%arg0: i32) -> (i32, i32) {
    %c0_i32 = arith.constant 0 : i32
    %c0_i32_0 = arith.constant 0 : i32
    %c0_i32_1 = arith.constant 0 : i32
    return %c0_i32, %c0_i32_0 : i32, i32
  }
}

module attributes {stable_mosaic.version = 14 : i64} {
  func.func @_bn_body(%arg0: i32, %arg1: memref<1000x256xf32, #tpu.memory_space<vmem>>, %arg2: memref<8x256xf32, #tpu.memory_space<vmem>>, %arg3: memref<1x256xf32, #tpu.memory_space<vmem>>, %arg4: memref<1x256xf32, #tpu.memory_space<vmem>>, %arg5: memref<1000x256xf32, #tpu.memory_space<vmem>>) attributes {dimension_semantics = [#tpu.dimension_semantics<arbitrary>], iteration_bounds = array<i64: 10>, scalar_prefetch = 0 : i64, scratch_operands = 0 : i64, tpu.core_type = #tpu.core_type<tc>, window_params = [{transform_indices = @transform_0, window_bounds = array<i64: 1000, 256>}, {pipeline_mode = #tpu.pipeline_mode<synchronous>, transform_indices = @transform_1, window_bounds = array<i64: 8, 256>}, {pipeline_mode = #tpu.pipeline_mode<synchronous>, transform_indices = @transform_2, window_bounds = array<i64: 1, 256>}, {pipeline_mode = #tpu.pipeline_mode<synchronous>, transform_indices = @transform_3, window_bounds = array<i64: 1, 256>}, {transform_indices = @transform_4, window_bounds = array<i64: 1000, 256>}]} {
    %get3A = arith.constant 0 : index
    %get3A_0 = arith.constant 0 : index
    %get3A_1 = vector.load %arg2[%get3A, %get3A_0] : memref<8x256xf32, #tpu.memory_space<vmem>>, vector<1x256xf32>
    %mul3A = arith.constant 9.99999974E-5 : f32
    %mul3A_2 = vector.broadcast %mul3A : f32 to vector<1x256xf32>
    %mul3A_3 = arith.mulf %get3A_1, %mul3A_2 : vector<1x256xf32>
    %get3A_4 = arith.constant 1 : index
    %get3A_5 = arith.constant 0 : index
    %get3A_6 = vector.load %arg2[%get3A_4, %get3A_5] : memref<8x256xf32, #tpu.memory_space<vmem>>, vector<1x256xf32>
    %mul3A_7 = arith.constant 9.99999974E-5 : f32
    %mul3A_8 = vector.broadcast %mul3A_7 : f32 to vector<1x256xf32>
    %mul3A_9 = arith.mulf %get3A_6, %mul3A_8 : vector<1x256xf32>
    %mul3A_10 = arith.mulf %mul3A_3, %mul3A_3 : vector<1x256xf32>
    %sub3A = arith.subf %mul3A_9, %mul3A_10 : vector<1x256xf32>
    %add3A = arith.constant 9.99999974E-6 : f32
    %add3A_11 = vector.broadcast %add3A : f32 to vector<1x256xf32>
    %add3A_12 = arith.addf %sub3A, %add3A_11 : vector<1x256xf32>
    %rsqrt3A = math.rsqrt %add3A_12 : vector<1x256xf32>
    %get3A_13 = arith.constant 0 : index
    %get3A_14 = arith.constant 0 : index
    %get3A_15 = vector.load %arg1[%get3A_13, %get3A_14] : memref<1000x256xf32, #tpu.memory_space<vmem>>, vector<1000x256xf32>
    %sub3A_16 = vector.broadcast %mul3A_3 : vector<1x256xf32> to vector<1000x256xf32>
    %sub3A_17 = arith.subf %get3A_15, %sub3A_16 : vector<1000x256xf32>
    %mul3A_18 = vector.broadcast %rsqrt3A : vector<1x256xf32> to vector<1000x256xf32>
    %mul3A_19 = arith.mulf %sub3A_17, %mul3A_18 : vector<1000x256xf32>
    %get3A_20 = arith.constant 0 : index
    %get3A_21 = arith.constant 0 : index
    %get3A_22 = vector.load %arg3[%get3A_20, %get3A_21] : memref<1x256xf32, #tpu.memory_space<vmem>>, vector<1x256xf32>
    %mul3A_23 = vector.broadcast %get3A_22 : vector<1x256xf32> to vector<1000x256xf32>
    %mul3A_24 = arith.mulf %mul3A_19, %mul3A_23 : vector<1000x256xf32>
    %get3A_25 = arith.constant 0 : index
    %get3A_26 = arith.constant 0 : index
    %get3A_27 = vector.load %arg4[%get3A_25, %get3A_26] : memref<1x256xf32, #tpu.memory_space<vmem>>, vector<1x256xf32>
    %add3A_28 = vector.broadcast %get3A_27 : vector<1x256xf32> to vector<1000x256xf32>
    %add3A_29 = arith.addf %mul3A_24, %add3A_28 : vector<1000x256xf32>
    %max3A = arith.constant 0.000000e+00 : f32
    %max3A_30 = vector.broadcast %max3A : f32 to vector<1000x256xf32>
    %max3A_31 = arith.maximumf %add3A_29, %max3A_30 : vector<1000x256xf32>
    %swap3A = arith.constant 0 : index
    %swap3A_32 = arith.constant 0 : index
    %swap3A_33 = vector.load %arg5[%swap3A, %swap3A_32] : memref<1000x256xf32, #tpu.memory_space<vmem>>, vector<1000x256xf32>
    tpu.vector_store %arg5[%swap3A, %swap3A_32], %max3A_31 {strides = array<i32>} : memref<1000x256xf32, #tpu.memory_space<vmem>>, vector<1000x256xf32>,
    return
  }
  func.func @transform_0(%arg0: i32) -> (i32, i32) {
    %c0_i32 = arith.constant 0 : i32
    %c0_i32_0 = arith.constant 0 : i32
    return %arg0, %c0_i32 : i32, i32
  }
  func.func @transform_1(%arg0: i32) -> (i32, i32) {
    %c0_i32 = arith.constant 0 : i32
    %c0_i32_0 = arith.constant 0 : i32
    %c0_i32_1 = arith.constant 0 : i32
    return %c0_i32, %c0_i32_0 : i32, i32
  }
  func.func @transform_2(%arg0: i32) -> (i32, i32) {
    %c0_i32 = arith.constant 0 : i32
    %c0_i32_0 = arith.constant 0 : i32
    %c0_i32_1 = arith.constant 0 : i32
    return %c0_i32, %c0_i32_0 : i32, i32
  }
  func.func @transform_3(%arg0: i32) -> (i32, i32) {
    %c0_i32 = arith.constant 0 : i32
    %c0_i32_0 = arith.constant 0 : i32
    %c0_i32_1 = arith.constant 0 : i32
    return %c0_i32, %c0_i32_0 : i32, i32
  }
  func.func @transform_4(%arg0: i32) -> (i32, i32) {
    %c0_i32 = arith.constant 0 : i32
    %c0_i32_0 = arith.constant 0 : i32
    return %arg0, %c0_i32 : i32, i32
  }
}

</mosaic_0001>

<sc_bundles>
// kernel: kernel.6.cloned.1.call-start
scs
__scs_entry_jumppad:
0x0: {  	(pc) =	sbr.rel $0x88, $3  }
0x1: {  	(tag) =	ssettag $0x0;
	lr =	simm.s32 $0x1  }
0x2: {  	[smem:$0x3F96] =	sst lr;
	_ =	strace $0xD0000000  }
0x3: {  	_ = 	snop  }
0x4: {  	_ = 	snop  }
0x5: {  	_ = 	snop  }
0x6: {  	_ = 	snop  }
0x7: {  	_ = 	snop  }
__scs_overlays_trampoline_lowered:
0x8: {  	[smem:$0x3FA5] =	sst s0  }
0x9: {  	[smem:$0x3FA6] =	sst s1  }
0xa: {  	[smem:$0x3FA7] =	sst s2  }
0xb: {  	[smem:$0x3FA8] =	sst s3  }
0xc: {  	[smem:$0x3FA9] =	sst s4  }
0xd: {  	[smem:$0x3FAA] =	sst s5  }
0xe: {  	[smem:$0x3FAB] =	sst s6  }
0xf: {  	[smem:$0x3FAC] =	sst s7  }
0x10: {  	[smem:$0x3FAD] =	sst s8  }
0x11: {  	[smem:$0x3FAE] =	sst s9;
	s0 =	simm.s32 @!p0 $0x0  }
0x12: {  	s1 =	sld [smem:$0x3F94];
	s0 =	simm.s32 @p0 $0x1  }
0x13: {  	[smem:$0x3FAF] =	sst s0;
	s0 =	simm.s32 @!p1 $0x0  }
0x14: {  	s2 =	sld [smem:$0x3F93];
	s0 =	simm.s32 @p1 $0x1  }
0x15: {  	[smem:$0x3FB0] =	sst s0;
	s0 =	simm.s32 @!p2 $0x0  }
0x16: {  	s3 =	sld [smem:$0x3FDB];
	s0 =	simm.s32 @p2 $0x1  }
0x17: {  	s4 =	simm.s32 $0x1BF5;
	[smem:$0x3FB2] =	sst s0  }
0x18: {  	s0 =	sld [smem:$0x3F95];
	_ =	swait.ge [sflag:s4], $0x0  }
0x19: {  	s7 =	sld [smem:$0x3F96]  }
0x1a: {  	s8 =	sadd.s32 $0xFFFFE003, lr  }
0x1b: {  	s9 =	sadd.s32 $0xFFFFFEF7, lr;
	s5 =	simm.s32 $0xFFFFFFFF;
	p2 =	slt.u32 s8, $0xFFFFF086  }
0x1c: {  	p1 =	slt.u32 s9, $0xF7A;
	s5 =	simm.s32 @!p2 $0x0  }
0x1d: {  	s5 =	simm.s32 @p1 $0x1;
	p0 =	seq.s32 s7, s2  }
0x1e: {  	s7 =	smul.u32 @!p0 $0xF7A, s2;
	p2 =	seq.s32 @!p0 s5, $0x0  }
0x1f: {  	s9 =	smul.u32 $0xF7A, s1;
	s8 =	simm.s32 @!p0 $0x1BF5;
	p2 =	por !p2, p0  }
0x20: {  	[sflag:s8] =	ssyncset.s32 @!p0 $0xFFFFF086;
	s6 =	sadd.s32 @!p0 s3, s7;
	s7 =	simm.s32 @!p0 $0x108  }
0x21: {  	s3 =	sadd.s32 s3, s9;
	s6 =	sadd.s32 @!p0 $0x88, s6;
	s7 =	simm.s32 @p2 $0x1082  }
0x22: {  	[simem:s7], [sflag:s8] =	dma.local @!p0 [hbm:s6], $0xF7A  }
0x23: {  	s9 =	sor.u32 $0xD0000000, s2;
	s6 =	simm.s32 $0x108;
	_ =	swait.ge @!p0 [sflag:s8], $0x0  }
0x24: {  	s3 =	sadd.s32 $0x88, s3;
	s6 =	simm.s32 @!p1 $0x1082;
	[sflag:s4] =	ssyncset.s32 $0xFFFFF086  }
0x25: {  	[simem:s6], [sflag:s4] =	dma.local [hbm:s3], $0xF7A  }
0x26: {  	[smem:$0x3F96] =	sst s1;
	(tag) =	ssettag s2;
	_ =	strace s9  }
0x27: {  	s1 =	sld [smem:$0x3FA6]  }
0x28: {  	s2 =	sld [smem:$0x3FA7]  }
0x29: {  	s4 =	sld [smem:$0x3FA9]  }
0x2a: {  	p0 =	seq.s32 s5, $0x0;
	s5 =	sld [smem:$0x3FAA]  }
0x2b: {  	s6 =	sld [smem:$0x3FAB]  }
0x2c: {  	s7 =	sld [smem:$0x3FAC]  }
0x2d: {  	s3 =	simm.s32 $0x108;
	s8 =	sld [smem:$0x3FAD]  }
0x2e: {  	s3 =	simm.s32 @!p0 $0x1082;
	s9 =	sld [smem:$0x3FAE]  }
0x2f: {  	lr =	sadd.s32 s0, s3;
	s0 =	sld [smem:$0x3FA5]  }
0x30: {  	s3 =	sld [smem:$0x3FA8]  }
0x31: {  	[smem:$0x3FB1] =	sst s10  }
0x32: {  	s10 =	sld [smem:$0x3FAF];
	_ =	sdelay $0x3  }
0x33: {  	p0 =	seq.s32 s10, $0x1;
	s10 =	sld [smem:$0x3FB1];
	_ =	sdelay $0x3  }
0x34: {  	[smem:$0x3FB1] =	sst s10  }
0x35: {  	s10 =	sld [smem:$0x3FB0];
	_ =	sdelay $0x3  }
0x36: {  	p1 =	seq.s32 s10, $0x1;
	s10 =	sld [smem:$0x3FB1];
	_ =	sdelay $0x3  }
0x37: {  	[smem:$0x3FB1] =	sst s10  }
0x38: {  	s10 =	sld [smem:$0x3FB2]  }
0x39: {  	_ = 	snop;
	(pc) =	sbr.ind lr, $3  }
0x3a: {  	_ = 	snop  }
0x3b: {  	_ = 	snop  }
0x3c: {  	p2 =	seq.s32 s10, $0x1;
	s10 =	sld [smem:$0x3FB1]  }
0x3d: {  	_ =	shalt  }
0x3e: {  	_ =	shalt  }
0x3f: {  	_ =	shalt  }
0x40: {  	_ =	shalt  }
0x41: {  	_ =	shalt  }
0x42: {  	_ =	shalt  }
0x43: {  	_ =	shalt  }
0x44: {  	_ =	shalt  }
0x45: {  	_ =	shalt  }
0x46: {  	_ =	shalt  }
0x47: {  	_ =	shalt  }
0x48: {  	_ =	shalt  }
0x49: {  	_ =	shalt  }
0x4a: {  	_ =	shalt  }
0x4b: {  	_ =	shalt  }
0x4c: {  	_ =	shalt  }
0x4d: {  	_ =	shalt  }
0x4e: {  	_ =	shalt  }
0x4f: {  	_ =	shalt  }
0x50: {  	_ =	shalt  }
0x51: {  	_ =	shalt  }
0x52: {  	_ =	shalt  }
0x53: {  	_ =	shalt  }
0x54: {  	_ =	shalt  }
0x55: {  	_ =	shalt  }
0x56: {  	_ =	shalt  }
0x57: {  	_ =	shalt  }
0x58: {  	_ =	shalt  }
0x59: {  	_ =	shalt  }
0x5a: {  	_ =	shalt  }
0x5b: {  	_ =	shalt  }
0x5c: {  	_ =	shalt  }
0x5d: {  	_ =	shalt  }
0x5e: {  	_ =	shalt  }
0x5f: {  	_ =	shalt  }
0x60: {  	_ =	shalt  }
0x61: {  	_ =	shalt  }
0x62: {  	_ =	shalt  }
0x63: {  	_ =	shalt  }
0x64: {  	_ =	shalt  }
0x65: {  	_ =	shalt  }
0x66: {  	_ =	shalt  }
0x67: {  	_ =	shalt  }
0x68: {  	_ =	shalt  }
0x69: {  	_ =	shalt  }
0x6a: {  	_ =	shalt  }
0x6b: {  	_ =	shalt  }
0x6c: {  	_ =	shalt  }
0x6d: {  	_ =	shalt  }
0x6e: {  	_ =	shalt  }
0x6f: {  	_ =	shalt  }
0x70: {  	_ =	shalt  }
0x71: {  	_ =	shalt  }
0x72: {  	_ =	shalt  }
0x73: {  	_ =	shalt  }
0x74: {  	_ =	shalt  }
0x75: {  	_ =	shalt  }
0x76: {  	_ =	shalt  }
0x77: {  	_ =	shalt  }
0x78: {  	_ =	shalt  }
0x79: {  	_ =	shalt  }
0x7a: {  	_ =	shalt  }
0x7b: {  	_ =	shalt  }
0x7c: {  	_ =	shalt  }
0x7d: {  	_ =	shalt  }
0x7e: {  	_ =	shalt  }
0x7f: {  	_ =	shalt  }
0x80: {  	_ =	shalt  }
0x81: {  	_ =	shalt  }
0x82: {  	_ =	shalt  }
0x83: {  	_ =	shalt  }
0x84: {  	_ =	shalt  }
0x85: {  	_ =	shalt  }
0x86: {  	_ =	shalt  }
0x87: {  	_ =	shalt  }
.Lfunc_end0:
.L_simem_size_0:
called_computation_lowered:
.L_overlay_start_0:
0x88: {  	s2 =	sld [smem:$0x3FD9]  }
0x89: {  	s3 =	sld [smem:$0x3FFE];
	_ =	sdelay $0x1  }
0x8a: {  	s1 =	srdreg.scid  }
0x8b: {  	s0 =	sand.u32 $0x1, s1  }
0x8c: {  	s14 =	sshll.u32 s0, $0xA;
	s2 =	sadd.s32 s3, s2  }
0x8d: {  	s2 =	sadd.s32 s2, s14  }
0x8e: {  	[smem:$0x3FBD] =	sst s2  }
0x8f: {  	_ = 	snop  }
0x90: {  	s2 =	sld [smem:$0x3FD0];
	_ =	sdelay $0x2  }
0x91: {  	s15 =	simm.s32 $0xA;
	s4 =	simm.s32 $0x10  }
0x92: {  	[smem:s4], [sflag:s15] =	dma.local [hbm:s2], $0x1  }
0x93: {  	_ =	swait.eq [sflag:s15], $0x1  }
0x94: {  	s16 =	sld [smem:$0x10];
	[sflag:s15] =	ssyncset.done $0x0  }
0x95: {  	s17 =	sld [smem:$0x11];
	[sflag:s15] =	ssyncadd.s32 $0xFFFFFFFF  }
0x96: {  	s18 =	sld [smem:$0x12];
	(tm) =	ssettm $0x1  }
0x97: {  	s5 =	sld [smem:$0x3FFB];
	_ =	sdelay $0x3  }
0x98: {  	_ =	strace s5  }
0x99: {  	s5 =	sld [smem:$0x3FFC];
	_ =	sdelay $0x3  }
0x9a: {  	_ =	strace s5  }
0x9b: {  	s5 =	sld [smem:$0x3FFD];
	_ =	sdelay $0x3  }
0x9c: {  	_ =	strace s5  }
0x9d: {  	_ =	strace $0x8FFFFFFF  }
0x9e: {  	s19 =	sld [smem:$0x3FDB];
	_ =	sdelay $0x1  }
0x9f: {  	s6 =	simm.s32 $_scs_section_size  }
0xa0: {  	s7 =	simm.s32 $_size__tile_overlayer_lowered;
	s8 =	simm.s32 $_tile_overlayer_lowered  }
0xa1: {  	s22 =	simm.s32 $0x1BFF;
	s21 =	sshll.u32 s8, $0x1;
	s5 =	sadd.s32 s6, s19  }
0xa2: {  	s9 =	simm.s32 $0x0;
	s20 =	sshll.u32 s7, $0x1;
	s7 =	sadd.s32 s21, s5  }
0xa3: {  	[timem:s9], [sflag:s22] =	dma.local [hbm:s7], s20  }
0xa4: {  	_ =	swait.ge [sflag:s22], s20  }
0xa5: {  	s6 =	ssub.s32 $0x0, s20;
	[sflag:s22] =	ssyncset.done $0x0  }
0xa6: {  	[sflag:s22] =	ssyncadd.s32 s6;
	_ =	sdelay $0x1  }
0xa7: {  	s23 =	simm.s32 $0x1B8B  }
0xa8: {  	_ =	swait.ge [sflag:s23], $0x1  }
0xa9: {  	[sflag:s23] =	ssyncset.done $0x0  }
0xaa: {  	s25 =	simm.s32 $0x1B8E;
	s24 =	sld [smem:$0x3FFE];
	[sflag:s23] =	ssyncadd.s32 $0xFFFFFFFF  }
0xab: {  	s26 =	simm.s32 $execute0_lowered;
	[smem:$0x3FD2] =	sst s25  }
0xac: {  	s7 =	sshll.u32 s26, $0x1;
	_ =	strace $0x80000046;
	[dreg:$0x1] =	wrdreg $0xFFFFFFFF  }
0xad: {  	s28 =	simm.s32 $_size_execute0_lowered;
	s5 =	sadd.s32 s5, s7;
	[dreg:$0x0] =	wrdreg $0x0  }
0xae: {  	s7 =	sshll.u32 s28, $0x1;
	[dreg:$0x2] =	wrdreg s5  }
0xaf: {  	[dreg:$0x3] =	wrdreg s7  }
0xb0: {  	[dreg:$0x4] =	wrdreg $0xC0  }
0xb1: {  	_ =	task [dreg:s9], $0x5FFFF  }
0xb2: {  	[dreg:$0x1] =	wrdreg $0xFFFFFFFF  }
0xb3: {  	[dreg:$0x0] =	wrdreg $0x60  }
0xb4: {  	[dreg:$0x2] =	wrdreg s18  }
0xb5: {  	[dreg:$0x3] =	wrdreg s16  }
0xb6: {  	[dreg:$0x4] =	wrdreg s24  }
0xb7: {  	[dreg:$0x5] =	wrdreg s17  }
0xb8: {  	[dreg:$0x6] =	wrdreg $0xA2000  }
0xb9: {  	[dreg:$0x7] =	wrdreg $0x9  }
0xba: {  	_ =	task.clear_ibuf [dreg:s9], $0x8FFFF;
	_ =	strace $0x90000046  }
0xbb: {  	s29 =	simm.s32 $0x9;
	_ =	strace $0x80000048  }
0xbc: {  	_ =	swait.ge [sflag:s29], $0x1  }
0xbd: {  	[sflag:s29] =	ssyncadd.s32 $0xFFFFFFFF  }
0xbe: {  	_ =	strace $0x90000048  }
0xbf: {  	_ =	sfence  }
0xc0: {  	s30 =	sld [smem:$0x0];
	_ =	sdelay $0x2  }
0xc1: {  	s31 =	sshll.u32 s1, $0xD;
	s1 =	sshrl.u32 s1, $0x2  }
0xc2: {  	s3 =	sand.u32 $0x4000, s31;
	s1 =	sadd.s32 s1, s30  }
0xc3: {  	s0 =	sor.u32 s3, s0;
	s1 =	sshll.u32 s1, $0x11  }
0xc4: {  	s0 =	sor.u32 s1, s0  }
0xc5: {  	s0 =	sadd.s32 $0x8F2B, s0  }
0xc6: {  	[sflag:s0] =	ssyncadd.remote.s32 $0x1  }
0xc7: {  	_ =	sfence.sel $0xFFFF  }
0xc8: {  	[dreg:$0x0] =	wrdreg $0xFFFFFFFF;
	(pc) =	sbr.abs _section_cstart, $3  }
0xc9: {  	[dreg:$0x1] =	wrdreg $0xFFFFFFFF  }
0xca: {  	_ =	task.clear_ibuf [dreg:s9], $0x2FFFF;
	_ =	strace $0x9FFFFFFF  }
0xcb: {  	(tm) =	ssettm $0x7FFFFFFF  }
tec
execute0_lowered:
.L_overlay_start_1:
0x0: {  	(tag) =	ssettag $0x1  }
0x1: {  	s2 =	rddreg [dreg:$0x1]  }
0x2: {  	s0 =	rddreg [dreg:$0x2]  }
0x3: {  	s3 =	rddreg [dreg:$0x3]  }
0x4: {  	s4 =	rddreg [dreg:$0x4];
	s6 =	simm.s32 $0x0  }
0x5: {  	s1 =	srdreg.scid;
	s14 =	stileid.u32;
	s28 =	simm.s32 $0x100  }
0x6: {  	s30 =	simm.s32 $0x1;
	s31 =	simm.s32 $0x2;
	s29 =	simm.s32 $0x5200  }
0x7: {  	[smem:$0x7FF] =	sst s6;
	s1 =	sand.u32 $0x1, s1;
	s10 =	smul.u32 $0x14000, s14  }
0x8: {  	s7 =	sadd.s32 $0x7800, s0;
	s8 =	sadd.s32 $0x2F800, s0;
	s12 =	smul.u32 $0x50000, s14  }
0x9: {  	s9 =	sadd.s32 $0x2800, s0;
	s11 =	sadd.s32 $0xA7800, s0;
	s19 =	smul.u32 $0x1400, s14  }
0xa: {  	s15 =	sshll.u32 s14, $0x6;
	s5 =	smul.u32 $0x3C0000, s1;
	_ =	strace $0x80000047  }
0xb: {  	[dreg:$0x6] =	wrdreg s11;
	s24 =	sshll.u32 s1, $0x4;
	s25 =	ssub.s32 $0x2, s1  }
0xc: {  	s1 =	smul.u32 $0x14000, s1;
	s13 =	sshrl.u32 s25, $0x1;
	s5 =	sadd.s32 s10, s5  }
0xd: {  	s10 =	sor.u32 s14, s24;
	s26 =	ssub.s32 s25, s13;
	s13 =	sshrl.u32 s12, $0x2  }
0xe: {  	s23 =	sadd.s32 s19, s1;
	s19 =	simm.s32 $0x5;
	s5 =	sshrl.u32 s5, $0x3  }
0xf: {  	s10 =	smul.u32 $0x1400, s10;
	s11 =	sadd.s32 s13, s4;
	s13 =	sor.u32 $0x1C07, s15  }
0x10: {  	s22 =	smax.u32 s26, $0x1;
	s25 =	sor.u32 $0xF0, s23;
	[dreg:$0x7] =	wrdreg s11  }
0x11: {  	s0 =	sadd.s32 s5, s0;
	[dreg:$0xe] =	wrdreg s22;
	s26 =	sshrl.u32 s25, $0x3  }
0x12: {  	s5 =	simm.s32 $0x5180;
	s11 =	simm.s32 $0x7A00;
	[dreg:$0x8] =	wrdreg s13  }
0x13: {  	s16 =	sshrl.u32 s10, $0x3;
	s15 =	sor.u32 $0x50, s10;
	s20 =	sadd.s32 $0xAA000, s0  }
0x14: {  	s21 =	sadd.s32 $0xD2000, s0;
	s0 =	sadd.s32 $0xFA000, s0;
	s22 =	sadd.s32 s26, s3  }
0x15: {  	s26 =	simm.s32 $0x50;
	s17 =	sadd.s32 s3, s16;
	[dreg:$0xb] =	wrdreg s20  }
0x16: {  	s18 =	sadd.s32 s9, s16;
	s16 =	sor.u32 $0xA0, s10;
	[dreg:$0xc] =	wrdreg s21  }
0x17: {  	[dreg:$0xd] =	wrdreg s0;
	s24 =	sshrl.u32 s15, $0x3;
	s0 =	sor.u32 $0xA0, s23  }
0x18: {  	s20 =	simm.s32 $0x6;
	s10 =	simm.s32 $0x0;
	[dreg:$0x9] =	wrdreg s17  }
0x19: {  	[dreg:$0xa] =	wrdreg s18;
	s1 =	sadd.s32 s3, s24;
	s0 =	sshrl.u32 s0, $0x3  }
0x1a: {  	s24 =	simm.s32 $0x7;
	s17 =	simm.s32 $0x3;
	s18 =	simm.s32 $0x4  }
0x1b: {  	v0 =	vimm.f32 $1.000000000e+00;
	[dreg:$0xf] =	wrdreg s1;
	s23 =	sadd.s32 s0, s3;
	s0 =	simm.s32 $0x5100  }
.LBB2_1:
0x1c: {  	[dreg:$0x10] =	wrdreg s10  }
0x1d: {  	s1 =	rddreg [dreg:$0x7]  }
0x1e: {  	s25 =	rddreg [dreg:$0x6];
	s21 =	sshrl.u32 s1, $0x3  }
0x1f: {  	[dreg:$0x11] =	wrdreg s21  }
0x20: {  	[spmem:s21], [sflag:s13] =	dma.local [hbm:s25], $0x2800  }
0x21: {  	_ =	swait.ge [sflag:s24], $0x2800  }
0x22: {  	[sflag:s24] =	ssyncset.done $0x0  }
0x23: {  	[sflag:s24] =	ssyncadd.s32 $0xFFFFD800  }
0x24: {  	[bflag:$0x0] =	sbarrier.arrive $0xFFFF  }
0x25: {  	s12 =	rddreg [dreg:$0x9]  }
0x26: {  	[tilespmem:s6], [sflag:$0x7] =	stream.linear.gather [hbm4b:s12+s6], $0x50, $0x38;
	[tilespmem:$0x1E200] =	vst v63  }
0x27: {  	_ =	swait.ge [sflag:s24], $0x50  }
0x28: {  	[sflag:s24] =	ssyncset.done $0x0  }
0x29: {  	s14 =	simm.s32 $0x80;
	s13 =	rddreg [dreg:$0xa];
	[sflag:s24] =	ssyncadd.s32 $0xFFFFFFB0  }
0x2a: {  	[tilespmem:s14], [sflag:$0x7] =	stream.linear.gather [hbm4b:s13+s6], $0x50, $0x38;
	[tilespmem:$0x1E200] =	vst v63  }
0x2b: {  	_ =	swait.ge [sflag:s24], $0x50  }
0x2c: {  	[sflag:s24] =	ssyncset.done $0x0  }
0x2d: {  	[sflag:s24] =	ssyncadd.s32 $0xFFFFFFB0  }
0x2e: {  	s21 =	rddreg [dreg:$0x0]  }
0x2f: {  	[tilespmem:s28], [sflag:$0x1] =	stream.indirect.gather [hbm4b:s21+s26], $0x80, s6, s26, $0xb8;
	[tilespmem:$0x1E200] =	vst v63  }
0x30: {  	s25 =	simm.s32 $0x2900  }
0x31: {  	[tilespmem:s25], [sflag:$0x2] =	stream.indirect.gather [hbm4b:s7+s26], $0x80, s14, s26, $0xb8;
	[tilespmem:$0x1E200] =	vst v63  }
0x32: {  	s25 =	simm.s32 $0x0  }
.LBB2_2:
0x33: {  	_ =	swait.ge [sflag:s30], $0x2800  }
0x34: {  	[sflag:s30] =	ssyncset.done $0x0  }
0x35: {  	[sflag:s30] =	ssyncadd.s32 $0xFFFFD800  }
0x36: {  	_ =	swait.ge [sflag:s31], $0x2800  }
0x37: {  	p0 =	seq.s32 s25, $0x0;
	s10 =	smul.u32 $0xA0, s25;
	[sflag:s31] =	ssyncset.done $0x0  }
0x38: {  	s1 =	simm.s32 @!p0 $0x6;
	[sflag:s31] =	ssyncadd.s32 $0xFFFFD800  }
0x39: {  	s12 =	sadd.s32 s10, s15;
	_ =	swait.ge @!p0 [sflag:s1], $0x2800  }
0x3a: {  	s12 =	sshrl.u32 s12, $0x3;
	[sflag:s1] =	ssyncset.done @!p0 $0x0  }
0x3b: {  	s13 =	sadd.s32 s3, s12;
	[sflag:s1] =	ssyncadd.s32 @!p0 $0xFFFFD800  }
0x3c: {  	[tilespmem:s0], [sflag:$0x7] =	stream.linear.gather [hbm4b:s13+s6], $0x50, $0x38;
	[tilespmem:$0x1E200] =	vst v63  }
0x3d: {  	_ =	swait.ge [sflag:s24], $0x50  }
0x3e: {  	[sflag:s24] =	ssyncset.done $0x0  }
0x3f: {  	s14 =	sadd.s32 s9, s12;
	[sflag:s24] =	ssyncadd.s32 $0xFFFFFFB0  }
0x40: {  	[tilespmem:s5], [sflag:$0x7] =	stream.linear.gather [hbm4b:s14+s6], $0x50, $0x38;
	[tilespmem:$0x1E200] =	vst v63  }
0x41: {  	_ =	swait.ge [sflag:s24], $0x50  }
0x42: {  	[sflag:s24] =	ssyncset.done $0x0  }
0x43: {  	[sflag:s24] =	ssyncadd.s32 $0xFFFFFFB0  }
0x44: {  	s21 =	rddreg [dreg:$0x0]  }
0x45: {  	[tilespmem:s29], [sflag:$0x3] =	stream.indirect.gather [hbm4b:s21+s26], $0x80, s0, s26, $0xb8;
	[tilespmem:$0x1E200] =	vst v63  }
0x46: {  	s13 =	simm.s32 $0x200  }
0x47: {  	[tilespmem:s11], [sflag:$0x4] =	stream.indirect.gather [hbm4b:s7+s26], $0x80, s5, s26, $0xb8;
	[tilespmem:$0x1E200] =	vst v63  }
0x48: {  	s12 =	simm.s32 $0x2A00;
	v1 =	vld [tilespmem:s13+$0x80]  }
0x49: {  	v2 =	vld [tilespmem:s12+$0x80]  }
0x4a: {  	v3 =	vld [tilespmem:s12+$0xFFFFFF00]  }
0x4b: {  	v4 =	vld [tilespmem:s13+$0xFFFFFF80]  }
0x4c: {  	v5 =	vld [tilespmem:s12+$0xFFFFFF80]  }
0x4d: {  	v6 =	vld [tilespmem:s12+$0x0]  }
0x4e: {  	v1 =	vadd.f32 v2, v1;
	v2 =	vld [tilespmem:s13+$0x0]  }
0x4f: {  	v7 =	vld [tilespmem:s13+$0xFFFFFF00]  }
0x50: {  	v1 =	vmax.f32 v1, $0.0e+00  }
0x51: {  	v4 =	vadd.f32 v5, v4;
	[tilespmem:s13+$0x80] =	vst v1;
	v1 =	vld [tilespmem:s13+$0x90]  }
0x52: {  	v8 =	vld [tilespmem:s12+$0x90]  }
0x53: {  	v9 =	vld [tilespmem:s13+$0xFFFFFF90];
	v4 =	vmax.f32 v4, $0.0e+00;
	v2 =	vadd.f32 v6, v2  }
0x54: {  	v5 =	vld [tilespmem:s13+$0xFFFFFF10];
	v3 =	vadd.f32 v3, v7;
	[tilespmem:s13+$0xFFFFFF80] =	vst v4  }
0x55: {  	v6 =	vld [tilespmem:s12+$0xFFFFFF90];
	v2 =	vmax.f32 v2, $0.0e+00  }
0x56: {  	v3 =	vmax.f32 v3, $0.0e+00;
	v4 =	vld [tilespmem:s13+$0x10];
	[tilespmem:s13+$0x0] =	vst v2  }
0x57: {  	[tilespmem:s13+$0xFFFFFF00] =	vst v3;
	v1 =	vadd.f32 v8, v1;
	v2 =	vld [tilespmem:s12+$0x10]  }
0x58: {  	v3 =	vld [tilespmem:s12+$0xFFFFFF10]  }
0x59: {  	v1 =	vmax.f32 v1, $0.0e+00  }
0x5a: {  	v6 =	vadd.f32 v6, v9;
	[tilespmem:s13+$0x90] =	vst v1;
	v1 =	vld [tilespmem:s13+$0xA0]  }
0x5b: {  	v8 =	vld [tilespmem:s12+$0xA0]  }
0x5c: {  	v7 =	vld [tilespmem:s13+$0xFFFFFF20];
	v6 =	vmax.f32 v6, $0.0e+00;
	v2 =	vadd.f32 v2, v4  }
0x5d: {  	v3 =	vadd.f32 v3, v5;
	v9 =	vld [tilespmem:s13+$0xFFFFFFA0];
	[tilespmem:s13+$0xFFFFFF90] =	vst v6  }
0x5e: {  	v5 =	vld [tilespmem:s12+$0xFFFFFFA0];
	v2 =	vmax.f32 v2, $0.0e+00  }
0x5f: {  	v3 =	vmax.f32 v3, $0.0e+00;
	v4 =	vld [tilespmem:s13+$0x20];
	[tilespmem:s13+$0x10] =	vst v2  }
0x60: {  	[tilespmem:s13+$0xFFFFFF10] =	vst v3;
	v1 =	vadd.f32 v8, v1;
	v2 =	vld [tilespmem:s12+$0x20]  }
0x61: {  	v3 =	vld [tilespmem:s12+$0xFFFFFF20]  }
0x62: {  	v1 =	vmax.f32 v1, $0.0e+00  }
0x63: {  	v5 =	vadd.f32 v5, v9;
	[tilespmem:s13+$0xA0] =	vst v1;
	v1 =	vld [tilespmem:s13+$0xB0]  }
0x64: {  	v8 =	vld [tilespmem:s12+$0xB0]  }
0x65: {  	v10 =	vld [tilespmem:s13+$0x30];
	v5 =	vmax.f32 v5, $0.0e+00;
	v2 =	vadd.f32 v2, v4  }
0x66: {  	v3 =	vadd.f32 v3, v7;
	v9 =	vld [tilespmem:s13+$0xFFFFFFB0];
	[tilespmem:s13+$0xFFFFFFA0] =	vst v5  }
0x67: {  	v4 =	vld [tilespmem:s12+$0xFFFFFFB0];
	v2 =	vmax.f32 v2, $0.0e+00  }
0x68: {  	v6 =	vld [tilespmem:s13+$0xFFFFFF30];
	[tilespmem:s13+$0x20] =	vst v2;
	v2 =	vmax.f32 v3, $0.0e+00  }
0x69: {  	v1 =	vadd.f32 v8, v1;
	[tilespmem:s13+$0xFFFFFF20] =	vst v2;
	v2 =	vld [tilespmem:s12+$0x30]  }
0x6a: {  	v7 =	vld [tilespmem:s12+$0xFFFFFF30]  }
0x6b: {  	v11 =	vld [tilespmem:s13+$0xFFFFFF40];
	v1 =	vmax.f32 v1, $0.0e+00  }
0x6c: {  	v4 =	vadd.f32 v4, v9;
	[tilespmem:s13+$0xB0] =	vst v1;
	v1 =	vld [tilespmem:s13+$0xC0]  }
0x6d: {  	v8 =	vld [tilespmem:s12+$0xC0]  }
0x6e: {  	v12 =	vld [tilespmem:s13+$0xFFFFFFD0];
	v4 =	vmax.f32 v4, $0.0e+00;
	v2 =	vadd.f32 v2, v10  }
0x6f: {  	v5 =	vld [tilespmem:s13+$0xFFFFFFC0];
	[tilespmem:s13+$0xFFFFFFB0] =	vst v4;
	v6 =	vadd.f32 v7, v6  }
0x70: {  	v7 =	vld [tilespmem:s12+$0xFFFFFFC0];
	v2 =	vmax.f32 v2, $0.0e+00  }
0x71: {  	v3 =	vld [tilespmem:s13+$0x40];
	[tilespmem:s13+$0x30] =	vst v2;
	v2 =	vmax.f32 v6, $0.0e+00  }
0x72: {  	v1 =	vadd.f32 v8, v1;
	v6 =	vld [tilespmem:s12+$0x40];
	[tilespmem:s13+$0xFFFFFF30] =	vst v2  }
0x73: {  	v2 =	vld [tilespmem:s12+$0xFFFFFF40]  }
0x74: {  	v9 =	vld [tilespmem:s13+$0xFFFFFF50];
	v1 =	vmax.f32 v1, $0.0e+00  }
0x75: {  	[tilespmem:s13+$0xC0] =	vst v1;
	v1 =	vadd.f32 v7, v5;
	v7 =	vld [tilespmem:s13+$0xD0]  }
0x76: {  	v8 =	vld [tilespmem:s12+$0xD0]  }
0x77: {  	v4 =	vld [tilespmem:s13+$0xFFFFFF60];
	v1 =	vmax.f32 v1, $0.0e+00;
	v3 =	vadd.f32 v6, v3  }
0x78: {  	v10 =	vld [tilespmem:s13+$0x50];
	[tilespmem:s13+$0xFFFFFFC0] =	vst v1;
	v1 =	vadd.f32 v2, v11  }
0x79: {  	v2 =	vld [tilespmem:s12+$0xFFFFFFD0];
	v3 =	vmax.f32 v3, $0.0e+00  }
0x7a: {  	v5 =	vld [tilespmem:s13+$0xFFFFFFE0];
	[tilespmem:s13+$0x40] =	vst v3;
	v1 =	vmax.f32 v1, $0.0e+00  }
0x7b: {  	v3 =	vld [tilespmem:s12+$0x50];
	v7 =	vadd.f32 v8, v7;
	[tilespmem:s13+$0xFFFFFF40] =	vst v1  }
0x7c: {  	v1 =	vld [tilespmem:s12+$0xFFFFFF50]  }
0x7d: {  	v6 =	vld [tilespmem:s13+$0x60];
	v7 =	vmax.f32 v7, $0.0e+00  }
0x7e: {  	v2 =	vadd.f32 v2, v12;
	[tilespmem:s13+$0xD0] =	vst v7;
	v7 =	vld [tilespmem:s13+$0xE0]  }
0x7f: {  	v11 =	vld [tilespmem:s12+$0xE0]  }
0x80: {  	v2 =	vmax.f32 v2, $0.0e+00;
	v8 =	vadd.f32 v3, v10;
	v3 =	vld [tilespmem:s13+$0xFFFFFF70]  }
0x81: {  	[tilespmem:s13+$0xFFFFFFD0] =	vst v2;
	v1 =	vadd.f32 v1, v9;
	v2 =	vld [tilespmem:s13+$0xFFFFFFF0]  }
0x82: {  	v9 =	vmax.f32 v8, $0.0e+00;
	v8 =	vld [tilespmem:s12+$0xFFFFFFE0]  }
0x83: {  	[tilespmem:s13+$0x50] =	vst v9;
	v9 =	vmax.f32 v1, $0.0e+00;
	v1 =	vld [tilespmem:s13+$0x70]  }
0x84: {  	[tilespmem:s13+$0xFFFFFF50] =	vst v9;
	v9 =	vld [tilespmem:s12+$0x60];
	v7 =	vadd.f32 v11, v7  }
0x85: {  	v10 =	vld [tilespmem:s12+$0xFFFFFF60]  }
0x86: {  	s1 =	simm.s32 $0x2A00;
	s14 =	simm.s32 $0x400;
	s21 =	simm.s32 $0x0;
	v11 =	vmax.f32 v7, $0.0e+00;
	v7 =	vld [tilespmem:s13+$0xF0]  }
.LBB2_3:
0x87: {  	v12 =	vld [tilespmem:s14+$0x80];
	v5 =	vadd.f32 v8, v5;
	[tilespmem:s13+$0xE0] =	vst v11  }
0x88: {  	s1 =	sadd.s32 $0x200, s1;
	v8 =	vld [tilespmem:s12+$0xF0]  }
0x89: {  	s21 =	sadd.s32 $0x4, s21;
	v11 =	vld [tilespmem:s1+$0x80];
	v5 =	vmax.f32 v5, $0.0e+00;
	v6 =	vadd.f32 v9, v6  }
0x8a: {  	p0 =	slt.u32 s21, $0x4C;
	v9 =	vld [tilespmem:s1+$0xFFFFFF00];
	v4 =	vadd.f32 v10, v4;
	[tilespmem:s13+$0xFFFFFFE0] =	vst v5  }
0x8b: {  	v5 =	vld [tilespmem:s14+$0xFFFFFF80];
	v6 =	vmax.f32 v6, $0.0e+00  }
0x8c: {  	v10 =	vld [tilespmem:s1+$0xFFFFFF80];
	v4 =	vmax.f32 v4, $0.0e+00;
	[tilespmem:s13+$0x60] =	vst v6  }
0x8d: {  	v6 =	vld [tilespmem:s14+$0x0];
	[tilespmem:s13+$0xFFFFFF60] =	vst v4;
	v4 =	vadd.f32 v8, v7  }
0x8e: {  	v7 =	vld [tilespmem:s1+$0x0];
	v8 =	vadd.f32 v11, v12  }
0x8f: {  	v11 =	vld [tilespmem:s14+$0xFFFFFF00];
	v4 =	vmax.f32 v4, $0.0e+00  }
0x90: {  	v12 =	vld [tilespmem:s14+$0xFFFFFF10];
	v8 =	vmax.f32 v8, $0.0e+00;
	[tilespmem:s13+$0xF0] =	vst v4  }
0x91: {  	v4 =	vadd.f32 v10, v5;
	[tilespmem:s14+$0x80] =	vst v8;
	v5 =	vld [tilespmem:s14+$0x90]  }
0x92: {  	v8 =	vld [tilespmem:s1+$0x90]  }
0x93: {  	v4 =	vmax.f32 v4, $0.0e+00;
	v10 =	vld [tilespmem:s14+$0xFFFFFF90];
	v6 =	vadd.f32 v7, v6  }
0x94: {  	v7 =	vadd.f32 v9, v11;
	[tilespmem:s14+$0xFFFFFF80] =	vst v4;
	v4 =	vld [tilespmem:s14+$0x10]  }
0x95: {  	v9 =	vld [tilespmem:s1+$0xFFFFFF90];
	v6 =	vmax.f32 v6, $0.0e+00  }
0x96: {  	v7 =	vmax.f32 v7, $0.0e+00;
	v11 =	vld [tilespmem:s14+$0xFFFFFF20];
	[tilespmem:s14+$0x0] =	vst v6  }
0x97: {  	[tilespmem:s14+$0xFFFFFF00] =	vst v7;
	v6 =	vld [tilespmem:s1+$0x10];
	v5 =	vadd.f32 v8, v5  }
0x98: {  	v7 =	vld [tilespmem:s1+$0xFFFFFF10]  }
0x99: {  	v8 =	vld [tilespmem:s14+$0xFFFFFFA0];
	v5 =	vmax.f32 v5, $0.0e+00  }
0x9a: {  	v9 =	vadd.f32 v9, v10;
	[tilespmem:s14+$0x90] =	vst v5;
	v5 =	vld [tilespmem:s14+$0xA0]  }
0x9b: {  	v10 =	vld [tilespmem:s1+$0xA0]  }
0x9c: {  	v9 =	vmax.f32 v9, $0.0e+00;
	v4 =	vadd.f32 v6, v4;
	v6 =	vld [tilespmem:s14+$0x20]  }
0x9d: {  	v7 =	vadd.f32 v7, v12;
	v12 =	vld [tilespmem:s14+$0xFFFFFF30];
	[tilespmem:s14+$0xFFFFFF90] =	vst v9  }
0x9e: {  	v9 =	vld [tilespmem:s1+$0xFFFFFFA0];
	v4 =	vmax.f32 v4, $0.0e+00  }
0x9f: {  	v7 =	vmax.f32 v7, $0.0e+00;
	v13 =	vld [tilespmem:s14+$0xFFFFFFB0];
	[tilespmem:s14+$0x10] =	vst v4  }
0xa0: {  	[tilespmem:s14+$0xFFFFFF10] =	vst v7;
	v4 =	vld [tilespmem:s1+$0x20];
	v5 =	vadd.f32 v10, v5  }
0xa1: {  	v7 =	vld [tilespmem:s1+$0xFFFFFF20]  }
0xa2: {  	v10 =	vld [tilespmem:s14+$0x30];
	v5 =	vmax.f32 v5, $0.0e+00  }
0xa3: {  	v8 =	vadd.f32 v9, v8;
	[tilespmem:s14+$0xA0] =	vst v5;
	v5 =	vld [tilespmem:s14+$0xB0]  }
0xa4: {  	v9 =	vld [tilespmem:s1+$0xB0]  }
0xa5: {  	v14 =	vld [tilespmem:s14+$0xFFFFFF40];
	v8 =	vmax.f32 v8, $0.0e+00;
	v4 =	vadd.f32 v4, v6  }
0xa6: {  	v6 =	vadd.f32 v7, v11;
	[tilespmem:s14+$0xFFFFFFA0] =	vst v8;
	v7 =	vld [tilespmem:s14+$0xFFFFFFC0]  }
0xa7: {  	v8 =	vld [tilespmem:s1+$0xFFFFFFB0];
	v4 =	vmax.f32 v4, $0.0e+00  }
0xa8: {  	v6 =	vmax.f32 v6, $0.0e+00;
	[tilespmem:s14+$0x20] =	vst v4;
	v11 =	vld [tilespmem:s14+$0x40]  }
0xa9: {  	[tilespmem:s14+$0xFFFFFF20] =	vst v6;
	v4 =	vld [tilespmem:s1+$0x30];
	v5 =	vadd.f32 v9, v5  }
0xaa: {  	v6 =	vld [tilespmem:s1+$0xFFFFFF30]  }
0xab: {  	v9 =	vld [tilespmem:s14+$0xFFFFFF50];
	v5 =	vmax.f32 v5, $0.0e+00  }
0xac: {  	v8 =	vadd.f32 v8, v13;
	[tilespmem:s14+$0xB0] =	vst v5;
	v5 =	vld [tilespmem:s14+$0xC0]  }
0xad: {  	v13 =	vld [tilespmem:s1+$0xC0]  }
0xae: {  	v8 =	vmax.f32 v8, $0.0e+00;
	v15 =	vld [tilespmem:s14+$0xFFFFFFD0];
	v4 =	vadd.f32 v4, v10  }
0xaf: {  	v6 =	vadd.f32 v6, v12;
	[tilespmem:s14+$0xFFFFFFB0] =	vst v8;
	v8 =	vld [tilespmem:s14+$0x50]  }
0xb0: {  	v10 =	vld [tilespmem:s1+$0xFFFFFFC0];
	v12 =	vmax.f32 v4, $0.0e+00  }
0xb1: {  	v6 =	vmax.f32 v6, $0.0e+00;
	v4 =	vld [tilespmem:s14+$0xFFFFFF60];
	[tilespmem:s14+$0x30] =	vst v12  }
0xb2: {  	[tilespmem:s14+$0xFFFFFF30] =	vst v6;
	v6 =	vld [tilespmem:s1+$0x40];
	v12 =	vadd.f32 v13, v5  }
0xb3: {  	v13 =	vld [tilespmem:s1+$0xFFFFFF40]  }
0xb4: {  	v5 =	vld [tilespmem:s14+$0xFFFFFFE0];
	v12 =	vmax.f32 v12, $0.0e+00  }
0xb5: {  	v7 =	vadd.f32 v10, v7;
	[tilespmem:s14+$0xC0] =	vst v12;
	v10 =	vld [tilespmem:s14+$0xD0]  }
0xb6: {  	v12 =	vld [tilespmem:s1+$0xD0]  }
0xb7: {  	v7 =	vmax.f32 v7, $0.0e+00;
	v11 =	vadd.f32 v6, v11;
	v6 =	vld [tilespmem:s14+$0x60]  }
0xb8: {  	v13 =	vadd.f32 v13, v14;
	[tilespmem:s14+$0xFFFFFFC0] =	vst v7;
	v7 =	vld [tilespmem:s12+$0xFFFFFF70]  }
0xb9: {  	v14 =	vld [tilespmem:s1+$0xFFFFFFD0];
	v11 =	vmax.f32 v11, $0.0e+00  }
0xba: {  	v13 =	vmax.f32 v13, $0.0e+00;
	[tilespmem:s14+$0x40] =	vst v11;
	v11 =	vld [tilespmem:s12+$0xFFFFFFF0]  }
0xbb: {  	[tilespmem:s14+$0xFFFFFF40] =	vst v13;
	v13 =	vld [tilespmem:s1+$0x50];
	v10 =	vadd.f32 v12, v10  }
0xbc: {  	v12 =	vld [tilespmem:s1+$0xFFFFFF50]  }
0xbd: {  	v10 =	vmax.f32 v10, $0.0e+00;
	v3 =	vadd.f32 v7, v3;
	v7 =	vld [tilespmem:s12+$0x70];
	s12 =	smov.u32 s1  }
0xbe: {  	v14 =	vadd.f32 v14, v15;
	[tilespmem:s14+$0xD0] =	vst v10;
	v10 =	vld [tilespmem:s14+$0xE0]  }
0xbf: {  	v15 =	vld [tilespmem:s1+$0xE0];
	v16 =	vmax.f32 v3, $0.0e+00;
	v11 =	vadd.f32 v11, v2  }
0xc0: {  	v3 =	vld [tilespmem:s14+$0xFFFFFF70];
	v2 =	vmax.f32 v14, $0.0e+00;
	v13 =	vadd.f32 v13, v8;
	[tilespmem:s13+$0xFFFFFF70] =	vst v16  }
0xc1: {  	v9 =	vadd.f32 v12, v9;
	[tilespmem:s14+$0xFFFFFFD0] =	vst v2;
	v2 =	vld [tilespmem:s14+$0xFFFFFFF0];
	v11 =	vmax.f32 v11, $0.0e+00  }
.Ltmp0:
0xc2: {  	v8 =	vld [tilespmem:s1+$0xFFFFFFE0];
	v12 =	vmax.f32 v13, $0.0e+00;
	[tilespmem:s13+$0xFFFFFFF0] =	vst v11;
	v7 =	vadd.f32 v7, v1;
	(pc) =	sbr.rel @p0 .LBB2_3-.Ltmp0, $4  }
0xc3: {  	v9 =	vmax.f32 v9, $0.0e+00;
	[tilespmem:s14+$0x50] =	vst v12;
	v1 =	vld [tilespmem:s14+$0x70]  }
0xc4: {  	[tilespmem:s14+$0xFFFFFF50] =	vst v9;
	v9 =	vld [tilespmem:s1+$0x60];
	v11 =	vadd.f32 v15, v10;
	v7 =	vmax.f32 v7, $0.0e+00  }
0xc5: {  	v10 =	vld [tilespmem:s1+$0xFFFFFF60];
	[tilespmem:s13+$0x70] =	vst v7;
	s13 =	smov.u32 s14  }
0xc6: {  	s14 =	sadd.s32 $0x200, s14;
	v11 =	vmax.f32 v11, $0.0e+00;
	v7 =	vld [tilespmem:s13+$0xF0]  }
0xc7: {  	_ =	sdelay $0x2  }
0xc8: {  	v4 =	vadd.f32 v10, v4  }
0xc9: {  	v5 =	vadd.f32 v8, v5  }
0xca: {  	[tilespmem:s13+$0xE0] =	vst v11;
	v6 =	vadd.f32 v9, v6;
	v4 =	vmax.f32 v4, $0.0e+00  }
0xcb: {  	v8 =	vld [tilespmem:s12+$0xF0];
	v5 =	vmax.f32 v5, $0.0e+00;
	[tilespmem:s13+$0xFFFFFF60] =	vst v4  }
0xcc: {  	[tilespmem:s13+$0xFFFFFFE0] =	vst v5;
	v4 =	vmax.f32 v6, $0.0e+00;
	v5 =	vld [tilespmem:s12+$0xFFFFFF70]  }
0xcd: {  	[tilespmem:s13+$0x60] =	vst v4;
	v4 =	vld [tilespmem:s12+$0xFFFFFFF0]  }
0xce: {  	v6 =	vld [tilespmem:s12+$0x70];
	_ =	sdelay $0x1  }
0xcf: {  	v7 =	vadd.f32 v8, v7  }
0xd0: {  	v3 =	vadd.f32 v5, v3  }
0xd1: {  	v5 =	vmax.f32 v7, $0.0e+00;
	v2 =	vadd.f32 v4, v2  }
0xd2: {  	[tilespmem:s13+$0xF0] =	vst v5;
	v1 =	vadd.f32 v6, v1;
	v3 =	vmax.f32 v3, $0.0e+00  }
0xd3: {  	v2 =	vmax.f32 v2, $0.0e+00;
	[tilespmem:s13+$0xFFFFFF70] =	vst v3  }
0xd4: {  	[tilespmem:s13+$0xFFFFFFF0] =	vst v2;
	v1 =	vmax.f32 v1, $0.0e+00  }
0xd5: {  	[tilespmem:s13+$0x70] =	vst v1  }
0xd6: {  	[spmem:s4] =	stream.indirect.scatter.add.f32 [tilespmem:s28], [sflag:$0x5], $0x80, s6, s26, $0xb8;
	[tilespmem:$0x1E200] =	vst v63  }
0xd7: {  	_ =	swait.ge [sflag:s17], $0x2800  }
0xd8: {  	[sflag:s17] =	ssyncset.done $0x0  }
0xd9: {  	[sflag:s17] =	ssyncadd.s32 $0xFFFFD800  }
0xda: {  	_ =	swait.ge [sflag:s18], $0x2800  }
0xdb: {  	[sflag:s18] =	ssyncset.done $0x0  }
0xdc: {  	p0 =	seq.s32 s25, $0x1F;
	[sflag:s18] =	ssyncadd.s32 $0xFFFFD800  }
0xdd: {  	s1 =	sadd.s32 @!p0 s10, s16;
	_ =	swait.ge [sflag:s19], $0x2800  }
0xde: {  	s1 =	sshrl.u32 @!p0 s1, $0x3;
	[sflag:s19] =	ssyncset.done $0x0  }
0xdf: {  	s10 =	sadd.s32 @!p0 s3, s1;
	s12 =	simm.s32 @!p0 $0x0;
	[sflag:s19] =	ssyncadd.s32 $0xFFFFD800  }
0xe0: {  	[tilespmem:s12], [sflag:$0x7] =	stream.linear.gather @!p0 [hbm4b:s10+s12], $0x50, $0x38;
	[tilespmem:$0x1E200] =	vst v63  }
0xe1: {  	s10 =	simm.s32 @!p0 $0x7  }
0xe2: {  	_ =	swait.ge @!p0 [sflag:s10], $0x50  }
0xe3: {  	[sflag:s10] =	ssyncset.done @!p0 $0x0  }
0xe4: {  	s1 =	sadd.s32 @!p0 s9, s1;
	s13 =	simm.s32 @!p0 $0x80;
	[sflag:s10] =	ssyncadd.s32 @!p0 $0xFFFFFFB0  }
0xe5: {  	[tilespmem:s13], [sflag:$0x7] =	stream.linear.gather @!p0 [hbm4b:s1+s12], $0x50, $0x38;
	[tilespmem:$0x1E200] =	vst v63  }
0xe6: {  	_ =	swait.ge @!p0 [sflag:s10], $0x50  }
0xe7: {  	[sflag:s10] =	ssyncset.done @!p0 $0x0  }
0xe8: {  	[sflag:s10] =	ssyncadd.s32 @!p0 $0xFFFFFFB0  }
0xe9: {  	s1 =	simm.s32 @!p0 $0x50;
	s10 =	simm.s32 @!p0 $0x100;
	s14 =	rddreg [dreg:$0x0]  }
0xea: {  	[tilespmem:s10], [sflag:$0x1] =	stream.indirect.gather @!p0 [hbm4b:s14+s1], $0x80, s12, s1, $0xb8;
	[tilespmem:$0x1E200] =	vst v63  }
0xeb: {  	s10 =	simm.s32 @!p0 $0x2900  }
0xec: {  	[tilespmem:s10], [sflag:$0x2] =	stream.indirect.gather @!p0 [hbm4b:s7+s1], $0x80, s13, s1, $0xb8;
	[tilespmem:$0x1E200] =	vst v63  }
0xed: {  	s10 =	simm.s32 $0x5300  }
0xee: {  	s12 =	simm.s32 $0x7B00;
	v1 =	vld [tilespmem:s10+$0x80]  }
0xef: {  	v2 =	vld [tilespmem:s12+$0x80]  }
0xf0: {  	v3 =	vld [tilespmem:s12+$0xFFFFFF00]  }
0xf1: {  	v4 =	vld [tilespmem:s10+$0xFFFFFF80]  }
0xf2: {  	v5 =	vld [tilespmem:s12+$0xFFFFFF80]  }
0xf3: {  	v6 =	vld [tilespmem:s12+$0x0]  }
0xf4: {  	v1 =	vadd.f32 v2, v1;
	v2 =	vld [tilespmem:s10+$0x0]  }
0xf5: {  	v7 =	vld [tilespmem:s10+$0xFFFFFF00]  }
0xf6: {  	v1 =	vmax.f32 v1, $0.0e+00  }
0xf7: {  	v4 =	vadd.f32 v5, v4;
	[tilespmem:s10+$0x80] =	vst v1;
	v1 =	vld [tilespmem:s10+$0x90]  }
0xf8: {  	v8 =	vld [tilespmem:s12+$0x90]  }
0xf9: {  	v9 =	vld [tilespmem:s10+$0xFFFFFF90];
	v4 =	vmax.f32 v4, $0.0e+00;
	v2 =	vadd.f32 v6, v2  }
0xfa: {  	v5 =	vld [tilespmem:s10+$0xFFFFFF10];
	v3 =	vadd.f32 v3, v7;
	[tilespmem:s10+$0xFFFFFF80] =	vst v4  }
0xfb: {  	v6 =	vld [tilespmem:s12+$0xFFFFFF90];
	v2 =	vmax.f32 v2, $0.0e+00  }
0xfc: {  	v3 =	vmax.f32 v3, $0.0e+00;
	v4 =	vld [tilespmem:s10+$0x10];
	[tilespmem:s10+$0x0] =	vst v2  }
0xfd: {  	[tilespmem:s10+$0xFFFFFF00] =	vst v3;
	v1 =	vadd.f32 v8, v1;
	v2 =	vld [tilespmem:s12+$0x10]  }
0xfe: {  	v3 =	vld [tilespmem:s12+$0xFFFFFF10]  }
0xff: {  	v1 =	vmax.f32 v1, $0.0e+00  }
0x100: {  	v6 =	vadd.f32 v6, v9;
	[tilespmem:s10+$0x90] =	vst v1;
	v1 =	vld [tilespmem:s10+$0xA0]  }
0x101: {  	v8 =	vld [tilespmem:s12+$0xA0]  }
0x102: {  	v7 =	vld [tilespmem:s10+$0xFFFFFF20];
	v6 =	vmax.f32 v6, $0.0e+00;
	v2 =	vadd.f32 v2, v4  }
0x103: {  	v3 =	vadd.f32 v3, v5;
	v9 =	vld [tilespmem:s10+$0xFFFFFFA0];
	[tilespmem:s10+$0xFFFFFF90] =	vst v6  }
0x104: {  	v5 =	vld [tilespmem:s12+$0xFFFFFFA0];
	v2 =	vmax.f32 v2, $0.0e+00  }
0x105: {  	v3 =	vmax.f32 v3, $0.0e+00;
	v4 =	vld [tilespmem:s10+$0x20];
	[tilespmem:s10+$0x10] =	vst v2  }
0x106: {  	[tilespmem:s10+$0xFFFFFF10] =	vst v3;
	v1 =	vadd.f32 v8, v1;
	v2 =	vld [tilespmem:s12+$0x20]  }
0x107: {  	v3 =	vld [tilespmem:s12+$0xFFFFFF20]  }
0x108: {  	v1 =	vmax.f32 v1, $0.0e+00  }
0x109: {  	v5 =	vadd.f32 v5, v9;
	[tilespmem:s10+$0xA0] =	vst v1;
	v1 =	vld [tilespmem:s10+$0xB0]  }
0x10a: {  	v8 =	vld [tilespmem:s12+$0xB0]  }
0x10b: {  	v10 =	vld [tilespmem:s10+$0x30];
	v5 =	vmax.f32 v5, $0.0e+00;
	v2 =	vadd.f32 v2, v4  }
0x10c: {  	v3 =	vadd.f32 v3, v7;
	v9 =	vld [tilespmem:s10+$0xFFFFFFB0];
	[tilespmem:s10+$0xFFFFFFA0] =	vst v5  }
0x10d: {  	v4 =	vld [tilespmem:s12+$0xFFFFFFB0];
	v2 =	vmax.f32 v2, $0.0e+00  }
0x10e: {  	v6 =	vld [tilespmem:s10+$0xFFFFFF30];
	[tilespmem:s10+$0x20] =	vst v2;
	v2 =	vmax.f32 v3, $0.0e+00  }
0x10f: {  	v1 =	vadd.f32 v8, v1;
	[tilespmem:s10+$0xFFFFFF20] =	vst v2;
	v2 =	vld [tilespmem:s12+$0x30]  }
0x110: {  	v7 =	vld [tilespmem:s12+$0xFFFFFF30]  }
0x111: {  	v11 =	vld [tilespmem:s10+$0xFFFFFF40];
	v1 =	vmax.f32 v1, $0.0e+00  }
0x112: {  	v4 =	vadd.f32 v4, v9;
	[tilespmem:s10+$0xB0] =	vst v1;
	v1 =	vld [tilespmem:s10+$0xC0]  }
0x113: {  	v8 =	vld [tilespmem:s12+$0xC0]  }
0x114: {  	v12 =	vld [tilespmem:s10+$0xFFFFFFD0];
	v4 =	vmax.f32 v4, $0.0e+00;
	v2 =	vadd.f32 v2, v10  }
0x115: {  	v5 =	vld [tilespmem:s10+$0xFFFFFFC0];
	[tilespmem:s10+$0xFFFFFFB0] =	vst v4;
	v6 =	vadd.f32 v7, v6  }
0x116: {  	v7 =	vld [tilespmem:s12+$0xFFFFFFC0];
	v2 =	vmax.f32 v2, $0.0e+00  }
0x117: {  	v3 =	vld [tilespmem:s10+$0x40];
	[tilespmem:s10+$0x30] =	vst v2;
	v2 =	vmax.f32 v6, $0.0e+00  }
0x118: {  	v1 =	vadd.f32 v8, v1;
	v6 =	vld [tilespmem:s12+$0x40];
	[tilespmem:s10+$0xFFFFFF30] =	vst v2  }
0x119: {  	v2 =	vld [tilespmem:s12+$0xFFFFFF40]  }
0x11a: {  	v9 =	vld [tilespmem:s10+$0xFFFFFF50];
	v1 =	vmax.f32 v1, $0.0e+00  }
0x11b: {  	[tilespmem:s10+$0xC0] =	vst v1;
	v1 =	vadd.f32 v7, v5;
	v7 =	vld [tilespmem:s10+$0xD0]  }
0x11c: {  	v8 =	vld [tilespmem:s12+$0xD0]  }
0x11d: {  	v4 =	vld [tilespmem:s10+$0xFFFFFF60];
	v1 =	vmax.f32 v1, $0.0e+00;
	v3 =	vadd.f32 v6, v3  }
0x11e: {  	v10 =	vld [tilespmem:s10+$0x50];
	[tilespmem:s10+$0xFFFFFFC0] =	vst v1;
	v1 =	vadd.f32 v2, v11  }
0x11f: {  	v2 =	vld [tilespmem:s12+$0xFFFFFFD0];
	v3 =	vmax.f32 v3, $0.0e+00  }
0x120: {  	v5 =	vld [tilespmem:s10+$0xFFFFFFE0];
	[tilespmem:s10+$0x40] =	vst v3;
	v1 =	vmax.f32 v1, $0.0e+00  }
0x121: {  	v3 =	vld [tilespmem:s12+$0x50];
	v7 =	vadd.f32 v8, v7;
	[tilespmem:s10+$0xFFFFFF40] =	vst v1  }
0x122: {  	v1 =	vld [tilespmem:s12+$0xFFFFFF50]  }
0x123: {  	v6 =	vld [tilespmem:s10+$0x60];
	v7 =	vmax.f32 v7, $0.0e+00  }
0x124: {  	v2 =	vadd.f32 v2, v12;
	[tilespmem:s10+$0xD0] =	vst v7;
	v7 =	vld [tilespmem:s10+$0xE0]  }
0x125: {  	v11 =	vld [tilespmem:s12+$0xE0]  }
0x126: {  	v2 =	vmax.f32 v2, $0.0e+00;
	v8 =	vadd.f32 v3, v10;
	v3 =	vld [tilespmem:s10+$0xFFFFFF70]  }
0x127: {  	[tilespmem:s10+$0xFFFFFFD0] =	vst v2;
	v1 =	vadd.f32 v1, v9;
	v2 =	vld [tilespmem:s10+$0xFFFFFFF0]  }
0x128: {  	v9 =	vmax.f32 v8, $0.0e+00;
	v8 =	vld [tilespmem:s12+$0xFFFFFFE0]  }
0x129: {  	[tilespmem:s10+$0x50] =	vst v9;
	v9 =	vmax.f32 v1, $0.0e+00;
	v1 =	vld [tilespmem:s10+$0x70]  }
0x12a: {  	[tilespmem:s10+$0xFFFFFF50] =	vst v9;
	v9 =	vld [tilespmem:s12+$0x60];
	v7 =	vadd.f32 v11, v7  }
0x12b: {  	v10 =	vld [tilespmem:s12+$0xFFFFFF60]  }
0x12c: {  	s14 =	simm.s32 $0x5500;
	s13 =	simm.s32 $0x0;
	s1 =	simm.s32 $0x7B00;
	v11 =	vmax.f32 v7, $0.0e+00;
	v7 =	vld [tilespmem:s10+$0xF0]  }
.LBB2_5:
0x12d: {  	v12 =	vld [tilespmem:s14+$0x80];
	v5 =	vadd.f32 v8, v5;
	[tilespmem:s10+$0xE0] =	vst v11  }
0x12e: {  	s1 =	sadd.s32 $0x200, s1;
	v8 =	vld [tilespmem:s12+$0xF0]  }
0x12f: {  	s13 =	sadd.s32 $0x4, s13;
	v11 =	vld [tilespmem:s1+$0x80];
	v5 =	vmax.f32 v5, $0.0e+00;
	v6 =	vadd.f32 v9, v6  }
0x130: {  	p0 =	slt.u32 s13, $0x4C;
	v9 =	vld [tilespmem:s1+$0xFFFFFF00];
	v4 =	vadd.f32 v10, v4;
	[tilespmem:s10+$0xFFFFFFE0] =	vst v5  }
0x131: {  	v5 =	vld [tilespmem:s14+$0xFFFFFF80];
	v6 =	vmax.f32 v6, $0.0e+00  }
0x132: {  	v10 =	vld [tilespmem:s1+$0xFFFFFF80];
	v4 =	vmax.f32 v4, $0.0e+00;
	[tilespmem:s10+$0x60] =	vst v6  }
0x133: {  	v6 =	vld [tilespmem:s14+$0x0];
	[tilespmem:s10+$0xFFFFFF60] =	vst v4;
	v4 =	vadd.f32 v8, v7  }
0x134: {  	v7 =	vld [tilespmem:s1+$0x0];
	v8 =	vadd.f32 v11, v12  }
0x135: {  	v11 =	vld [tilespmem:s14+$0xFFFFFF00];
	v4 =	vmax.f32 v4, $0.0e+00  }
0x136: {  	v12 =	vld [tilespmem:s14+$0xFFFFFF10];
	v8 =	vmax.f32 v8, $0.0e+00;
	[tilespmem:s10+$0xF0] =	vst v4  }
0x137: {  	v4 =	vadd.f32 v10, v5;
	[tilespmem:s14+$0x80] =	vst v8;
	v5 =	vld [tilespmem:s14+$0x90]  }
0x138: {  	v8 =	vld [tilespmem:s1+$0x90]  }
0x139: {  	v4 =	vmax.f32 v4, $0.0e+00;
	v10 =	vld [tilespmem:s14+$0xFFFFFF90];
	v6 =	vadd.f32 v7, v6  }
0x13a: {  	v7 =	vadd.f32 v9, v11;
	[tilespmem:s14+$0xFFFFFF80] =	vst v4;
	v4 =	vld [tilespmem:s14+$0x10]  }
0x13b: {  	v9 =	vld [tilespmem:s1+$0xFFFFFF90];
	v6 =	vmax.f32 v6, $0.0e+00  }
0x13c: {  	v7 =	vmax.f32 v7, $0.0e+00;
	v11 =	vld [tilespmem:s14+$0xFFFFFF20];
	[tilespmem:s14+$0x0] =	vst v6  }
0x13d: {  	[tilespmem:s14+$0xFFFFFF00] =	vst v7;
	v6 =	vld [tilespmem:s1+$0x10];
	v5 =	vadd.f32 v8, v5  }
0x13e: {  	v7 =	vld [tilespmem:s1+$0xFFFFFF10]  }
0x13f: {  	v8 =	vld [tilespmem:s14+$0xFFFFFFA0];
	v5 =	vmax.f32 v5, $0.0e+00  }
0x140: {  	v9 =	vadd.f32 v9, v10;
	[tilespmem:s14+$0x90] =	vst v5;
	v5 =	vld [tilespmem:s14+$0xA0]  }
0x141: {  	v10 =	vld [tilespmem:s1+$0xA0]  }
0x142: {  	v9 =	vmax.f32 v9, $0.0e+00;
	v4 =	vadd.f32 v6, v4;
	v6 =	vld [tilespmem:s14+$0x20]  }
0x143: {  	v7 =	vadd.f32 v7, v12;
	v12 =	vld [tilespmem:s14+$0xFFFFFF30];
	[tilespmem:s14+$0xFFFFFF90] =	vst v9  }
0x144: {  	v9 =	vld [tilespmem:s1+$0xFFFFFFA0];
	v4 =	vmax.f32 v4, $0.0e+00  }
0x145: {  	v7 =	vmax.f32 v7, $0.0e+00;
	v13 =	vld [tilespmem:s14+$0xFFFFFFB0];
	[tilespmem:s14+$0x10] =	vst v4  }
0x146: {  	[tilespmem:s14+$0xFFFFFF10] =	vst v7;
	v4 =	vld [tilespmem:s1+$0x20];
	v5 =	vadd.f32 v10, v5  }
0x147: {  	v7 =	vld [tilespmem:s1+$0xFFFFFF20]  }
0x148: {  	v10 =	vld [tilespmem:s14+$0x30];
	v5 =	vmax.f32 v5, $0.0e+00  }
0x149: {  	v8 =	vadd.f32 v9, v8;
	[tilespmem:s14+$0xA0] =	vst v5;
	v5 =	vld [tilespmem:s14+$0xB0]  }
0x14a: {  	v9 =	vld [tilespmem:s1+$0xB0]  }
0x14b: {  	v14 =	vld [tilespmem:s14+$0xFFFFFF40];
	v8 =	vmax.f32 v8, $0.0e+00;
	v4 =	vadd.f32 v4, v6  }
0x14c: {  	v6 =	vadd.f32 v7, v11;
	[tilespmem:s14+$0xFFFFFFA0] =	vst v8;
	v7 =	vld [tilespmem:s14+$0xFFFFFFC0]  }
0x14d: {  	v8 =	vld [tilespmem:s1+$0xFFFFFFB0];
	v4 =	vmax.f32 v4, $0.0e+00  }
0x14e: {  	v6 =	vmax.f32 v6, $0.0e+00;
	[tilespmem:s14+$0x20] =	vst v4;
	v11 =	vld [tilespmem:s14+$0x40]  }
0x14f: {  	[tilespmem:s14+$0xFFFFFF20] =	vst v6;
	v4 =	vld [tilespmem:s1+$0x30];
	v5 =	vadd.f32 v9, v5  }
0x150: {  	v6 =	vld [tilespmem:s1+$0xFFFFFF30]  }
0x151: {  	v9 =	vld [tilespmem:s14+$0xFFFFFF50];
	v5 =	vmax.f32 v5, $0.0e+00  }
0x152: {  	v8 =	vadd.f32 v8, v13;
	[tilespmem:s14+$0xB0] =	vst v5;
	v5 =	vld [tilespmem:s14+$0xC0]  }
0x153: {  	v13 =	vld [tilespmem:s1+$0xC0]  }
0x154: {  	v8 =	vmax.f32 v8, $0.0e+00;
	v15 =	vld [tilespmem:s14+$0xFFFFFFD0];
	v4 =	vadd.f32 v4, v10  }
0x155: {  	v6 =	vadd.f32 v6, v12;
	[tilespmem:s14+$0xFFFFFFB0] =	vst v8;
	v8 =	vld [tilespmem:s14+$0x50]  }
0x156: {  	v10 =	vld [tilespmem:s1+$0xFFFFFFC0];
	v12 =	vmax.f32 v4, $0.0e+00  }
0x157: {  	v6 =	vmax.f32 v6, $0.0e+00;
	v4 =	vld [tilespmem:s14+$0xFFFFFF60];
	[tilespmem:s14+$0x30] =	vst v12  }
0x158: {  	[tilespmem:s14+$0xFFFFFF30] =	vst v6;
	v6 =	vld [tilespmem:s1+$0x40];
	v12 =	vadd.f32 v13, v5  }
0x159: {  	v13 =	vld [tilespmem:s1+$0xFFFFFF40]  }
0x15a: {  	v5 =	vld [tilespmem:s14+$0xFFFFFFE0];
	v12 =	vmax.f32 v12, $0.0e+00  }
0x15b: {  	v7 =	vadd.f32 v10, v7;
	[tilespmem:s14+$0xC0] =	vst v12;
	v10 =	vld [tilespmem:s14+$0xD0]  }
0x15c: {  	v12 =	vld [tilespmem:s1+$0xD0]  }
0x15d: {  	v7 =	vmax.f32 v7, $0.0e+00;
	v11 =	vadd.f32 v6, v11;
	v6 =	vld [tilespmem:s14+$0x60]  }
0x15e: {  	v13 =	vadd.f32 v13, v14;
	[tilespmem:s14+$0xFFFFFFC0] =	vst v7;
	v7 =	vld [tilespmem:s12+$0xFFFFFF70]  }
0x15f: {  	v14 =	vld [tilespmem:s1+$0xFFFFFFD0];
	v11 =	vmax.f32 v11, $0.0e+00  }
0x160: {  	v13 =	vmax.f32 v13, $0.0e+00;
	[tilespmem:s14+$0x40] =	vst v11;
	v11 =	vld [tilespmem:s12+$0xFFFFFFF0]  }
0x161: {  	[tilespmem:s14+$0xFFFFFF40] =	vst v13;
	v13 =	vld [tilespmem:s1+$0x50];
	v10 =	vadd.f32 v12, v10  }
0x162: {  	v12 =	vld [tilespmem:s1+$0xFFFFFF50]  }
0x163: {  	v10 =	vmax.f32 v10, $0.0e+00;
	v3 =	vadd.f32 v7, v3;
	v7 =	vld [tilespmem:s12+$0x70];
	s12 =	smov.u32 s1  }
0x164: {  	v14 =	vadd.f32 v14, v15;
	[tilespmem:s14+$0xD0] =	vst v10;
	v10 =	vld [tilespmem:s14+$0xE0]  }
0x165: {  	v15 =	vld [tilespmem:s1+$0xE0];
	v16 =	vmax.f32 v3, $0.0e+00;
	v11 =	vadd.f32 v11, v2  }
0x166: {  	v3 =	vld [tilespmem:s14+$0xFFFFFF70];
	v2 =	vmax.f32 v14, $0.0e+00;
	v13 =	vadd.f32 v13, v8;
	[tilespmem:s10+$0xFFFFFF70] =	vst v16  }
0x167: {  	v9 =	vadd.f32 v12, v9;
	[tilespmem:s14+$0xFFFFFFD0] =	vst v2;
	v2 =	vld [tilespmem:s14+$0xFFFFFFF0];
	v11 =	vmax.f32 v11, $0.0e+00  }
.Ltmp1:
0x168: {  	v8 =	vld [tilespmem:s1+$0xFFFFFFE0];
	v12 =	vmax.f32 v13, $0.0e+00;
	[tilespmem:s10+$0xFFFFFFF0] =	vst v11;
	v7 =	vadd.f32 v7, v1;
	(pc) =	sbr.rel @p0 .LBB2_5-.Ltmp1, $4  }
0x169: {  	v9 =	vmax.f32 v9, $0.0e+00;
	[tilespmem:s14+$0x50] =	vst v12;
	v1 =	vld [tilespmem:s14+$0x70]  }
0x16a: {  	[tilespmem:s14+$0xFFFFFF50] =	vst v9;
	v9 =	vld [tilespmem:s1+$0x60];
	v11 =	vadd.f32 v15, v10;
	v7 =	vmax.f32 v7, $0.0e+00  }
0x16b: {  	v10 =	vld [tilespmem:s1+$0xFFFFFF60];
	[tilespmem:s10+$0x70] =	vst v7;
	s10 =	smov.u32 s14  }
0x16c: {  	s14 =	sadd.s32 $0x200, s14;
	v11 =	vmax.f32 v11, $0.0e+00;
	v7 =	vld [tilespmem:s10+$0xF0]  }
0x16d: {  	_ = 	snop  }
0x16e: {  	v5 =	vadd.f32 v8, v5  }
0x16f: {  	v6 =	vadd.f32 v9, v6  }
0x170: {  	[tilespmem:s10+$0xE0] =	vst v11;
	v5 =	vmax.f32 v5, $0.0e+00;
	v4 =	vadd.f32 v10, v4  }
0x171: {  	v58 =	vld [tilespmem:s12+$0xF0];
	[tilespmem:s10+$0xFFFFFFE0] =	vst v5;
	v59 =	vmax.f32 v6, $0.0e+00  }
0x172: {  	v61 =	vld [tilespmem:s12+$0xFFFFFFF0];
	v4 =	vmax.f32 v4, $0.0e+00;
	[tilespmem:s10+$0x60] =	vst v59  }
0x173: {  	[tilespmem:s10+$0xFFFFFF60] =	vst v4;
	v62 =	vld [tilespmem:s12+$0x70]  }
0x174: {  	v60 =	vld [tilespmem:s12+$0xFFFFFF70];
	_ =	sdelay $0x1  }
0x175: {  	v7 =	vadd.f32 v58, v7  }
0x176: {  	s25 =	sadd.s32 $0x1, s25;
	v2 =	vadd.f32 v61, v2  }
0x177: {  	p0 =	sne.s32 s25, $0x20;
	v63 =	vmax.f32 v7, $0.0e+00;
	v1 =	vadd.f32 v62, v1  }
.Ltmp2:
0x178: {  	[tilespmem:s10+$0xF0] =	vst v63;
	v2 =	vmax.f32 v2, $0.0e+00;
	v3 =	vadd.f32 v60, v3;
	(pc) =	sbr.rel @p0 .LBB2_2-.Ltmp2, $4  }
0x179: {  	[tilespmem:s10+$0xFFFFFFF0] =	vst v2;
	v1 =	vmax.f32 v1, $0.0e+00  }
0x17a: {  	v3 =	vmax.f32 v3, $0.0e+00;
	[tilespmem:s10+$0x70] =	vst v1  }
0x17b: {  	[tilespmem:s10+$0xFFFFFF70] =	vst v3  }
0x17c: {  	[spmem:s4] =	stream.indirect.scatter.add.f32 [tilespmem:s29], [sflag:$0x6], $0x80, s0, s26, $0xb8;
	[tilespmem:$0x1E200] =	vst v63  }
0x17d: {  	_ =	swait.ge [sflag:s20], $0x2800  }
0x17e: {  	[sflag:s20] =	ssyncset.done $0x0  }
0x17f: {  	[sflag:s20] =	ssyncadd.s32 $0xFFFFD800  }
0x180: {  	[bflag:$0x0] =	sbarrier.arrive $0xFFFF  }
0x181: {  	s10 =	rddreg [dreg:$0x8]  }
0x182: {  	s1 =	rddreg [dreg:$0xb]  }
0x183: {  	s12 =	rddreg [dreg:$0x11]  }
0x184: {  	[hbm:s1], [sflag:s10] =	dma.local [spmem:s12], $0x2800  }
0x185: {  	_ =	swait.ge [sflag:s24], $0x2800  }
0x186: {  	[sflag:s24] =	ssyncset.done $0x0  }
0x187: {  	[sflag:s24] =	ssyncadd.s32 $0xFFFFD800  }
0x188: {  	[bflag:$0x0] =	sbarrier.arrive $0xFFFF  }
0x189: {  	s25 =	rddreg [dreg:$0x6]  }
0x18a: {  	[spmem:s12], [sflag:s10] =	dma.local [hbm:s25], $0x2800  }
0x18b: {  	_ =	swait.ge [sflag:s24], $0x2800  }
0x18c: {  	[sflag:s24] =	ssyncset.done $0x0  }
0x18d: {  	[sflag:s24] =	ssyncadd.s32 $0xFFFFD800  }
0x18e: {  	[bflag:$0x0] =	sbarrier.arrive $0xFFFF  }
0x18f: {  	s25 =	simm.s32 $0x0;
	s12 =	rddreg [dreg:$0x9]  }
0x190: {  	[tilespmem:s25], [sflag:$0x7] =	stream.linear.gather [hbm4b:s12+s25], $0x50, $0x38;
	[tilespmem:$0x1E200] =	vst v63  }
0x191: {  	_ =	swait.ge [sflag:s24], $0x50  }
0x192: {  	[sflag:s24] =	ssyncset.done $0x0  }
0x193: {  	s14 =	simm.s32 $0x80;
	s13 =	rddreg [dreg:$0xa];
	[sflag:s24] =	ssyncadd.s32 $0xFFFFFFB0  }
0x194: {  	[tilespmem:s14], [sflag:$0x7] =	stream.linear.gather [hbm4b:s13+s25], $0x50, $0x38;
	[tilespmem:$0x1E200] =	vst v63  }
0x195: {  	_ =	swait.ge [sflag:s24], $0x50  }
0x196: {  	[sflag:s24] =	ssyncset.done $0x0  }
0x197: {  	[sflag:s24] =	ssyncadd.s32 $0xFFFFFFB0  }
0x198: {  	[tilespmem:s28], [sflag:$0x1] =	stream.indirect.gather [hbm4b:s2+s26], $0x80, s25, s26, $0xb8;
	[tilespmem:$0x1E200] =	vst v63  }
0x199: {  	s21 =	simm.s32 $0x2900  }
0x19a: {  	[tilespmem:s21], [sflag:$0x2] =	stream.indirect.gather [hbm4b:s8+s26], $0x80, s14, s26, $0xb8;
	[tilespmem:$0x1E200] =	vst v63  }
.LBB2_8:
0x19b: {  	_ =	swait.ge [sflag:s30], $0x2800  }
0x19c: {  	[sflag:s30] =	ssyncset.done $0x0  }
0x19d: {  	[sflag:s30] =	ssyncadd.s32 $0xFFFFD800  }
0x19e: {  	_ =	swait.ge [sflag:s31], $0x2800  }
0x19f: {  	p0 =	seq.s32 s25, $0x0;
	s10 =	smul.u32 $0xA0, s25;
	[sflag:s31] =	ssyncset.done $0x0  }
0x1a0: {  	s1 =	simm.s32 @!p0 $0x6;
	[sflag:s31] =	ssyncadd.s32 $0xFFFFD800  }
0x1a1: {  	s12 =	sadd.s32 s10, s15;
	_ =	swait.ge @!p0 [sflag:s1], $0x2800  }
0x1a2: {  	s12 =	sshrl.u32 s12, $0x3;
	[sflag:s1] =	ssyncset.done @!p0 $0x0  }
0x1a3: {  	s14 =	sadd.s32 s3, s12;
	[sflag:s1] =	ssyncadd.s32 @!p0 $0xFFFFD800  }
0x1a4: {  	[tilespmem:s0], [sflag:$0x7] =	stream.linear.gather [hbm4b:s14+s6], $0x50, $0x38;
	[tilespmem:$0x1E200] =	vst v63  }
0x1a5: {  	_ =	swait.ge [sflag:s24], $0x50  }
0x1a6: {  	[sflag:s24] =	ssyncset.done $0x0  }
0x1a7: {  	s21 =	sadd.s32 s9, s12;
	[sflag:s24] =	ssyncadd.s32 $0xFFFFFFB0  }
0x1a8: {  	[tilespmem:s5], [sflag:$0x7] =	stream.linear.gather [hbm4b:s21+s6], $0x50, $0x38;
	[tilespmem:$0x1E200] =	vst v63  }
0x1a9: {  	_ =	swait.ge [sflag:s24], $0x50  }
0x1aa: {  	[sflag:s24] =	ssyncset.done $0x0  }
0x1ab: {  	[sflag:s24] =	ssyncadd.s32 $0xFFFFFFB0  }
0x1ac: {  	[tilespmem:s29], [sflag:$0x3] =	stream.indirect.gather [hbm4b:s2+s26], $0x80, s0, s26, $0xb8;
	[tilespmem:$0x1E200] =	vst v63  }
0x1ad: {  	s13 =	simm.s32 $0x200  }
0x1ae: {  	[tilespmem:s11], [sflag:$0x4] =	stream.indirect.gather [hbm4b:s8+s26], $0x80, s5, s26, $0xb8;
	[tilespmem:$0x1E200] =	vst v63  }
0x1af: {  	s12 =	simm.s32 $0x2A00;
	v1 =	vld [tilespmem:s13+$0x80]  }
0x1b0: {  	v2 =	vld [tilespmem:s12+$0x80]  }
0x1b1: {  	v3 =	vld [tilespmem:s12+$0xFFFFFF00]  }
0x1b2: {  	v4 =	vld [tilespmem:s13+$0xFFFFFF80]  }
0x1b3: {  	v5 =	vld [tilespmem:s12+$0xFFFFFF80]  }
0x1b4: {  	v6 =	vld [tilespmem:s12+$0x0]  }
0x1b5: {  	v1 =	vadd.f32 v2, v1;
	v2 =	vld [tilespmem:s13+$0x0]  }
0x1b6: {  	v7 =	vld [tilespmem:s13+$0xFFFFFF00]  }
0x1b7: {  	v1 =	vmax.f32 v1, $0.0e+00  }
0x1b8: {  	v4 =	vadd.f32 v5, v4;
	[tilespmem:s13+$0x80] =	vst v1;
	v1 =	vld [tilespmem:s13+$0x90]  }
0x1b9: {  	v8 =	vld [tilespmem:s12+$0x90]  }
0x1ba: {  	v9 =	vld [tilespmem:s13+$0xFFFFFF90];
	v4 =	vmax.f32 v4, $0.0e+00;
	v2 =	vadd.f32 v6, v2  }
0x1bb: {  	v5 =	vld [tilespmem:s13+$0xFFFFFF10];
	v3 =	vadd.f32 v3, v7;
	[tilespmem:s13+$0xFFFFFF80] =	vst v4  }
0x1bc: {  	v6 =	vld [tilespmem:s12+$0xFFFFFF90];
	v2 =	vmax.f32 v2, $0.0e+00  }
0x1bd: {  	v3 =	vmax.f32 v3, $0.0e+00;
	v4 =	vld [tilespmem:s13+$0x10];
	[tilespmem:s13+$0x0] =	vst v2  }
0x1be: {  	[tilespmem:s13+$0xFFFFFF00] =	vst v3;
	v1 =	vadd.f32 v8, v1;
	v2 =	vld [tilespmem:s12+$0x10]  }
0x1bf: {  	v3 =	vld [tilespmem:s12+$0xFFFFFF10]  }
0x1c0: {  	v1 =	vmax.f32 v1, $0.0e+00  }
0x1c1: {  	v6 =	vadd.f32 v6, v9;
	[tilespmem:s13+$0x90] =	vst v1;
	v1 =	vld [tilespmem:s13+$0xA0]  }
0x1c2: {  	v8 =	vld [tilespmem:s12+$0xA0]  }
0x1c3: {  	v7 =	vld [tilespmem:s13+$0xFFFFFF20];
	v6 =	vmax.f32 v6, $0.0e+00;
	v2 =	vadd.f32 v2, v4  }
0x1c4: {  	v3 =	vadd.f32 v3, v5;
	v9 =	vld [tilespmem:s13+$0xFFFFFFA0];
	[tilespmem:s13+$0xFFFFFF90] =	vst v6  }
0x1c5: {  	v5 =	vld [tilespmem:s12+$0xFFFFFFA0];
	v2 =	vmax.f32 v2, $0.0e+00  }
0x1c6: {  	v3 =	vmax.f32 v3, $0.0e+00;
	v4 =	vld [tilespmem:s13+$0x20];
	[tilespmem:s13+$0x10] =	vst v2  }
0x1c7: {  	[tilespmem:s13+$0xFFFFFF10] =	vst v3;
	v1 =	vadd.f32 v8, v1;
	v2 =	vld [tilespmem:s12+$0x20]  }
0x1c8: {  	v3 =	vld [tilespmem:s12+$0xFFFFFF20]  }
0x1c9: {  	v1 =	vmax.f32 v1, $0.0e+00  }
0x1ca: {  	v5 =	vadd.f32 v5, v9;
	[tilespmem:s13+$0xA0] =	vst v1;
	v1 =	vld [tilespmem:s13+$0xB0]  }
0x1cb: {  	v8 =	vld [tilespmem:s12+$0xB0]  }
0x1cc: {  	v10 =	vld [tilespmem:s13+$0x30];
	v5 =	vmax.f32 v5, $0.0e+00;
	v2 =	vadd.f32 v2, v4  }
0x1cd: {  	v3 =	vadd.f32 v3, v7;
	v9 =	vld [tilespmem:s13+$0xFFFFFFB0];
	[tilespmem:s13+$0xFFFFFFA0] =	vst v5  }
0x1ce: {  	v4 =	vld [tilespmem:s12+$0xFFFFFFB0];
	v2 =	vmax.f32 v2, $0.0e+00  }
0x1cf: {  	v6 =	vld [tilespmem:s13+$0xFFFFFF30];
	[tilespmem:s13+$0x20] =	vst v2;
	v2 =	vmax.f32 v3, $0.0e+00  }
0x1d0: {  	v1 =	vadd.f32 v8, v1;
	[tilespmem:s13+$0xFFFFFF20] =	vst v2;
	v2 =	vld [tilespmem:s12+$0x30]  }
0x1d1: {  	v7 =	vld [tilespmem:s12+$0xFFFFFF30]  }
0x1d2: {  	v11 =	vld [tilespmem:s13+$0xFFFFFF40];
	v1 =	vmax.f32 v1, $0.0e+00  }
0x1d3: {  	v4 =	vadd.f32 v4, v9;
	[tilespmem:s13+$0xB0] =	vst v1;
	v1 =	vld [tilespmem:s13+$0xC0]  }
0x1d4: {  	v8 =	vld [tilespmem:s12+$0xC0]  }
0x1d5: {  	v12 =	vld [tilespmem:s13+$0xFFFFFFD0];
	v4 =	vmax.f32 v4, $0.0e+00;
	v2 =	vadd.f32 v2, v10  }
0x1d6: {  	v5 =	vld [tilespmem:s13+$0xFFFFFFC0];
	[tilespmem:s13+$0xFFFFFFB0] =	vst v4;
	v6 =	vadd.f32 v7, v6  }
0x1d7: {  	v7 =	vld [tilespmem:s12+$0xFFFFFFC0];
	v2 =	vmax.f32 v2, $0.0e+00  }
0x1d8: {  	v3 =	vld [tilespmem:s13+$0x40];
	[tilespmem:s13+$0x30] =	vst v2;
	v2 =	vmax.f32 v6, $0.0e+00  }
0x1d9: {  	v1 =	vadd.f32 v8, v1;
	v6 =	vld [tilespmem:s12+$0x40];
	[tilespmem:s13+$0xFFFFFF30] =	vst v2  }
0x1da: {  	v2 =	vld [tilespmem:s12+$0xFFFFFF40]  }
0x1db: {  	v9 =	vld [tilespmem:s13+$0xFFFFFF50];
	v1 =	vmax.f32 v1, $0.0e+00  }
0x1dc: {  	[tilespmem:s13+$0xC0] =	vst v1;
	v1 =	vadd.f32 v7, v5;
	v7 =	vld [tilespmem:s13+$0xD0]  }
0x1dd: {  	v8 =	vld [tilespmem:s12+$0xD0]  }
0x1de: {  	v4 =	vld [tilespmem:s13+$0xFFFFFF60];
	v1 =	vmax.f32 v1, $0.0e+00;
	v3 =	vadd.f32 v6, v3  }
0x1df: {  	v10 =	vld [tilespmem:s13+$0x50];
	[tilespmem:s13+$0xFFFFFFC0] =	vst v1;
	v1 =	vadd.f32 v2, v11  }
0x1e0: {  	v2 =	vld [tilespmem:s12+$0xFFFFFFD0];
	v3 =	vmax.f32 v3, $0.0e+00  }
0x1e1: {  	v5 =	vld [tilespmem:s13+$0xFFFFFFE0];
	[tilespmem:s13+$0x40] =	vst v3;
	v1 =	vmax.f32 v1, $0.0e+00  }
0x1e2: {  	v3 =	vld [tilespmem:s12+$0x50];
	v7 =	vadd.f32 v8, v7;
	[tilespmem:s13+$0xFFFFFF40] =	vst v1  }
0x1e3: {  	v1 =	vld [tilespmem:s12+$0xFFFFFF50]  }
0x1e4: {  	v6 =	vld [tilespmem:s13+$0x60];
	v7 =	vmax.f32 v7, $0.0e+00  }
0x1e5: {  	v2 =	vadd.f32 v2, v12;
	[tilespmem:s13+$0xD0] =	vst v7;
	v7 =	vld [tilespmem:s13+$0xE0]  }
0x1e6: {  	v11 =	vld [tilespmem:s12+$0xE0]  }
0x1e7: {  	v2 =	vmax.f32 v2, $0.0e+00;
	v8 =	vadd.f32 v3, v10;
	v3 =	vld [tilespmem:s13+$0xFFFFFF70]  }
0x1e8: {  	[tilespmem:s13+$0xFFFFFFD0] =	vst v2;
	v1 =	vadd.f32 v1, v9;
	v2 =	vld [tilespmem:s13+$0xFFFFFFF0]  }
0x1e9: {  	v9 =	vmax.f32 v8, $0.0e+00;
	v8 =	vld [tilespmem:s12+$0xFFFFFFE0]  }
0x1ea: {  	[tilespmem:s13+$0x50] =	vst v9;
	v9 =	vmax.f32 v1, $0.0e+00;
	v1 =	vld [tilespmem:s13+$0x70]  }
0x1eb: {  	[tilespmem:s13+$0xFFFFFF50] =	vst v9;
	v9 =	vld [tilespmem:s12+$0x60];
	v7 =	vadd.f32 v11, v7  }
0x1ec: {  	v10 =	vld [tilespmem:s12+$0xFFFFFF60]  }
0x1ed: {  	s1 =	simm.s32 $0x2A00;
	s14 =	simm.s32 $0x400;
	s21 =	simm.s32 $0x0;
	v11 =	vmax.f32 v7, $0.0e+00;
	v7 =	vld [tilespmem:s13+$0xF0]  }
.LBB2_9:
0x1ee: {  	v12 =	vld [tilespmem:s14+$0x80];
	v5 =	vadd.f32 v8, v5;
	[tilespmem:s13+$0xE0] =	vst v11  }
0x1ef: {  	s1 =	sadd.s32 $0x200, s1;
	v8 =	vld [tilespmem:s12+$0xF0]  }
0x1f0: {  	s21 =	sadd.s32 $0x4, s21;
	v11 =	vld [tilespmem:s1+$0x80];
	v5 =	vmax.f32 v5, $0.0e+00;
	v6 =	vadd.f32 v9, v6  }
0x1f1: {  	p0 =	slt.u32 s21, $0x4C;
	v9 =	vld [tilespmem:s1+$0xFFFFFF00];
	v4 =	vadd.f32 v10, v4;
	[tilespmem:s13+$0xFFFFFFE0] =	vst v5  }
0x1f2: {  	v5 =	vld [tilespmem:s14+$0xFFFFFF80];
	v6 =	vmax.f32 v6, $0.0e+00  }
0x1f3: {  	v10 =	vld [tilespmem:s1+$0xFFFFFF80];
	v4 =	vmax.f32 v4, $0.0e+00;
	[tilespmem:s13+$0x60] =	vst v6  }
0x1f4: {  	v6 =	vld [tilespmem:s14+$0x0];
	[tilespmem:s13+$0xFFFFFF60] =	vst v4;
	v4 =	vadd.f32 v8, v7  }
0x1f5: {  	v7 =	vld [tilespmem:s1+$0x0];
	v8 =	vadd.f32 v11, v12  }
0x1f6: {  	v11 =	vld [tilespmem:s14+$0xFFFFFF00];
	v4 =	vmax.f32 v4, $0.0e+00  }
0x1f7: {  	v12 =	vld [tilespmem:s14+$0xFFFFFF10];
	v8 =	vmax.f32 v8, $0.0e+00;
	[tilespmem:s13+$0xF0] =	vst v4  }
0x1f8: {  	v4 =	vadd.f32 v10, v5;
	[tilespmem:s14+$0x80] =	vst v8;
	v5 =	vld [tilespmem:s14+$0x90]  }
0x1f9: {  	v8 =	vld [tilespmem:s1+$0x90]  }
0x1fa: {  	v4 =	vmax.f32 v4, $0.0e+00;
	v10 =	vld [tilespmem:s14+$0xFFFFFF90];
	v6 =	vadd.f32 v7, v6  }
0x1fb: {  	v7 =	vadd.f32 v9, v11;
	[tilespmem:s14+$0xFFFFFF80] =	vst v4;
	v4 =	vld [tilespmem:s14+$0x10]  }
0x1fc: {  	v9 =	vld [tilespmem:s1+$0xFFFFFF90];
	v6 =	vmax.f32 v6, $0.0e+00  }
0x1fd: {  	v7 =	vmax.f32 v7, $0.0e+00;
	v11 =	vld [tilespmem:s14+$0xFFFFFF20];
	[tilespmem:s14+$0x0] =	vst v6  }
0x1fe: {  	[tilespmem:s14+$0xFFFFFF00] =	vst v7;
	v6 =	vld [tilespmem:s1+$0x10];
	v5 =	vadd.f32 v8, v5  }
0x1ff: {  	v7 =	vld [tilespmem:s1+$0xFFFFFF10]  }
0x200: {  	v8 =	vld [tilespmem:s14+$0xFFFFFFA0];
	v5 =	vmax.f32 v5, $0.0e+00  }
0x201: {  	v9 =	vadd.f32 v9, v10;
	[tilespmem:s14+$0x90] =	vst v5;
	v5 =	vld [tilespmem:s14+$0xA0]  }
0x202: {  	v10 =	vld [tilespmem:s1+$0xA0]  }
0x203: {  	v9 =	vmax.f32 v9, $0.0e+00;
	v4 =	vadd.f32 v6, v4;
	v6 =	vld [tilespmem:s14+$0x20]  }
0x204: {  	v7 =	vadd.f32 v7, v12;
	v12 =	vld [tilespmem:s14+$0xFFFFFF30];
	[tilespmem:s14+$0xFFFFFF90] =	vst v9  }
0x205: {  	v9 =	vld [tilespmem:s1+$0xFFFFFFA0];
	v4 =	vmax.f32 v4, $0.0e+00  }
0x206: {  	v7 =	vmax.f32 v7, $0.0e+00;
	v13 =	vld [tilespmem:s14+$0xFFFFFFB0];
	[tilespmem:s14+$0x10] =	vst v4  }
0x207: {  	[tilespmem:s14+$0xFFFFFF10] =	vst v7;
	v4 =	vld [tilespmem:s1+$0x20];
	v5 =	vadd.f32 v10, v5  }
0x208: {  	v7 =	vld [tilespmem:s1+$0xFFFFFF20]  }
0x209: {  	v10 =	vld [tilespmem:s14+$0x30];
	v5 =	vmax.f32 v5, $0.0e+00  }
0x20a: {  	v8 =	vadd.f32 v9, v8;
	[tilespmem:s14+$0xA0] =	vst v5;
	v5 =	vld [tilespmem:s14+$0xB0]  }
0x20b: {  	v9 =	vld [tilespmem:s1+$0xB0]  }
0x20c: {  	v14 =	vld [tilespmem:s14+$0xFFFFFF40];
	v8 =	vmax.f32 v8, $0.0e+00;
	v4 =	vadd.f32 v4, v6  }
0x20d: {  	v6 =	vadd.f32 v7, v11;
	[tilespmem:s14+$0xFFFFFFA0] =	vst v8;
	v7 =	vld [tilespmem:s14+$0xFFFFFFC0]  }
0x20e: {  	v8 =	vld [tilespmem:s1+$0xFFFFFFB0];
	v4 =	vmax.f32 v4, $0.0e+00  }
0x20f: {  	v6 =	vmax.f32 v6, $0.0e+00;
	[tilespmem:s14+$0x20] =	vst v4;
	v11 =	vld [tilespmem:s14+$0x40]  }
0x210: {  	[tilespmem:s14+$0xFFFFFF20] =	vst v6;
	v4 =	vld [tilespmem:s1+$0x30];
	v5 =	vadd.f32 v9, v5  }
0x211: {  	v6 =	vld [tilespmem:s1+$0xFFFFFF30]  }
0x212: {  	v9 =	vld [tilespmem:s14+$0xFFFFFF50];
	v5 =	vmax.f32 v5, $0.0e+00  }
0x213: {  	v8 =	vadd.f32 v8, v13;
	[tilespmem:s14+$0xB0] =	vst v5;
	v5 =	vld [tilespmem:s14+$0xC0]  }
0x214: {  	v13 =	vld [tilespmem:s1+$0xC0]  }
0x215: {  	v8 =	vmax.f32 v8, $0.0e+00;
	v15 =	vld [tilespmem:s14+$0xFFFFFFD0];
	v4 =	vadd.f32 v4, v10  }
0x216: {  	v6 =	vadd.f32 v6, v12;
	[tilespmem:s14+$0xFFFFFFB0] =	vst v8;
	v8 =	vld [tilespmem:s14+$0x50]  }
0x217: {  	v10 =	vld [tilespmem:s1+$0xFFFFFFC0];
	v12 =	vmax.f32 v4, $0.0e+00  }
0x218: {  	v6 =	vmax.f32 v6, $0.0e+00;
	v4 =	vld [tilespmem:s14+$0xFFFFFF60];
	[tilespmem:s14+$0x30] =	vst v12  }
0x219: {  	[tilespmem:s14+$0xFFFFFF30] =	vst v6;
	v6 =	vld [tilespmem:s1+$0x40];
	v12 =	vadd.f32 v13, v5  }
0x21a: {  	v13 =	vld [tilespmem:s1+$0xFFFFFF40]  }
0x21b: {  	v5 =	vld [tilespmem:s14+$0xFFFFFFE0];
	v12 =	vmax.f32 v12, $0.0e+00  }
0x21c: {  	v7 =	vadd.f32 v10, v7;
	[tilespmem:s14+$0xC0] =	vst v12;
	v10 =	vld [tilespmem:s14+$0xD0]  }
0x21d: {  	v12 =	vld [tilespmem:s1+$0xD0]  }
0x21e: {  	v7 =	vmax.f32 v7, $0.0e+00;
	v11 =	vadd.f32 v6, v11;
	v6 =	vld [tilespmem:s14+$0x60]  }
0x21f: {  	v13 =	vadd.f32 v13, v14;
	[tilespmem:s14+$0xFFFFFFC0] =	vst v7;
	v7 =	vld [tilespmem:s12+$0xFFFFFF70]  }
0x220: {  	v14 =	vld [tilespmem:s1+$0xFFFFFFD0];
	v11 =	vmax.f32 v11, $0.0e+00  }
0x221: {  	v13 =	vmax.f32 v13, $0.0e+00;
	[tilespmem:s14+$0x40] =	vst v11;
	v11 =	vld [tilespmem:s12+$0xFFFFFFF0]  }
0x222: {  	[tilespmem:s14+$0xFFFFFF40] =	vst v13;
	v13 =	vld [tilespmem:s1+$0x50];
	v10 =	vadd.f32 v12, v10  }
0x223: {  	v12 =	vld [tilespmem:s1+$0xFFFFFF50]  }
0x224: {  	v10 =	vmax.f32 v10, $0.0e+00;
	v3 =	vadd.f32 v7, v3;
	v7 =	vld [tilespmem:s12+$0x70];
	s12 =	smov.u32 s1  }
0x225: {  	v14 =	vadd.f32 v14, v15;
	[tilespmem:s14+$0xD0] =	vst v10;
	v10 =	vld [tilespmem:s14+$0xE0]  }
0x226: {  	v15 =	vld [tilespmem:s1+$0xE0];
	v16 =	vmax.f32 v3, $0.0e+00;
	v11 =	vadd.f32 v11, v2  }
0x227: {  	v3 =	vld [tilespmem:s14+$0xFFFFFF70];
	v2 =	vmax.f32 v14, $0.0e+00;
	v13 =	vadd.f32 v13, v8;
	[tilespmem:s13+$0xFFFFFF70] =	vst v16  }
0x228: {  	v9 =	vadd.f32 v12, v9;
	[tilespmem:s14+$0xFFFFFFD0] =	vst v2;
	v2 =	vld [tilespmem:s14+$0xFFFFFFF0];
	v11 =	vmax.f32 v11, $0.0e+00  }
.Ltmp3:
0x229: {  	v8 =	vld [tilespmem:s1+$0xFFFFFFE0];
	v12 =	vmax.f32 v13, $0.0e+00;
	[tilespmem:s13+$0xFFFFFFF0] =	vst v11;
	v7 =	vadd.f32 v7, v1;
	(pc) =	sbr.rel @p0 .LBB2_9-.Ltmp3, $4  }
0x22a: {  	v9 =	vmax.f32 v9, $0.0e+00;
	[tilespmem:s14+$0x50] =	vst v12;
	v1 =	vld [tilespmem:s14+$0x70]  }
0x22b: {  	[tilespmem:s14+$0xFFFFFF50] =	vst v9;
	v9 =	vld [tilespmem:s1+$0x60];
	v11 =	vadd.f32 v15, v10;
	v7 =	vmax.f32 v7, $0.0e+00  }
0x22c: {  	v10 =	vld [tilespmem:s1+$0xFFFFFF60];
	[tilespmem:s13+$0x70] =	vst v7;
	s13 =	smov.u32 s14  }
0x22d: {  	s14 =	sadd.s32 $0x200, s14;
	v11 =	vmax.f32 v11, $0.0e+00;
	v7 =	vld [tilespmem:s13+$0xF0]  }
0x22e: {  	_ =	sdelay $0x2  }
0x22f: {  	v4 =	vadd.f32 v10, v4  }
0x230: {  	v5 =	vadd.f32 v8, v5  }
0x231: {  	[tilespmem:s13+$0xE0] =	vst v11;
	v6 =	vadd.f32 v9, v6;
	v4 =	vmax.f32 v4, $0.0e+00  }
0x232: {  	v8 =	vld [tilespmem:s12+$0xF0];
	v5 =	vmax.f32 v5, $0.0e+00;
	[tilespmem:s13+$0xFFFFFF60] =	vst v4  }
0x233: {  	[tilespmem:s13+$0xFFFFFFE0] =	vst v5;
	v4 =	vmax.f32 v6, $0.0e+00;
	v5 =	vld [tilespmem:s12+$0xFFFFFF70]  }
0x234: {  	[tilespmem:s13+$0x60] =	vst v4;
	v4 =	vld [tilespmem:s12+$0xFFFFFFF0]  }
0x235: {  	v6 =	vld [tilespmem:s12+$0x70];
	_ =	sdelay $0x1  }
0x236: {  	v7 =	vadd.f32 v8, v7  }
0x237: {  	v3 =	vadd.f32 v5, v3  }
0x238: {  	v5 =	vmax.f32 v7, $0.0e+00;
	v2 =	vadd.f32 v4, v2  }
0x239: {  	[tilespmem:s13+$0xF0] =	vst v5;
	v1 =	vadd.f32 v6, v1;
	v3 =	vmax.f32 v3, $0.0e+00  }
0x23a: {  	v2 =	vmax.f32 v2, $0.0e+00;
	[tilespmem:s13+$0xFFFFFF70] =	vst v3  }
0x23b: {  	[tilespmem:s13+$0xFFFFFFF0] =	vst v2;
	v1 =	vmax.f32 v1, $0.0e+00  }
0x23c: {  	[tilespmem:s13+$0x70] =	vst v1  }
0x23d: {  	[spmem:s4] =	stream.indirect.scatter.add.f32 [tilespmem:s28], [sflag:$0x5], $0x80, s6, s26, $0xb8;
	[tilespmem:$0x1E200] =	vst v63  }
0x23e: {  	_ =	swait.ge [sflag:s17], $0x2800  }
0x23f: {  	[sflag:s17] =	ssyncset.done $0x0  }
0x240: {  	[sflag:s17] =	ssyncadd.s32 $0xFFFFD800  }
0x241: {  	_ =	swait.ge [sflag:s18], $0x2800  }
0x242: {  	[sflag:s18] =	ssyncset.done $0x0  }
0x243: {  	p0 =	seq.s32 s25, $0x1F;
	[sflag:s18] =	ssyncadd.s32 $0xFFFFD800  }
0x244: {  	s1 =	sadd.s32 @!p0 s10, s16;
	_ =	swait.ge [sflag:s19], $0x2800  }
0x245: {  	s1 =	sshrl.u32 @!p0 s1, $0x3;
	[sflag:s19] =	ssyncset.done $0x0  }
0x246: {  	s10 =	sadd.s32 @!p0 s3, s1;
	s12 =	simm.s32 @!p0 $0x0;
	[sflag:s19] =	ssyncadd.s32 $0xFFFFD800  }
0x247: {  	[tilespmem:s12], [sflag:$0x7] =	stream.linear.gather @!p0 [hbm4b:s10+s12], $0x50, $0x38;
	[tilespmem:$0x1E200] =	vst v63  }
0x248: {  	s10 =	simm.s32 @!p0 $0x7  }
0x249: {  	_ =	swait.ge @!p0 [sflag:s10], $0x50  }
0x24a: {  	[sflag:s10] =	ssyncset.done @!p0 $0x0  }
0x24b: {  	s1 =	sadd.s32 @!p0 s9, s1;
	s13 =	simm.s32 @!p0 $0x80;
	[sflag:s10] =	ssyncadd.s32 @!p0 $0xFFFFFFB0  }
0x24c: {  	[tilespmem:s13], [sflag:$0x7] =	stream.linear.gather @!p0 [hbm4b:s1+s12], $0x50, $0x38;
	[tilespmem:$0x1E200] =	vst v63  }
0x24d: {  	_ =	swait.ge @!p0 [sflag:s10], $0x50  }
0x24e: {  	[sflag:s10] =	ssyncset.done @!p0 $0x0  }
0x24f: {  	s1 =	simm.s32 @!p0 $0x50;
	[sflag:s10] =	ssyncadd.s32 @!p0 $0xFFFFFFB0;
	s10 =	simm.s32 @!p0 $0x100  }
0x250: {  	[tilespmem:s10], [sflag:$0x1] =	stream.indirect.gather @!p0 [hbm4b:s2+s1], $0x80, s12, s1, $0xb8;
	[tilespmem:$0x1E200] =	vst v63  }
0x251: {  	s10 =	simm.s32 @!p0 $0x2900  }
0x252: {  	[tilespmem:s10], [sflag:$0x2] =	stream.indirect.gather @!p0 [hbm4b:s8+s1], $0x80, s13, s1, $0xb8;
	[tilespmem:$0x1E200] =	vst v63  }
0x253: {  	s10 =	simm.s32 $0x5300  }
0x254: {  	s12 =	simm.s32 $0x7B00;
	v1 =	vld [tilespmem:s10+$0x80]  }
0x255: {  	v2 =	vld [tilespmem:s12+$0x80]  }
0x256: {  	v3 =	vld [tilespmem:s12+$0xFFFFFF00]  }
0x257: {  	v4 =	vld [tilespmem:s10+$0xFFFFFF80]  }
0x258: {  	v5 =	vld [tilespmem:s12+$0xFFFFFF80]  }
0x259: {  	v6 =	vld [tilespmem:s12+$0x0]  }
0x25a: {  	v1 =	vadd.f32 v2, v1;
	v2 =	vld [tilespmem:s10+$0x0]  }
0x25b: {  	v7 =	vld [tilespmem:s10+$0xFFFFFF00]  }
0x25c: {  	v1 =	vmax.f32 v1, $0.0e+00  }
0x25d: {  	v4 =	vadd.f32 v5, v4;
	[tilespmem:s10+$0x80] =	vst v1;
	v1 =	vld [tilespmem:s10+$0x90]  }
0x25e: {  	v8 =	vld [tilespmem:s12+$0x90]  }
0x25f: {  	v9 =	vld [tilespmem:s10+$0xFFFFFF90];
	v4 =	vmax.f32 v4, $0.0e+00;
	v2 =	vadd.f32 v6, v2  }
0x260: {  	v5 =	vld [tilespmem:s10+$0xFFFFFF10];
	v3 =	vadd.f32 v3, v7;
	[tilespmem:s10+$0xFFFFFF80] =	vst v4  }
0x261: {  	v6 =	vld [tilespmem:s12+$0xFFFFFF90];
	v2 =	vmax.f32 v2, $0.0e+00  }
0x262: {  	v3 =	vmax.f32 v3, $0.0e+00;
	v4 =	vld [tilespmem:s10+$0x10];
	[tilespmem:s10+$0x0] =	vst v2  }
0x263: {  	[tilespmem:s10+$0xFFFFFF00] =	vst v3;
	v1 =	vadd.f32 v8, v1;
	v2 =	vld [tilespmem:s12+$0x10]  }
0x264: {  	v3 =	vld [tilespmem:s12+$0xFFFFFF10]  }
0x265: {  	v1 =	vmax.f32 v1, $0.0e+00  }
0x266: {  	v6 =	vadd.f32 v6, v9;
	[tilespmem:s10+$0x90] =	vst v1;
	v1 =	vld [tilespmem:s10+$0xA0]  }
0x267: {  	v8 =	vld [tilespmem:s12+$0xA0]  }
0x268: {  	v7 =	vld [tilespmem:s10+$0xFFFFFF20];
	v6 =	vmax.f32 v6, $0.0e+00;
	v2 =	vadd.f32 v2, v4  }
0x269: {  	v3 =	vadd.f32 v3, v5;
	v9 =	vld [tilespmem:s10+$0xFFFFFFA0];
	[tilespmem:s10+$0xFFFFFF90] =	vst v6  }
0x26a: {  	v5 =	vld [tilespmem:s12+$0xFFFFFFA0];
	v2 =	vmax.f32 v2, $0.0e+00  }
0x26b: {  	v3 =	vmax.f32 v3, $0.0e+00;
	v4 =	vld [tilespmem:s10+$0x20];
	[tilespmem:s10+$0x10] =	vst v2  }
0x26c: {  	[tilespmem:s10+$0xFFFFFF10] =	vst v3;
	v1 =	vadd.f32 v8, v1;
	v2 =	vld [tilespmem:s12+$0x20]  }
0x26d: {  	v3 =	vld [tilespmem:s12+$0xFFFFFF20]  }
0x26e: {  	v1 =	vmax.f32 v1, $0.0e+00  }
0x26f: {  	v5 =	vadd.f32 v5, v9;
	[tilespmem:s10+$0xA0] =	vst v1;
	v1 =	vld [tilespmem:s10+$0xB0]  }
0x270: {  	v8 =	vld [tilespmem:s12+$0xB0]  }
0x271: {  	v10 =	vld [tilespmem:s10+$0x30];
	v5 =	vmax.f32 v5, $0.0e+00;
	v2 =	vadd.f32 v2, v4  }
0x272: {  	v3 =	vadd.f32 v3, v7;
	v9 =	vld [tilespmem:s10+$0xFFFFFFB0];
	[tilespmem:s10+$0xFFFFFFA0] =	vst v5  }
0x273: {  	v4 =	vld [tilespmem:s12+$0xFFFFFFB0];
	v2 =	vmax.f32 v2, $0.0e+00  }
0x274: {  	v6 =	vld [tilespmem:s10+$0xFFFFFF30];
	[tilespmem:s10+$0x20] =	vst v2;
	v2 =	vmax.f32 v3, $0.0e+00  }
0x275: {  	v1 =	vadd.f32 v8, v1;
	[tilespmem:s10+$0xFFFFFF20] =	vst v2;
	v2 =	vld [tilespmem:s12+$0x30]  }
0x276: {  	v7 =	vld [tilespmem:s12+$0xFFFFFF30]  }
0x277: {  	v11 =	vld [tilespmem:s10+$0xFFFFFF40];
	v1 =	vmax.f32 v1, $0.0e+00  }
0x278: {  	v4 =	vadd.f32 v4, v9;
	[tilespmem:s10+$0xB0] =	vst v1;
	v1 =	vld [tilespmem:s10+$0xC0]  }
0x279: {  	v8 =	vld [tilespmem:s12+$0xC0]  }
0x27a: {  	v12 =	vld [tilespmem:s10+$0xFFFFFFD0];
	v4 =	vmax.f32 v4, $0.0e+00;
	v2 =	vadd.f32 v2, v10  }
0x27b: {  	v5 =	vld [tilespmem:s10+$0xFFFFFFC0];
	[tilespmem:s10+$0xFFFFFFB0] =	vst v4;
	v6 =	vadd.f32 v7, v6  }
0x27c: {  	v7 =	vld [tilespmem:s12+$0xFFFFFFC0];
	v2 =	vmax.f32 v2, $0.0e+00  }
0x27d: {  	v3 =	vld [tilespmem:s10+$0x40];
	[tilespmem:s10+$0x30] =	vst v2;
	v2 =	vmax.f32 v6, $0.0e+00  }
0x27e: {  	v1 =	vadd.f32 v8, v1;
	v6 =	vld [tilespmem:s12+$0x40];
	[tilespmem:s10+$0xFFFFFF30] =	vst v2  }
0x27f: {  	v2 =	vld [tilespmem:s12+$0xFFFFFF40]  }
0x280: {  	v9 =	vld [tilespmem:s10+$0xFFFFFF50];
	v1 =	vmax.f32 v1, $0.0e+00  }
0x281: {  	[tilespmem:s10+$0xC0] =	vst v1;
	v1 =	vadd.f32 v7, v5;
	v7 =	vld [tilespmem:s10+$0xD0]  }
0x282: {  	v8 =	vld [tilespmem:s12+$0xD0]  }
0x283: {  	v4 =	vld [tilespmem:s10+$0xFFFFFF60];
	v1 =	vmax.f32 v1, $0.0e+00;
	v3 =	vadd.f32 v6, v3  }
0x284: {  	v10 =	vld [tilespmem:s10+$0x50];
	[tilespmem:s10+$0xFFFFFFC0] =	vst v1;
	v1 =	vadd.f32 v2, v11  }
0x285: {  	v2 =	vld [tilespmem:s12+$0xFFFFFFD0];
	v3 =	vmax.f32 v3, $0.0e+00  }
0x286: {  	v5 =	vld [tilespmem:s10+$0xFFFFFFE0];
	[tilespmem:s10+$0x40] =	vst v3;
	v1 =	vmax.f32 v1, $0.0e+00  }
0x287: {  	v3 =	vld [tilespmem:s12+$0x50];
	v7 =	vadd.f32 v8, v7;
	[tilespmem:s10+$0xFFFFFF40] =	vst v1  }
0x288: {  	v1 =	vld [tilespmem:s12+$0xFFFFFF50]  }
0x289: {  	v6 =	vld [tilespmem:s10+$0x60];
	v7 =	vmax.f32 v7, $0.0e+00  }
0x28a: {  	v2 =	vadd.f32 v2, v12;
	[tilespmem:s10+$0xD0] =	vst v7;
	v7 =	vld [tilespmem:s10+$0xE0]  }
0x28b: {  	v11 =	vld [tilespmem:s12+$0xE0]  }
0x28c: {  	v2 =	vmax.f32 v2, $0.0e+00;
	v8 =	vadd.f32 v3, v10;
	v3 =	vld [tilespmem:s10+$0xFFFFFF70]  }
0x28d: {  	[tilespmem:s10+$0xFFFFFFD0] =	vst v2;
	v1 =	vadd.f32 v1, v9;
	v2 =	vld [tilespmem:s10+$0xFFFFFFF0]  }
0x28e: {  	v9 =	vmax.f32 v8, $0.0e+00;
	v8 =	vld [tilespmem:s12+$0xFFFFFFE0]  }
0x28f: {  	[tilespmem:s10+$0x50] =	vst v9;
	v9 =	vmax.f32 v1, $0.0e+00;
	v1 =	vld [tilespmem:s10+$0x70]  }
0x290: {  	[tilespmem:s10+$0xFFFFFF50] =	vst v9;
	v9 =	vld [tilespmem:s12+$0x60];
	v7 =	vadd.f32 v11, v7  }
0x291: {  	v10 =	vld [tilespmem:s12+$0xFFFFFF60]  }
0x292: {  	s14 =	simm.s32 $0x5500;
	s13 =	simm.s32 $0x0;
	s1 =	simm.s32 $0x7B00;
	v11 =	vmax.f32 v7, $0.0e+00;
	v7 =	vld [tilespmem:s10+$0xF0]  }
.LBB2_11:
0x293: {  	v12 =	vld [tilespmem:s14+$0x80];
	v5 =	vadd.f32 v8, v5;
	[tilespmem:s10+$0xE0] =	vst v11  }
0x294: {  	s1 =	sadd.s32 $0x200, s1;
	v8 =	vld [tilespmem:s12+$0xF0]  }
0x295: {  	s13 =	sadd.s32 $0x4, s13;
	v11 =	vld [tilespmem:s1+$0x80];
	v5 =	vmax.f32 v5, $0.0e+00;
	v6 =	vadd.f32 v9, v6  }
0x296: {  	p0 =	slt.u32 s13, $0x4C;
	v9 =	vld [tilespmem:s1+$0xFFFFFF00];
	v4 =	vadd.f32 v10, v4;
	[tilespmem:s10+$0xFFFFFFE0] =	vst v5  }
0x297: {  	v5 =	vld [tilespmem:s14+$0xFFFFFF80];
	v6 =	vmax.f32 v6, $0.0e+00  }
0x298: {  	v10 =	vld [tilespmem:s1+$0xFFFFFF80];
	v4 =	vmax.f32 v4, $0.0e+00;
	[tilespmem:s10+$0x60] =	vst v6  }
0x299: {  	v6 =	vld [tilespmem:s14+$0x0];
	[tilespmem:s10+$0xFFFFFF60] =	vst v4;
	v4 =	vadd.f32 v8, v7  }
0x29a: {  	v7 =	vld [tilespmem:s1+$0x0];
	v8 =	vadd.f32 v11, v12  }
0x29b: {  	v11 =	vld [tilespmem:s14+$0xFFFFFF00];
	v4 =	vmax.f32 v4, $0.0e+00  }
0x29c: {  	v12 =	vld [tilespmem:s14+$0xFFFFFF10];
	v8 =	vmax.f32 v8, $0.0e+00;
	[tilespmem:s10+$0xF0] =	vst v4  }
0x29d: {  	v4 =	vadd.f32 v10, v5;
	[tilespmem:s14+$0x80] =	vst v8;
	v5 =	vld [tilespmem:s14+$0x90]  }
0x29e: {  	v8 =	vld [tilespmem:s1+$0x90]  }
0x29f: {  	v4 =	vmax.f32 v4, $0.0e+00;
	v10 =	vld [tilespmem:s14+$0xFFFFFF90];
	v6 =	vadd.f32 v7, v6  }
0x2a0: {  	v7 =	vadd.f32 v9, v11;
	[tilespmem:s14+$0xFFFFFF80] =	vst v4;
	v4 =	vld [tilespmem:s14+$0x10]  }
0x2a1: {  	v9 =	vld [tilespmem:s1+$0xFFFFFF90];
	v6 =	vmax.f32 v6, $0.0e+00  }
0x2a2: {  	v7 =	vmax.f32 v7, $0.0e+00;
	v11 =	vld [tilespmem:s14+$0xFFFFFF20];
	[tilespmem:s14+$0x0] =	vst v6  }
0x2a3: {  	[tilespmem:s14+$0xFFFFFF00] =	vst v7;
	v6 =	vld [tilespmem:s1+$0x10];
	v5 =	vadd.f32 v8, v5  }
0x2a4: {  	v7 =	vld [tilespmem:s1+$0xFFFFFF10]  }
0x2a5: {  	v8 =	vld [tilespmem:s14+$0xFFFFFFA0];
	v5 =	vmax.f32 v5, $0.0e+00  }
0x2a6: {  	v9 =	vadd.f32 v9, v10;
	[tilespmem:s14+$0x90] =	vst v5;
	v5 =	vld [tilespmem:s14+$0xA0]  }
0x2a7: {  	v10 =	vld [tilespmem:s1+$0xA0]  }
0x2a8: {  	v9 =	vmax.f32 v9, $0.0e+00;
	v4 =	vadd.f32 v6, v4;
	v6 =	vld [tilespmem:s14+$0x20]  }
0x2a9: {  	v7 =	vadd.f32 v7, v12;
	v12 =	vld [tilespmem:s14+$0xFFFFFF30];
	[tilespmem:s14+$0xFFFFFF90] =	vst v9  }
0x2aa: {  	v9 =	vld [tilespmem:s1+$0xFFFFFFA0];
	v4 =	vmax.f32 v4, $0.0e+00  }
0x2ab: {  	v7 =	vmax.f32 v7, $0.0e+00;
	v13 =	vld [tilespmem:s14+$0xFFFFFFB0];
	[tilespmem:s14+$0x10] =	vst v4  }
0x2ac: {  	[tilespmem:s14+$0xFFFFFF10] =	vst v7;
	v4 =	vld [tilespmem:s1+$0x20];
	v5 =	vadd.f32 v10, v5  }
0x2ad: {  	v7 =	vld [tilespmem:s1+$0xFFFFFF20]  }
0x2ae: {  	v10 =	vld [tilespmem:s14+$0x30];
	v5 =	vmax.f32 v5, $0.0e+00  }
0x2af: {  	v8 =	vadd.f32 v9, v8;
	[tilespmem:s14+$0xA0] =	vst v5;
	v5 =	vld [tilespmem:s14+$0xB0]  }
0x2b0: {  	v9 =	vld [tilespmem:s1+$0xB0]  }
0x2b1: {  	v14 =	vld [tilespmem:s14+$0xFFFFFF40];
	v8 =	vmax.f32 v8, $0.0e+00;
	v4 =	vadd.f32 v4, v6  }
0x2b2: {  	v6 =	vadd.f32 v7, v11;
	[tilespmem:s14+$0xFFFFFFA0] =	vst v8;
	v7 =	vld [tilespmem:s14+$0xFFFFFFC0]  }
0x2b3: {  	v8 =	vld [tilespmem:s1+$0xFFFFFFB0];
	v4 =	vmax.f32 v4, $0.0e+00  }
0x2b4: {  	v6 =	vmax.f32 v6, $0.0e+00;
	[tilespmem:s14+$0x20] =	vst v4;
	v11 =	vld [tilespmem:s14+$0x40]  }
0x2b5: {  	[tilespmem:s14+$0xFFFFFF20] =	vst v6;
	v4 =	vld [tilespmem:s1+$0x30];
	v5 =	vadd.f32 v9, v5  }
0x2b6: {  	v6 =	vld [tilespmem:s1+$0xFFFFFF30]  }
0x2b7: {  	v9 =	vld [tilespmem:s14+$0xFFFFFF50];
	v5 =	vmax.f32 v5, $0.0e+00  }
0x2b8: {  	v8 =	vadd.f32 v8, v13;
	[tilespmem:s14+$0xB0] =	vst v5;
	v5 =	vld [tilespmem:s14+$0xC0]  }
0x2b9: {  	v13 =	vld [tilespmem:s1+$0xC0]  }
0x2ba: {  	v8 =	vmax.f32 v8, $0.0e+00;
	v15 =	vld [tilespmem:s14+$0xFFFFFFD0];
	v4 =	vadd.f32 v4, v10  }
0x2bb: {  	v6 =	vadd.f32 v6, v12;
	[tilespmem:s14+$0xFFFFFFB0] =	vst v8;
	v8 =	vld [tilespmem:s14+$0x50]  }
0x2bc: {  	v10 =	vld [tilespmem:s1+$0xFFFFFFC0];
	v12 =	vmax.f32 v4, $0.0e+00  }
0x2bd: {  	v6 =	vmax.f32 v6, $0.0e+00;
	v4 =	vld [tilespmem:s14+$0xFFFFFF60];
	[tilespmem:s14+$0x30] =	vst v12  }
0x2be: {  	[tilespmem:s14+$0xFFFFFF30] =	vst v6;
	v6 =	vld [tilespmem:s1+$0x40];
	v12 =	vadd.f32 v13, v5  }
0x2bf: {  	v13 =	vld [tilespmem:s1+$0xFFFFFF40]  }
0x2c0: {  	v5 =	vld [tilespmem:s14+$0xFFFFFFE0];
	v12 =	vmax.f32 v12, $0.0e+00  }
0x2c1: {  	v7 =	vadd.f32 v10, v7;
	[tilespmem:s14+$0xC0] =	vst v12;
	v10 =	vld [tilespmem:s14+$0xD0]  }
0x2c2: {  	v12 =	vld [tilespmem:s1+$0xD0]  }
0x2c3: {  	v7 =	vmax.f32 v7, $0.0e+00;
	v11 =	vadd.f32 v6, v11;
	v6 =	vld [tilespmem:s14+$0x60]  }
0x2c4: {  	v13 =	vadd.f32 v13, v14;
	[tilespmem:s14+$0xFFFFFFC0] =	vst v7;
	v7 =	vld [tilespmem:s12+$0xFFFFFF70]  }
0x2c5: {  	v14 =	vld [tilespmem:s1+$0xFFFFFFD0];
	v11 =	vmax.f32 v11, $0.0e+00  }
0x2c6: {  	v13 =	vmax.f32 v13, $0.0e+00;
	[tilespmem:s14+$0x40] =	vst v11;
	v11 =	vld [tilespmem:s12+$0xFFFFFFF0]  }
0x2c7: {  	[tilespmem:s14+$0xFFFFFF40] =	vst v13;
	v13 =	vld [tilespmem:s1+$0x50];
	v10 =	vadd.f32 v12, v10  }
0x2c8: {  	v12 =	vld [tilespmem:s1+$0xFFFFFF50]  }
0x2c9: {  	v10 =	vmax.f32 v10, $0.0e+00;
	v3 =	vadd.f32 v7, v3;
	v7 =	vld [tilespmem:s12+$0x70];
	s12 =	smov.u32 s1  }
0x2ca: {  	v14 =	vadd.f32 v14, v15;
	[tilespmem:s14+$0xD0] =	vst v10;
	v10 =	vld [tilespmem:s14+$0xE0]  }
0x2cb: {  	v15 =	vld [tilespmem:s1+$0xE0];
	v16 =	vmax.f32 v3, $0.0e+00;
	v11 =	vadd.f32 v11, v2  }
0x2cc: {  	v3 =	vld [tilespmem:s14+$0xFFFFFF70];
	v2 =	vmax.f32 v14, $0.0e+00;
	v13 =	vadd.f32 v13, v8;
	[tilespmem:s10+$0xFFFFFF70] =	vst v16  }
0x2cd: {  	v9 =	vadd.f32 v12, v9;
	[tilespmem:s14+$0xFFFFFFD0] =	vst v2;
	v2 =	vld [tilespmem:s14+$0xFFFFFFF0];
	v11 =	vmax.f32 v11, $0.0e+00  }
.Ltmp4:
0x2ce: {  	v8 =	vld [tilespmem:s1+$0xFFFFFFE0];
	v12 =	vmax.f32 v13, $0.0e+00;
	[tilespmem:s10+$0xFFFFFFF0] =	vst v11;
	v7 =	vadd.f32 v7, v1;
	(pc) =	sbr.rel @p0 .LBB2_11-.Ltmp4, $4  }
0x2cf: {  	v9 =	vmax.f32 v9, $0.0e+00;
	[tilespmem:s14+$0x50] =	vst v12;
	v1 =	vld [tilespmem:s14+$0x70]  }
0x2d0: {  	[tilespmem:s14+$0xFFFFFF50] =	vst v9;
	v9 =	vld [tilespmem:s1+$0x60];
	v11 =	vadd.f32 v15, v10;
	v7 =	vmax.f32 v7, $0.0e+00  }
0x2d1: {  	v10 =	vld [tilespmem:s1+$0xFFFFFF60];
	[tilespmem:s10+$0x70] =	vst v7;
	s10 =	smov.u32 s14  }
0x2d2: {  	s14 =	sadd.s32 $0x200, s14;
	v11 =	vmax.f32 v11, $0.0e+00;
	v7 =	vld [tilespmem:s10+$0xF0]  }
0x2d3: {  	_ = 	snop  }
0x2d4: {  	v5 =	vadd.f32 v8, v5  }
0x2d5: {  	v6 =	vadd.f32 v9, v6  }
0x2d6: {  	[tilespmem:s10+$0xE0] =	vst v11;
	v5 =	vmax.f32 v5, $0.0e+00;
	v4 =	vadd.f32 v10, v4  }
0x2d7: {  	v58 =	vld [tilespmem:s12+$0xF0];
	[tilespmem:s10+$0xFFFFFFE0] =	vst v5;
	v59 =	vmax.f32 v6, $0.0e+00  }
0x2d8: {  	v61 =	vld [tilespmem:s12+$0xFFFFFFF0];
	v4 =	vmax.f32 v4, $0.0e+00;
	[tilespmem:s10+$0x60] =	vst v59  }
0x2d9: {  	[tilespmem:s10+$0xFFFFFF60] =	vst v4;
	v62 =	vld [tilespmem:s12+$0x70]  }
0x2da: {  	v60 =	vld [tilespmem:s12+$0xFFFFFF70];
	_ =	sdelay $0x1  }
0x2db: {  	v7 =	vadd.f32 v58, v7  }
0x2dc: {  	s25 =	sadd.s32 $0x1, s25;
	v2 =	vadd.f32 v61, v2  }
0x2dd: {  	p0 =	sne.s32 s25, $0x20;
	v63 =	vmax.f32 v7, $0.0e+00;
	v1 =	vadd.f32 v62, v1  }
.Ltmp5:
0x2de: {  	[tilespmem:s10+$0xF0] =	vst v63;
	v2 =	vmax.f32 v2, $0.0e+00;
	v3 =	vadd.f32 v60, v3;
	(pc) =	sbr.rel @p0 .LBB2_8-.Ltmp5, $4  }
0x2df: {  	[tilespmem:s10+$0xFFFFFFF0] =	vst v2;
	v1 =	vmax.f32 v1, $0.0e+00  }
0x2e0: {  	v3 =	vmax.f32 v3, $0.0e+00;
	[tilespmem:s10+$0x70] =	vst v1  }
0x2e1: {  	[tilespmem:s10+$0xFFFFFF70] =	vst v3  }
0x2e2: {  	[spmem:s4] =	stream.indirect.scatter.add.f32 [tilespmem:s29], [sflag:$0x6], $0x80, s0, s26, $0xb8;
	[tilespmem:$0x1E200] =	vst v63  }
0x2e3: {  	_ =	swait.ge [sflag:s20], $0x2800  }
0x2e4: {  	[sflag:s20] =	ssyncset.done $0x0  }
0x2e5: {  	[sflag:s20] =	ssyncadd.s32 $0xFFFFD800  }
0x2e6: {  	[bflag:$0x0] =	sbarrier.arrive $0xFFFF  }
0x2e7: {  	s13 =	rddreg [dreg:$0x8]  }
0x2e8: {  	s1 =	rddreg [dreg:$0xc]  }
0x2e9: {  	s10 =	rddreg [dreg:$0x11]  }
0x2ea: {  	[hbm:s1], [sflag:s13] =	dma.local [spmem:s10], $0x2800  }
0x2eb: {  	_ =	swait.ge [sflag:s24], $0x2800  }
0x2ec: {  	[sflag:s24] =	ssyncset.done $0x0  }
0x2ed: {  	[sflag:s24] =	ssyncadd.s32 $0xFFFFD800  }
0x2ee: {  	[bflag:$0x0] =	sbarrier.arrive $0xFFFF  }
0x2ef: {  	s25 =	rddreg [dreg:$0x6]  }
0x2f0: {  	[spmem:s10], [sflag:s13] =	dma.local [hbm:s25], $0x2800  }
0x2f1: {  	_ =	swait.ge [sflag:s24], $0x2800  }
0x2f2: {  	[sflag:s24] =	ssyncset.done $0x0  }
0x2f3: {  	[sflag:s24] =	ssyncadd.s32 $0xFFFFD800  }
0x2f4: {  	s1 =	simm.s32 $0x0;
	s10 =	simm.s32 $0x200;
	[bflag:$0x0] =	sbarrier.arrive $0xFFFF  }
.LBB2_14:
0x2f5: {  	p0 =	sne.s32 s10, $0x9E00;
	[tilespmem:s1+$0x170] =	vst v0  }
0x2f6: {  	[tilespmem:s1+$0x100] =	vst v0  }
0x2f7: {  	[tilespmem:s1+$0x110] =	vst v0  }
.Ltmp6:
0x2f8: {  	[tilespmem:s1+$0x120] =	vst v0;
	(pc) =	sbr.rel @p0 .LBB2_14-.Ltmp6, $4  }
0x2f9: {  	[tilespmem:s1+$0x130] =	vst v0  }
0x2fa: {  	[tilespmem:s1+$0x140] =	vst v0  }
0x2fb: {  	[tilespmem:s1+$0x150] =	vst v0  }
0x2fc: {  	[tilespmem:s1+$0x160] =	vst v0;
	s1 =	sshra.s32 s10, $0x2;
	s10 =	sadd.s32 $0x200, s10  }
0x2fd: {  	[tilespmem:s1+$0x170] =	vst v0  }
0x2fe: {  	[tilespmem:s1+$0x100] =	vst v0  }
0x2ff: {  	[tilespmem:s1+$0x110] =	vst v0  }
0x300: {  	[tilespmem:s1+$0x120] =	vst v0  }
0x301: {  	[tilespmem:s1+$0x130] =	vst v0  }
0x302: {  	[tilespmem:s1+$0x140] =	vst v0  }
0x303: {  	[tilespmem:s1+$0x150] =	vst v0  }
0x304: {  	[tilespmem:s1+$0x160] =	vst v0;
	s12 =	simm.s32 $0x0;
	s10 =	rddreg [dreg:$0x9]  }
0x305: {  	[tilespmem:s12], [sflag:$0x7] =	stream.linear.gather [hbm4b:s10+s12], $0x50, $0x38;
	[tilespmem:$0x1E200] =	vst v63  }
0x306: {  	_ =	swait.ge [sflag:s24], $0x50  }
0x307: {  	[sflag:s24] =	ssyncset.done $0x0  }
0x308: {  	[sflag:s24] =	ssyncadd.s32 $0xFFFFFFB0  }
0x309: {  	[spmem:s4] =	stream.indirect.scatter.add.f32 [tilespmem:s28], [sflag:$0x5], $0x80, s12, s26, $0xb8;
	[tilespmem:$0x1E200] =	vst v63  }
0x30a: {  	s14 =	rddreg [dreg:$0xf]  }
0x30b: {  	[tilespmem:s0], [sflag:$0x7] =	stream.linear.gather [hbm4b:s14+s12], $0x50, $0x38;
	[tilespmem:$0x1E200] =	vst v63  }
0x30c: {  	_ =	swait.ge [sflag:s24], $0x50  }
0x30d: {  	[sflag:s24] =	ssyncset.done $0x0  }
0x30e: {  	[sflag:s24] =	ssyncadd.s32 $0xFFFFFFB0  }
0x30f: {  	[spmem:s4] =	stream.indirect.scatter.add.f32 [tilespmem:s28], [sflag:$0x6], $0x80, s0, s26, $0xb8;
	[tilespmem:$0x1E200] =	vst v63  }
0x310: {  	_ =	swait.ge [sflag:s19], $0x2800  }
0x311: {  	[sflag:s19] =	ssyncset.done $0x0  }
0x312: {  	s21 =	sadd.s32 $0x0, s23;
	[sflag:s19] =	ssyncadd.s32 $0xFFFFD800  }
0x313: {  	[tilespmem:s6], [sflag:$0x7] =	stream.linear.gather [hbm4b:s21+s6], $0x50, $0x38;
	[tilespmem:$0x1E200] =	vst v63  }
0x314: {  	_ =	swait.ge [sflag:s24], $0x50  }
0x315: {  	[sflag:s24] =	ssyncset.done $0x0  }
0x316: {  	[sflag:s24] =	ssyncadd.s32 $0xFFFFFFB0  }
0x317: {  	[spmem:s4] =	stream.indirect.scatter.add.f32 [tilespmem:s28], [sflag:$0x5], $0x80, s6, s26, $0xb8;
	[tilespmem:$0x1E200] =	vst v63  }
0x318: {  	_ =	swait.ge [sflag:s20], $0x2800  }
0x319: {  	[sflag:s20] =	ssyncset.done $0x0  }
0x31a: {  	s25 =	sadd.s32 $0x0, s22;
	[sflag:s20] =	ssyncadd.s32 $0xFFFFD800  }
0x31b: {  	[tilespmem:s0], [sflag:$0x7] =	stream.linear.gather [hbm4b:s25+s6], $0x50, $0x38;
	[tilespmem:$0x1E200] =	vst v63  }
0x31c: {  	_ =	swait.ge [sflag:s24], $0x50  }
0x31d: {  	[sflag:s24] =	ssyncset.done $0x0  }
0x31e: {  	s1 =	simm.s32 $0x14;
	[sflag:s24] =	ssyncadd.s32 $0xFFFFFFB0  }
.LBB2_16:
0x31f: {  	[spmem:s4] =	stream.indirect.scatter.add.f32 [tilespmem:s28], [sflag:$0x6], $0x80, s0, s26, $0xb8;
	[tilespmem:$0x1E200] =	vst v63  }
0x320: {  	s10 =	smov.u32 s1  }
0x321: {  	p0 =	sne.s32 s1, $0x258;
	s1 =	sadd.s32 $0x14, s1;
	_ =	swait.ge [sflag:s19], $0x2800  }
0x322: {  	[sflag:s19] =	ssyncset.done $0x0  }
0x323: {  	s12 =	sadd.s32 s10, s23;
	[sflag:s19] =	ssyncadd.s32 $0xFFFFD800  }
0x324: {  	[tilespmem:s6], [sflag:$0x7] =	stream.linear.gather [hbm4b:s12+s6], $0x50, $0x38;
	[tilespmem:$0x1E200] =	vst v63  }
0x325: {  	_ =	swait.ge [sflag:s24], $0x50  }
0x326: {  	[sflag:s24] =	ssyncset.done $0x0  }
0x327: {  	[sflag:s24] =	ssyncadd.s32 $0xFFFFFFB0  }
0x328: {  	[spmem:s4] =	stream.indirect.scatter.add.f32 [tilespmem:s28], [sflag:$0x5], $0x80, s6, s26, $0xb8;
	[tilespmem:$0x1E200] =	vst v63  }
0x329: {  	_ =	swait.ge [sflag:s20], $0x2800  }
0x32a: {  	[sflag:s20] =	ssyncset.done $0x0  }
.Ltmp7:
0x32b: {  	s10 =	sadd.s32 s10, s22;
	[sflag:s20] =	ssyncadd.s32 $0xFFFFD800;
	(pc) =	sbr.rel @p0 .LBB2_16-.Ltmp7, $4  }
0x32c: {  	[tilespmem:s0], [sflag:$0x7] =	stream.linear.gather [hbm4b:s10+s6], $0x50, $0x38;
	[tilespmem:$0x1E200] =	vst v63  }
0x32d: {  	_ =	swait.ge [sflag:s24], $0x50  }
0x32e: {  	[sflag:s24] =	ssyncset.done $0x0  }
0x32f: {  	[sflag:s24] =	ssyncadd.s32 $0xFFFFFFB0  }
0x330: {  	[spmem:s4] =	stream.indirect.scatter.add.f32 [tilespmem:s28], [sflag:$0x6], $0x80, s0, s26, $0xb8;
	[tilespmem:$0x1E200] =	vst v63  }
0x331: {  	_ =	swait.ge [sflag:s19], $0x2800  }
0x332: {  	[sflag:s19] =	ssyncset.done $0x0  }
0x333: {  	[sflag:s19] =	ssyncadd.s32 $0xFFFFD800  }
0x334: {  	_ =	swait.ge [sflag:s20], $0x2800  }
0x335: {  	[sflag:s20] =	ssyncset.done $0x0  }
0x336: {  	[sflag:s20] =	ssyncadd.s32 $0xFFFFD800  }
0x337: {  	[bflag:$0x0] =	sbarrier.arrive $0xFFFF  }
0x338: {  	s1 =	rddreg [dreg:$0xd]  }
0x339: {  	s10 =	rddreg [dreg:$0x11]  }
0x33a: {  	[hbm:s1], [sflag:s13] =	dma.local [spmem:s10], $0x2800  }
0x33b: {  	_ =	swait.ge [sflag:s24], $0x2800  }
0x33c: {  	s21 =	rddreg [dreg:$0x10]  }
0x33d: {  	s25 =	rddreg [dreg:$0xe];
	s10 =	sadd.s32 $0x1, s21  }
0x33e: {  	p0 =	sne.s32 s10, s25  }
.Ltmp8:
0x33f: {  	_ = 	snop;
	(pc) =	sbr.rel @p0 .LBB2_1-.Ltmp8, $3  }
0x340: {  	[sflag:s24] =	ssyncset.done $0x0  }
0x341: {  	[sflag:s24] =	ssyncadd.s32 $0xFFFFD800  }
0x342: {  	[bflag:$0x0] =	sbarrier.arrive $0xFFFF;
	_ =	sdelay $0x1  }
0x343: {  	_ =	sfence.sel $0x180000  }
0x344: {  	[bflag:$0x0] =	sbarrier.arrive $0xFFFF  }
0x345: {  	_ =	strace $0x90000047  }
0x346: {  	s0 =	stileid.u32;
	[bflag:$0x2] =	sbarrier.arrive $0xFFFF  }
0x347: {  	p0 =	sne.s32 s0, $0x0;
	s0 =	rddreg [dreg:$0x5]  }
0x348: {  	s0 =	sadd.s32 @!p0 $0x100000, s0  }
0x349: {  	[sflag:s0] =	ssyncadd.tile.s32 @!p0 $0x1;
	_ =	shalt  }
.Lfunc_end2:
_tile_overlayer_lowered:
.L_overlay_start_2:
0x34a: {  	(tag) =	ssettag $0x2  }
0x34b: {  	s0 =	rddreg [dreg:$0x0];
	s2 =	stileid.u32  }
0x34c: {  	s1 =	rddreg [dreg:$0x1];
	p0 =	sne.s32 s2, $0x0  }
0x34d: {  	s3 =	rddreg [dreg:$0x2];
	[bflag:$0x3] =	sbarrier.arrive $0xFFFF;
	s2 =	simm.s32 @!p0 $0x1C07  }
0x34e: {  	[timem:s3], [sflag:s2] =	dma.local @!p0 [hbm:s0], s1  }
0x34f: {  	s0 =	simm.s32 @!p0 $0x7  }
0x350: {  	_ =	swait.ge @!p0 [sflag:s0], s1  }
0x351: {  	s1 =	ssub.s32 @!p0 $0x0, s1;
	[sflag:s0] =	ssyncset.done @!p0 $0x0  }
0x352: {  	[sflag:s0] =	ssyncadd.s32 @!p0 s1  }
0x353: {  	[bflag:$0x3] =	sbarrier.arrive $0xFFFF  }
0x354: {  	_ =	shalt  }

</sc_bundles>
